<compile_context>
chip_gen: v7x
topology: tpu7x:2x2x1
jax: 0.10.2.dev20260603
libtpu: 0.0.44.dev20260713+nightly
codegen_flags: <defaults>
</compile_context>

<pallas_src>
import functools

import jax
import jax.numpy as jnp
from jax import lax
from jax.experimental import pallas as pl
from jax.experimental.pallas import tpu as pltpu
from jax.experimental.pallas import tpu_sc as plsc

N_NODES = 10000
IN_C = 128
OUT_C = 64

NC = 2
NS = 16
NW = NC * NS
L = 16

K = 128
ROWS_PER_TILE = 640
SPAD = ROWS_PER_TILE * NS
TRASH = N_NODES
NTRASH = SPAD - N_NODES
PSUM_W = 2 * OUT_C


def _mm_body(x_ref, w_ref, o_ref):
    o_ref[...] = jnp.dot(x_ref[...], w_ref[...],
                         preferred_element_type=jnp.float32)


def _matmul(x, W):
    blk = 2000
    grid = N_NODES // blk
    return pl.pallas_call(
        _mm_body,
        grid=(grid,),
        in_specs=[
            pl.BlockSpec((blk, IN_C), lambda i: (i, 0)),
            pl.BlockSpec((IN_C, OUT_C), lambda i: (0, 0)),
        ],
        out_specs=pl.BlockSpec((blk, OUT_C), lambda i: (i, 0)),
        out_shape=jax.ShapeDtypeStruct((N_NODES, OUT_C), jnp.float32),
    )(x, W)


def _fin_body(p0_ref, p1_ref, c0_ref, c1_ref, h_ref, b_ref, o_ref):
    s = p0_ref[:, :OUT_C] + p1_ref[:, :OUT_C] + h_ref[...]
    cnt = c0_ref[...] + c1_ref[...] + 1.0
    res = jnp.maximum(s / cnt[:, None] + b_ref[...], 0.0)
    o_ref[...] = res.T


def _finalize(psum, pcnt, h, bias2d):
    blk = 1024
    grid = (N_NODES + blk - 1) // blk
    nb1 = SPAD // blk
    return pl.pallas_call(
        _fin_body,
        grid=(grid,),
        in_specs=[
            pl.BlockSpec((blk, PSUM_W), lambda i: (i, 0)),
            pl.BlockSpec((blk, PSUM_W), lambda i: (i + nb1, 0)),
            pl.BlockSpec((blk,), lambda i: (i,)),
            pl.BlockSpec((blk,), lambda i: (i + nb1,)),
            pl.BlockSpec((blk, OUT_C), lambda i: (i, 0)),
            pl.BlockSpec((1, OUT_C), lambda i: (0, 0)),
        ],
        out_specs=pl.BlockSpec((OUT_C, blk), lambda i: (0, i)),
        out_shape=jax.ShapeDtypeStruct((OUT_C, N_NODES), jnp.float32),
    )(psum, psum, pcnt, pcnt, h, bias2d).T


NBUF = 8
AHEAD = 6


def _make_sc_aggregate(n_edges):
    assert n_edges % NW == 0
    epw = n_edges // NW
    assert epw % 8 == 0
    cpw = ((epw + K * NBUF - 1) // (K * NBUF)) * NBUF
    assert cpw >= 2 * NBUF
    n_groups = cpw // NBUF
    nfc, tail = divmod(epw, K)
    assert tail % 8 == 0 and epw % L == 0
    mesh = plsc.VectorSubcoreMesh(core_axis_name="c", subcore_axis_name="s")

    @functools.partial(
        pl.kernel,
        out_type=[
            jax.ShapeDtypeStruct((NC * SPAD, PSUM_W), jnp.float32),
            jax.ShapeDtypeStruct((NC * SPAD,), jnp.float32),
        ],
        mesh=mesh,
        compiler_params=pltpu.CompilerParams(use_tc_tiling_on_sc=False),
        scratch_types=[
            pltpu.VMEM((cpw * K,), jnp.int32),
            pltpu.VMEM((cpw, K), jnp.int32),
            [pltpu.VMEM((K, OUT_C), jnp.float32) for _ in range(NBUF)],
            pltpu.VMEM((K,), jnp.float32),
            pltpu.VMEM((640,), jnp.float32),
            pltpu.VMEM_SHARED((SPAD, OUT_C), jnp.float32),
            pltpu.VMEM_SHARED((SPAD,), jnp.float32),
            pltpu.SemaphoreType.DMA,
            [pltpu.SemaphoreType.DMA for _ in range(NBUF)],
            [pltpu.SemaphoreType.DMA for _ in range(NBUF)],
            [pltpu.SemaphoreType.DMA for _ in range(NBUF)],
        ],
    )
    def sc_aggregate(adj_hbm, h_hbm, psum_hbm, pcnt_hbm,
                     src_all, dstp_all, rows, ones_v, zcnt_v,
                     ssum, scnt, stsem, gsems, ssems, csems):
        src_hbm = adj_hbm.at[0]
        dst_hbm = adj_hbm.at[1]
        cid = lax.axis_index("c")
        sid = lax.axis_index("s")
        wid = sid * NC + cid

        zero16 = jnp.zeros((L,), jnp.float32)
        one16 = jnp.full((L,), 1.0, jnp.float32)
        lanes = lax.iota(jnp.int32, L)
        sub = K // L

        ebase = wid * epw
        src_stage_desc = pltpu.async_copy(src_hbm.at[pl.ds(ebase, epw)],
                                          src_all.at[pl.ds(0, epw)], stsem)

        def stage_dst(ch, _):
            pltpu.async_copy(dst_hbm.at[pl.ds(ebase + ch * K, K)],
                             dstp_all.at[ch], stsem)
            return 0
        lax.fori_loop(0, nfc, stage_dst, 0)
        if tail:
            pltpu.async_copy(dst_hbm.at[pl.ds(ebase + nfc * K, tail)],
                             dstp_all.at[nfc, pl.ds(0, tail)], stsem)

        def fill_ones(i, _):
            ones_v[pl.ds(i * L, L)] = one16
            return 0
        lax.fori_loop(0, K // L, fill_ones, 0)

        n_slots = cpw * K
        for t in range(epw // L, n_slots // L):
            src_all[pl.ds(t * L, L)] = (lanes * 613 + t * 97) % N_NODES
            ch, i = divmod(t, sub)
            dstp_all[ch, pl.ds(i * L, L)] = (
                TRASH + (t % (NTRASH // L)) * L + lanes)

        src_stage_desc.wait()

        def drain_dst(ch, _):
            pltpu.make_async_copy(dst_hbm.at[pl.ds(0, K)],
                                  dstp_all.at[0], stsem).wait()
            return 0
        lax.fori_loop(0, nfc, drain_dst, 0)
        if tail:
            pltpu.make_async_copy(dst_hbm.at[pl.ds(0, tail)],
                                  dstp_all.at[0, pl.ds(0, tail)], stsem).wait()

        def mk(t, _):
            ch = t // sub
            i = t % sub
            sv = src_all[pl.ds(t * L, L)]
            dv = dstp_all[ch, pl.ds(i * L, L)]
            trash = TRASH + (t % (NTRASH // L)) * L + lanes
            dstp_all[ch, pl.ds(i * L, L)] = jnp.where(sv == dv, trash, dv)
            return 0
        lax.fori_loop(0, epw // L, mk, 0)

        zsub = OUT_C // L

        def zb(t, _):
            rows[0][t // zsub, pl.ds((t % zsub) * L, L)] = zero16
            return 0
        lax.fori_loop(0, K * zsub, zb, 0)

        def zc(i, _):
            zcnt_v[pl.ds(i * L, L)] = zero16
            return 0
        lax.fori_loop(0, 640 // L, zc, 0)

        rbase = sid * ROWS_PER_TILE
        nfull, rem = divmod(ROWS_PER_TILE, K)
        for t in range(nfull):
            pltpu.sync_copy(rows[0], ssum.at[pl.ds(rbase + t * K, K)])
        if rem:
            pltpu.sync_copy(rows[0].at[pl.ds(0, rem)],
                            ssum.at[pl.ds(rbase + nfull * K, rem)])
        pltpu.sync_copy(zcnt_v.at[pl.ds(0, ROWS_PER_TILE)],
                        scnt.at[pl.ds(rbase, ROWS_PER_TILE)])
        plsc.subcore_barrier()

        def issue_gather(ch, b):
            pltpu.async_copy(h_hbm.at[src_all.at[pl.ds(ch * K, K)]],
                             rows[b], gsems[b])

        def wait_gather(b):
            pltpu.make_async_copy(h_hbm.at[src_all.at[pl.ds(0, K)]], rows[b],
                                  gsems[b]).wait()

        def issue_scatters(ch, b):
            pltpu.async_copy(rows[b], ssum.at[dstp_all.at[ch]], ssems[b],
                             add=True)
            pltpu.async_copy(ones_v, scnt.at[dstp_all.at[ch]], csems[b],
                             add=True)

        def wait_scatters(b):
            pltpu.make_async_copy(rows[b], ssum.at[dstp_all.at[0]],
                                  ssems[b]).wait()
            pltpu.make_async_copy(ones_v, scnt.at[dstp_all.at[0]],
                                  csems[b]).wait()

        for b in range(AHEAD):
            issue_gather(b, b)

        for b in range(NBUF):
            bg = (b + AHEAD) % NBUF
            if b >= NBUF - AHEAD:
                wait_scatters(bg)
            issue_gather(b + AHEAD, bg)
            wait_gather(b)
            issue_scatters(b, b)

        def group(g, _):
            base = g * NBUF
            for b in range(NBUF):
                bg = (b + AHEAD) % NBUF
                wait_scatters(bg)
                issue_gather(base + b + AHEAD, bg)
                wait_gather(b)
                issue_scatters(base + b, b)
            return 0
        lax.fori_loop(1, n_groups - 1, group, 0)

        tbase = (n_groups - 1) * NBUF
        for b in range(NBUF):
            if b < NBUF - AHEAD:
                bg = (b + AHEAD) % NBUF
                wait_scatters(bg)
                issue_gather(tbase + b + AHEAD, bg)
            wait_gather(b)
            issue_scatters(tbase + b, b)

        for b in range(NBUF):
            wait_scatters(b)

        plsc.subcore_barrier()
        obase = cid * SPAD + rbase
        pltpu.sync_copy(ssum.at[pl.ds(rbase, ROWS_PER_TILE)],
                        psum_hbm.at[pl.ds(obase, ROWS_PER_TILE),
                                    pl.ds(0, OUT_C)])
        pltpu.sync_copy(scnt.at[pl.ds(rbase, ROWS_PER_TILE)],
                        pcnt_hbm.at[pl.ds(obase, ROWS_PER_TILE)])

    return sc_aggregate


def kernel(x, W, u, c, bias, adj):
    del u, c
    h = _matmul(x, W)

    psum, pcnt = _make_sc_aggregate(adj.shape[1])(adj, h)

    return _finalize(psum, pcnt, h, bias.reshape(1, OUT_C))

# --- scband reference (transcript-rebuilt; emitter-appended) ---
"""Pipeline reference for scband-fea-st1-50371376447896 (READ-ONLY COPY).

The authoritative reference and input builder live on the scoring server;
editing this copy changes nothing except your own understanding.
"""

import jax, jax.numpy as jnp
import numpy as np

N_NODES = 10000
N_EDGES = 320000
IN_C = 128
OUT_C = 64
HEADS = 1


def setup_inputs(seed: int = 0) -> dict:
    key = jax.random.key(seed)
    k1, k2, k3, k4, k5 = jax.random.split(key, 5)
    x = jax.random.normal(k1, (N_NODES, IN_C), dtype=jnp.float32)
    adj = jax.random.randint(k2, (2, N_EDGES), 0, N_NODES, dtype=jnp.int32)
    # FeaStConv learned parameters (heads=1 default in PyG FeaStConv)
    W = jax.random.normal(k3, (IN_C, HEADS * OUT_C), dtype=jnp.float32) * (1.0 / np.sqrt(IN_C))
    u = jax.random.normal(k4, (IN_C, HEADS), dtype=jnp.float32) * (1.0 / np.sqrt(IN_C))
    c = jax.random.normal(k5, (HEADS,), dtype=jnp.float32) * 0.01
    bias = jnp.zeros((OUT_C,), dtype=jnp.float32)
    return {"x": x, "W": W, "u": u, "c": c, "bias": bias, "adj": adj}


def _remove_then_add_self_loops(adj, num_nodes):
    # Faithful to PyG FeaStConv default add_self_loops=True:
    # existing self loops are flagged via a fixed-shape mask (their
    # contributions are zeroed downstream), and one self loop per node
    # is accounted for analytically in the aggregation.
    src = adj[0]
    dst = adj[1]
    mask = src != dst
    return src, dst, mask


def _feast_conv(x, src, dst, mask, W, u, c, bias, num_nodes):
    # message: q = softmax((x_j - x_i) @ u + c, axis=heads)
    #          m = sum_h q_h * (x_j @ W_h)
    # aggregate: mean over destination node
    x_j = x[src]
    x_i = x[dst]
    q = jax.nn.softmax((x_j - x_i) @ u + c, axis=1)  # [E, H] (all ones for H=1)
    msg = (x_j @ W).reshape(-1, HEADS, OUT_C)
    msg = (msg * q[:, :, None]).sum(axis=1)  # [E, OUT_C]
    msg = jnp.where(mask[:, None], msg, 0.0)
    summed = jax.ops.segment_sum(msg, dst, num_segments=num_nodes)
    cnt = jax.ops.segment_sum(mask.astype(jnp.float32), dst, num_segments=num_nodes)
    # Self loop per node: x_j - x_i == 0, so q = softmax(c); message = x @ W.
    loop_q = jax.nn.softmax(c)  # [H]
    loop_msg = ((x @ W).reshape(-1, HEADS, OUT_C) * loop_q[None, :, None]).sum(axis=1)
    summed = summed + loop_msg
    cnt = cnt + 1.0
    out = summed / jnp.clip(cnt, 1.0, None)[:, None]
    return out + bias


def reference(x, W, u, c, bias, adj):
    src, dst, mask = _remove_then_add_self_loops(adj, x.shape[0])
    out = _feast_conv(x, src, dst, mask, W, u, c, bias, x.shape[0])
    return jax.nn.relu(out)

if __name__ == "__main__":
    import jax
    _d = setup_inputs()
    print(jax.jit(kernel)(*tuple(_d.values())))

</pallas_src>

<mosaic_0001>
#map = affine_map<(d0, d1) -> (0, 0)>
#map1 = affine_map<(d0, d1) -> (0)>
module attributes {stable_mosaic.version = 14 : i64} {
  func.func @sc_aggregate(%arg0: i32, %arg1: i32, %arg2: memref<2x320000xi32, #tpu.memory_space<hbm>>, %arg3: memref<10000x64xf32, #tpu.memory_space<hbm>>, %arg4: memref<20480x128xf32, #tpu.memory_space<hbm>>, %arg5: memref<20480xf32, #tpu.memory_space<hbm>>, %arg6: memref<10240xi32, #tpu.memory_space<vmem>>, %arg7: memref<80x128xi32, #tpu.memory_space<vmem>>, %arg8: memref<128x64xf32, #tpu.memory_space<vmem>>, %arg9: memref<128x64xf32, #tpu.memory_space<vmem>>, %arg10: memref<128x64xf32, #tpu.memory_space<vmem>>, %arg11: memref<128x64xf32, #tpu.memory_space<vmem>>, %arg12: memref<128x64xf32, #tpu.memory_space<vmem>>, %arg13: memref<128x64xf32, #tpu.memory_space<vmem>>, %arg14: memref<128x64xf32, #tpu.memory_space<vmem>>, %arg15: memref<128x64xf32, #tpu.memory_space<vmem>>, %arg16: memref<128xf32, #tpu.memory_space<vmem>>, %arg17: memref<640xf32, #tpu.memory_space<vmem>>, %arg18: memref<10240x64xf32, #tpu.memory_space<vmem_shared>>, %arg19: memref<10240xf32, #tpu.memory_space<vmem_shared>>, %arg20: memref<!tpu.dma_semaphore, #tpu.memory_space<semaphore_mem>>, %arg21: memref<!tpu.dma_semaphore, #tpu.memory_space<semaphore_mem>>, %arg22: memref<!tpu.dma_semaphore, #tpu.memory_space<semaphore_mem>>, %arg23: memref<!tpu.dma_semaphore, #tpu.memory_space<semaphore_mem>>, %arg24: memref<!tpu.dma_semaphore, #tpu.memory_space<semaphore_mem>>, %arg25: memref<!tpu.dma_semaphore, #tpu.memory_space<semaphore_mem>>, %arg26: memref<!tpu.dma_semaphore, #tpu.memory_space<semaphore_mem>>, %arg27: memref<!tpu.dma_semaphore, #tpu.memory_space<semaphore_mem>>, %arg28: memref<!tpu.dma_semaphore, #tpu.memory_space<semaphore_mem>>, %arg29: memref<!tpu.dma_semaphore, #tpu.memory_space<semaphore_mem>>, %arg30: memref<!tpu.dma_semaphore, #tpu.memory_space<semaphore_mem>>, %arg31: memref<!tpu.dma_semaphore, #tpu.memory_space<semaphore_mem>>, %arg32: memref<!tpu.dma_semaphore, #tpu.memory_space<semaphore_mem>>, %arg33: memref<!tpu.dma_semaphore, #tpu.memory_space<semaphore_mem>>, %arg34: memref<!tpu.dma_semaphore, #tpu.memory_space<semaphore_mem>>, %arg35: memref<!tpu.dma_semaphore, #tpu.memory_space<semaphore_mem>>, %arg36: memref<!tpu.dma_semaphore, #tpu.memory_space<semaphore_mem>>, %arg37: memref<!tpu.dma_semaphore, #tpu.memory_space<semaphore_mem>>, %arg38: memref<!tpu.dma_semaphore, #tpu.memory_space<semaphore_mem>>, %arg39: memref<!tpu.dma_semaphore, #tpu.memory_space<semaphore_mem>>, %arg40: memref<!tpu.dma_semaphore, #tpu.memory_space<semaphore_mem>>, %arg41: memref<!tpu.dma_semaphore, #tpu.memory_space<semaphore_mem>>, %arg42: memref<!tpu.dma_semaphore, #tpu.memory_space<semaphore_mem>>, %arg43: memref<!tpu.dma_semaphore, #tpu.memory_space<semaphore_mem>>, %arg44: memref<!tpu.dma_semaphore, #tpu.memory_space<semaphore_mem>>) attributes {dimension_semantics = [#tpu.dimension_semantics<core_parallel>, #tpu.dimension_semantics<subcore_parallel>], iteration_bounds = array<i64: 2, 16>, scalar_prefetch = 0 : i64, scratch_operands = 39 : i64, tpu.core_type = #tpu.core_type<sc_vector_subcore>, window_params = [{transform_indices = #map}, {transform_indices = #map}, {transform_indices = #map}, {transform_indices = #map1}]} {
    %mul3A = arith.constant 2 : i32
    %mul3A_0 = arith.muli %arg1, %mul3A : i32
    %add3A = arith.addi %mul3A_0, %arg0 : i32
    %broadcast_in_dim3A = arith.constant 0.000000e+00 : f32
    %broadcast_in_dim3A_1 = vector.broadcast %broadcast_in_dim3A : f32 to vector<16xf32>
    %broadcast_in_dim3A_2 = arith.constant 1.000000e+00 : f32
    %broadcast_in_dim3A_3 = vector.broadcast %broadcast_in_dim3A_2 : f32 to vector<16xf32>
    %iota3A = tpu.iota {dimensions = array<i32: 0>} : vector<16xi32>
    %mul3A_4 = arith.constant 10000 : i32
    %mul3A_5 = arith.muli %add3A, %mul3A_4 : i32
    %dma_start3A = arith.constant 0 : i32
    %dma_start3A_6 = arith.constant 0 : i32
    %dma_start3A_7 = tpu.memref_slice %arg6[%dma_start3A_6] : memref<10240xi32, #tpu.memory_space<vmem>> -> memref<10000xi32, #tpu.memory_space<vmem>>
    %dma_start3A_8 = arith.constant 0 : i32
    %dma_start3A_9 = tpu.memref_slice %arg2[%dma_start3A, %dma_start3A_8] : memref<2x320000xi32, #tpu.memory_space<hbm>> -> memref<1x320000xi32, #tpu.memory_space<hbm>>
    %dma_start3A_10 = tpu.memref_squeeze %dma_start3A_9 : memref<1x320000xi32, #tpu.memory_space<hbm>> -> memref<320000xi32, #tpu.memory_space<hbm>>
    %dma_start3A_11 = tpu.memref_slice %dma_start3A_10[%mul3A_5] : memref<320000xi32, #tpu.memory_space<hbm>> -> memref<10000xi32, #tpu.memory_space<hbm>>
    %dma_start3A_12 = arith.constant 0 : i32
    %dma_start3A_13 = tpu.memref_slice %arg6[%dma_start3A_12] : memref<10240xi32, #tpu.memory_space<vmem>> -> memref<10000xi32, #tpu.memory_space<vmem>>
    %dma_start3A_14 = arith.constant 0 : i32
    %dma_start3A_15 = tpu.memref_slice %arg2[%dma_start3A, %dma_start3A_14] : memref<2x320000xi32, #tpu.memory_space<hbm>> -> memref<1x320000xi32, #tpu.memory_space<hbm>>
    %dma_start3A_16 = tpu.memref_squeeze %dma_start3A_15 : memref<1x320000xi32, #tpu.memory_space<hbm>> -> memref<320000xi32, #tpu.memory_space<hbm>>
    %dma_start3A_17 = tpu.memref_slice %dma_start3A_16[%mul3A_5] : memref<320000xi32, #tpu.memory_space<hbm>> -> memref<10000xi32, #tpu.memory_space<hbm>>
    tpu.enqueue_dma source(%dma_start3A_17 : memref<10000xi32, #tpu.memory_space<hbm>>) target(%dma_start3A_13 : memref<10000xi32, #tpu.memory_space<vmem>>) target_semaphore(%arg20 : memref<!tpu.dma_semaphore, #tpu.memory_space<semaphore_mem>>)
    %scan3A = arith.constant 1 : i32
    %scan3A_18 = arith.constant 0 : i32
    %scan3A_19 = arith.constant 0 : i32
    %scan3A_20 = arith.constant 78 : i32
    %scan3A_21 = arith.addi %scan3A_19, %scan3A_20 : i32
    %scan3A_22 = arith.constant 1 : i32
    %scan3A_23 = scf.for %scan3A_1315 = %scan3A_19 to %scan3A_21 step %scan3A_22 iter_args(%scan3A_1316 = %scan3A_18) -> (i32)  : i32 {
      %mul3A_1317 = arith.constant 128 : i32
      %mul3A_1318 = arith.muli %scan3A_1315, %mul3A_1317 : i32
      %add3A_1319 = arith.addi %mul3A_5, %mul3A_1318 : i32
      %dma_start3A_1320 = arith.constant 0 : i32
      %dma_start3A_1321 = tpu.memref_slice %arg7[%scan3A_1315, %dma_start3A_1320] : memref<80x128xi32, #tpu.memory_space<vmem>> -> memref<1x128xi32, #tpu.memory_space<vmem>>
      %dma_start3A_1322 = tpu.memref_squeeze %dma_start3A_1321 : memref<1x128xi32, #tpu.memory_space<vmem>> -> memref<128xi32, #tpu.memory_space<vmem>>
      %dma_start3A_1323 = arith.constant 0 : i32
      %dma_start3A_1324 = tpu.memref_slice %arg2[%scan3A, %dma_start3A_1323] : memref<2x320000xi32, #tpu.memory_space<hbm>> -> memref<1x320000xi32, #tpu.memory_space<hbm>>
      %dma_start3A_1325 = tpu.memref_squeeze %dma_start3A_1324 : memref<1x320000xi32, #tpu.memory_space<hbm>> -> memref<320000xi32, #tpu.memory_space<hbm>>
      %dma_start3A_1326 = tpu.memref_slice %dma_start3A_1325[%add3A_1319] : memref<320000xi32, #tpu.memory_space<hbm>> -> memref<128xi32, #tpu.memory_space<hbm>>
      %dma_start3A_1327 = arith.constant 0 : i32
      %dma_start3A_1328 = tpu.memref_slice %arg7[%scan3A_1315, %dma_start3A_1327] : memref<80x128xi32, #tpu.memory_space<vmem>> -> memref<1x128xi32, #tpu.memory_space<vmem>>
      %dma_start3A_1329 = tpu.memref_squeeze %dma_start3A_1328 : memref<1x128xi32, #tpu.memory_space<vmem>> -> memref<128xi32, #tpu.memory_space<vmem>>
      %dma_start3A_1330 = arith.constant 0 : i32
      %dma_start3A_1331 = tpu.memref_slice %arg2[%scan3A, %dma_start3A_1330] : memref<2x320000xi32, #tpu.memory_space<hbm>> -> memref<1x320000xi32, #tpu.memory_space<hbm>>
      %dma_start3A_1332 = tpu.memref_squeeze %dma_start3A_1331 : memref<1x320000xi32, #tpu.memory_space<hbm>> -> memref<320000xi32, #tpu.memory_space<hbm>>
      %dma_start3A_1333 = tpu.memref_slice %dma_start3A_1332[%add3A_1319] : memref<320000xi32, #tpu.memory_space<hbm>> -> memref<128xi32, #tpu.memory_space<hbm>>
      tpu.enqueue_dma source(%dma_start3A_1333 : memref<128xi32, #tpu.memory_space<hbm>>) target(%dma_start3A_1329 : memref<128xi32, #tpu.memory_space<vmem>>) target_semaphore(%arg20 : memref<!tpu.dma_semaphore, #tpu.memory_space<semaphore_mem>>)
      %scan3A_1334 = arith.constant 0 : i32
      scf.yield %scan3A_1334 : i32
    }
    %scan3A_24 = arith.constant 78 : i32
    %add3A_25 = arith.constant 9984 : i32
    %add3A_26 = arith.addi %mul3A_5, %add3A_25 : i32
    %dma_start3A_27 = arith.constant 1 : i32
    %dma_start3A_28 = arith.constant 78 : i32
    %dma_start3A_29 = arith.constant 0 : i32
    %dma_start3A_30 = tpu.memref_slice %arg7[%dma_start3A_28, %dma_start3A_29] : memref<80x128xi32, #tpu.memory_space<vmem>> -> memref<1x16xi32, #tpu.memory_space<vmem>>
    %dma_start3A_31 = tpu.memref_squeeze %dma_start3A_30 : memref<1x16xi32, #tpu.memory_space<vmem>> -> memref<16xi32, #tpu.memory_space<vmem>>
    %dma_start3A_32 = arith.constant 0 : i32
    %dma_start3A_33 = tpu.memref_slice %arg2[%dma_start3A_27, %dma_start3A_32] : memref<2x320000xi32, #tpu.memory_space<hbm>> -> memref<1x320000xi32, #tpu.memory_space<hbm>>
    %dma_start3A_34 = tpu.memref_squeeze %dma_start3A_33 : memref<1x320000xi32, #tpu.memory_space<hbm>> -> memref<320000xi32, #tpu.memory_space<hbm>>
    %dma_start3A_35 = tpu.memref_slice %dma_start3A_34[%add3A_26] : memref<320000xi32, #tpu.memory_space<hbm>> -> memref<16xi32, #tpu.memory_space<hbm>>
    %dma_start3A_36 = arith.constant 0 : i32
    %dma_start3A_37 = tpu.memref_slice %arg7[%dma_start3A_28, %dma_start3A_36] : memref<80x128xi32, #tpu.memory_space<vmem>> -> memref<1x16xi32, #tpu.memory_space<vmem>>
    %dma_start3A_38 = tpu.memref_squeeze %dma_start3A_37 : memref<1x16xi32, #tpu.memory_space<vmem>> -> memref<16xi32, #tpu.memory_space<vmem>>
    %dma_start3A_39 = arith.constant 0 : i32
    %dma_start3A_40 = tpu.memref_slice %arg2[%dma_start3A_27, %dma_start3A_39] : memref<2x320000xi32, #tpu.memory_space<hbm>> -> memref<1x320000xi32, #tpu.memory_space<hbm>>
    %dma_start3A_41 = tpu.memref_squeeze %dma_start3A_40 : memref<1x320000xi32, #tpu.memory_space<hbm>> -> memref<320000xi32, #tpu.memory_space<hbm>>
    %dma_start3A_42 = tpu.memref_slice %dma_start3A_41[%add3A_26] : memref<320000xi32, #tpu.memory_space<hbm>> -> memref<16xi32, #tpu.memory_space<hbm>>
    tpu.enqueue_dma source(%dma_start3A_42 : memref<16xi32, #tpu.memory_space<hbm>>) target(%dma_start3A_38 : memref<16xi32, #tpu.memory_space<vmem>>) target_semaphore(%arg20 : memref<!tpu.dma_semaphore, #tpu.memory_space<semaphore_mem>>)
    %scan3A_43 = arith.constant 0 : i32
    %scan3A_44 = arith.constant 0 : i32
    %scan3A_45 = arith.constant 8 : i32
    %scan3A_46 = arith.addi %scan3A_44, %scan3A_45 : i32
    %scan3A_47 = arith.constant 1 : i32
    %scan3A_48 = scf.for %scan3A_1315 = %scan3A_44 to %scan3A_46 step %scan3A_47 iter_args(%scan3A_1316 = %scan3A_43) -> (i32)  : i32 {
      %mul3A_1317 = arith.constant 16 : i32
      %mul3A_1318 = arith.muli %scan3A_1315, %mul3A_1317 : i32
      %swap3A_1319 = arith.index_cast %mul3A_1318 : i32 to index
      %swap3A_1320 = tpu.vector_load %arg16[%swap3A_1319] {strides = array<i32>} : memref<128xf32, #tpu.memory_space<vmem>>, vector<16xf32>,
      %swap3A_1321 = vector.shape_cast %swap3A_1320 : vector<16xf32> to vector<16xf32>
      %swap3A_1322 = vector.shape_cast %broadcast_in_dim3A_3 : vector<16xf32> to vector<16xf32>
      tpu.vector_store %arg16[%swap3A_1319], %swap3A_1322 {strides = array<i32>} : memref<128xf32, #tpu.memory_space<vmem>>, vector<16xf32>,
      %scan3A_1323 = arith.constant 0 : i32
      scf.yield %scan3A_1323 : i32
    }
    %scan3A_49 = arith.constant 8 : i32
    %mul3A_50 = arith.constant 613 : i32
    %mul3A_51 = vector.broadcast %mul3A_50 : i32 to vector<16xi32>
    %mul3A_52 = arith.muli %iota3A, %mul3A_51 : vector<16xi32>
    %add3A_53 = arith.constant 60625 : i32
    %add3A_54 = vector.broadcast %add3A_53 : i32 to vector<16xi32>
    %add3A_55 = arith.addi %mul3A_52, %add3A_54 : vector<16xi32>
    %jit3A = arith.constant 10000 : i32
    %eq3A = arith.constant 0 : i32
    %eq3A_56 = arith.cmpi eq, %jit3A, %eq3A : i32
    %jit3A_57 = arith.constant 1 : i32
    %select_n3A = arith.select %eq3A_56, %jit3A_57, %jit3A : i32
    %rem3A = vector.broadcast %select_n3A : i32 to vector<16xi32>
    %rem3A_58 = arith.remsi %add3A_55, %rem3A : vector<16xi32>
    %ne3A = arith.constant 0 : i32
    %ne3A_59 = vector.broadcast %ne3A : i32 to vector<16xi32>
    %ne3A_60 = arith.cmpi ne, %rem3A_58, %ne3A_59 : vector<16xi32>
    %lt3A = arith.constant 0 : i32
    %lt3A_61 = vector.broadcast %lt3A : i32 to vector<16xi32>
    %lt3A_62 = arith.cmpi slt, %rem3A_58, %lt3A_61 : vector<16xi32>
    %lt3A_63 = arith.constant 0 : i32
    %lt3A_64 = arith.cmpi slt, %select_n3A, %lt3A_63 : i32
    %ne3A_65 = vector.broadcast %lt3A_64 : i1 to vector<16xi1>
    %ne3A_66 = vector.broadcast %ne3A_65 : vector<16xi1> to vector<16xi1>
    %ne3A_67 = arith.xori %lt3A_62, %ne3A_66 : vector<16xi1>
    %and3A = arith.andi %ne3A_67, %ne3A_60 : vector<16xi1>
    %add3A_68 = vector.broadcast %select_n3A : i32 to vector<16xi32>
    %add3A_69 = arith.addi %rem3A_58, %add3A_68 : vector<16xi32>
    %select_n3A_70 = arith.select %and3A, %add3A_69, %rem3A_58 : vector<16xi1>, vector<16xi32>
    %swap3A = arith.constant 10000 : index
    %swap3A_71 = tpu.vector_load %arg6[%swap3A] {strides = array<i32>} : memref<10240xi32, #tpu.memory_space<vmem>>, vector<16xi32>,
    %swap3A_72 = vector.shape_cast %swap3A_71 : vector<16xi32> to vector<16xi32>
    %swap3A_73 = vector.shape_cast %select_n3A_70 : vector<16xi32> to vector<16xi32>
    tpu.vector_store %arg6[%swap3A], %swap3A_73 {strides = array<i32>} : memref<10240xi32, #tpu.memory_space<vmem>>, vector<16xi32>,
    %add3A_74 = arith.constant 10160 : i32
    %add3A_75 = vector.broadcast %add3A_74 : i32 to vector<16xi32>
    %add3A_76 = arith.addi %add3A_75, %iota3A : vector<16xi32>
    %swap3A_77 = arith.constant 78 : i32
    %swap3A_78 = arith.index_cast %swap3A_77 : i32 to index
    %swap3A_79 = arith.constant 16 : index
    %swap3A_80 = tpu.vector_load %arg7[%swap3A_78, %swap3A_79] {strides = array<i32>} : memref<80x128xi32, #tpu.memory_space<vmem>>, vector<1x16xi32>,
    %swap3A_81 = vector.shape_cast %swap3A_80 : vector<1x16xi32> to vector<16xi32>
    %swap3A_82 = vector.shape_cast %add3A_76 : vector<16xi32> to vector<1x16xi32>
    tpu.vector_store %arg7[%swap3A_78, %swap3A_79], %swap3A_82 {strides = array<i32>} : memref<80x128xi32, #tpu.memory_space<vmem>>, vector<1x16xi32>,
    %mul3A_83 = arith.constant 613 : i32
    %mul3A_84 = vector.broadcast %mul3A_83 : i32 to vector<16xi32>
    %mul3A_85 = arith.muli %iota3A, %mul3A_84 : vector<16xi32>
    %add3A_86 = arith.constant 60722 : i32
    %add3A_87 = vector.broadcast %add3A_86 : i32 to vector<16xi32>
    %add3A_88 = arith.addi %mul3A_85, %add3A_87 : vector<16xi32>
    %jit3A_89 = arith.constant 10000 : i32
    %eq3A_90 = arith.constant 0 : i32
    %eq3A_91 = arith.cmpi eq, %jit3A_89, %eq3A_90 : i32
    %jit3A_92 = arith.constant 1 : i32
    %select_n3A_93 = arith.select %eq3A_91, %jit3A_92, %jit3A_89 : i32
    %rem3A_94 = vector.broadcast %select_n3A_93 : i32 to vector<16xi32>
    %rem3A_95 = arith.remsi %add3A_88, %rem3A_94 : vector<16xi32>
    %ne3A_96 = arith.constant 0 : i32
    %ne3A_97 = vector.broadcast %ne3A_96 : i32 to vector<16xi32>
    %ne3A_98 = arith.cmpi ne, %rem3A_95, %ne3A_97 : vector<16xi32>
    %lt3A_99 = arith.constant 0 : i32
    %lt3A_100 = vector.broadcast %lt3A_99 : i32 to vector<16xi32>
    %lt3A_101 = arith.cmpi slt, %rem3A_95, %lt3A_100 : vector<16xi32>
    %lt3A_102 = arith.constant 0 : i32
    %lt3A_103 = arith.cmpi slt, %select_n3A_93, %lt3A_102 : i32
    %ne3A_104 = vector.broadcast %lt3A_103 : i1 to vector<16xi1>
    %ne3A_105 = vector.broadcast %ne3A_104 : vector<16xi1> to vector<16xi1>
    %ne3A_106 = arith.xori %lt3A_101, %ne3A_105 : vector<16xi1>
    %and3A_107 = arith.andi %ne3A_106, %ne3A_98 : vector<16xi1>
    %add3A_108 = vector.broadcast %select_n3A_93 : i32 to vector<16xi32>
    %add3A_109 = arith.addi %rem3A_95, %add3A_108 : vector<16xi32>
    %select_n3A_110 = arith.select %and3A_107, %add3A_109, %rem3A_95 : vector<16xi1>, vector<16xi32>
    %swap3A_111 = arith.constant 10016 : index
    %swap3A_112 = tpu.vector_load %arg6[%swap3A_111] {strides = array<i32>} : memref<10240xi32, #tpu.memory_space<vmem>>, vector<16xi32>,
    %swap3A_113 = vector.shape_cast %swap3A_112 : vector<16xi32> to vector<16xi32>
    %swap3A_114 = vector.shape_cast %select_n3A_110 : vector<16xi32> to vector<16xi32>
    tpu.vector_store %arg6[%swap3A_111], %swap3A_114 {strides = array<i32>} : memref<10240xi32, #tpu.memory_space<vmem>>, vector<16xi32>,
    %add3A_115 = arith.constant 10176 : i32
    %add3A_116 = vector.broadcast %add3A_115 : i32 to vector<16xi32>
    %add3A_117 = arith.addi %add3A_116, %iota3A : vector<16xi32>
    %swap3A_118 = arith.constant 78 : i32
    %swap3A_119 = arith.index_cast %swap3A_118 : i32 to index
    %swap3A_120 = arith.constant 32 : index
    %swap3A_121 = tpu.vector_load %arg7[%swap3A_119, %swap3A_120] {strides = array<i32>} : memref<80x128xi32, #tpu.memory_space<vmem>>, vector<1x16xi32>,
    %swap3A_122 = vector.shape_cast %swap3A_121 : vector<1x16xi32> to vector<16xi32>
    %swap3A_123 = vector.shape_cast %add3A_117 : vector<16xi32> to vector<1x16xi32>
    tpu.vector_store %arg7[%swap3A_119, %swap3A_120], %swap3A_123 {strides = array<i32>} : memref<80x128xi32, #tpu.memory_space<vmem>>, vector<1x16xi32>,
    %mul3A_124 = arith.constant 613 : i32
    %mul3A_125 = vector.broadcast %mul3A_124 : i32 to vector<16xi32>
    %mul3A_126 = arith.muli %iota3A, %mul3A_125 : vector<16xi32>
    %add3A_127 = arith.constant 60819 : i32
    %add3A_128 = vector.broadcast %add3A_127 : i32 to vector<16xi32>
    %add3A_129 = arith.addi %mul3A_126, %add3A_128 : vector<16xi32>
    %jit3A_130 = arith.constant 10000 : i32
    %eq3A_131 = arith.constant 0 : i32
    %eq3A_132 = arith.cmpi eq, %jit3A_130, %eq3A_131 : i32
    %jit3A_133 = arith.constant 1 : i32
    %select_n3A_134 = arith.select %eq3A_132, %jit3A_133, %jit3A_130 : i32
    %rem3A_135 = vector.broadcast %select_n3A_134 : i32 to vector<16xi32>
    %rem3A_136 = arith.remsi %add3A_129, %rem3A_135 : vector<16xi32>
    %ne3A_137 = arith.constant 0 : i32
    %ne3A_138 = vector.broadcast %ne3A_137 : i32 to vector<16xi32>
    %ne3A_139 = arith.cmpi ne, %rem3A_136, %ne3A_138 : vector<16xi32>
    %lt3A_140 = arith.constant 0 : i32
    %lt3A_141 = vector.broadcast %lt3A_140 : i32 to vector<16xi32>
    %lt3A_142 = arith.cmpi slt, %rem3A_136, %lt3A_141 : vector<16xi32>
    %lt3A_143 = arith.constant 0 : i32
    %lt3A_144 = arith.cmpi slt, %select_n3A_134, %lt3A_143 : i32
    %ne3A_145 = vector.broadcast %lt3A_144 : i1 to vector<16xi1>
    %ne3A_146 = vector.broadcast %ne3A_145 : vector<16xi1> to vector<16xi1>
    %ne3A_147 = arith.xori %lt3A_142, %ne3A_146 : vector<16xi1>
    %and3A_148 = arith.andi %ne3A_147, %ne3A_139 : vector<16xi1>
    %add3A_149 = vector.broadcast %select_n3A_134 : i32 to vector<16xi32>
    %add3A_150 = arith.addi %rem3A_136, %add3A_149 : vector<16xi32>
    %select_n3A_151 = arith.select %and3A_148, %add3A_150, %rem3A_136 : vector<16xi1>, vector<16xi32>
    %swap3A_152 = arith.constant 10032 : index
    %swap3A_153 = tpu.vector_load %arg6[%swap3A_152] {strides = array<i32>} : memref<10240xi32, #tpu.memory_space<vmem>>, vector<16xi32>,
    %swap3A_154 = vector.shape_cast %swap3A_153 : vector<16xi32> to vector<16xi32>
    %swap3A_155 = vector.shape_cast %select_n3A_151 : vector<16xi32> to vector<16xi32>
    tpu.vector_store %arg6[%swap3A_152], %swap3A_155 {strides = array<i32>} : memref<10240xi32, #tpu.memory_space<vmem>>, vector<16xi32>,
    %add3A_156 = arith.constant 10192 : i32
    %add3A_157 = vector.broadcast %add3A_156 : i32 to vector<16xi32>
    %add3A_158 = arith.addi %add3A_157, %iota3A : vector<16xi32>
    %swap3A_159 = arith.constant 78 : i32
    %swap3A_160 = arith.index_cast %swap3A_159 : i32 to index
    %swap3A_161 = arith.constant 48 : index
    %swap3A_162 = tpu.vector_load %arg7[%swap3A_160, %swap3A_161] {strides = array<i32>} : memref<80x128xi32, #tpu.memory_space<vmem>>, vector<1x16xi32>,
    %swap3A_163 = vector.shape_cast %swap3A_162 : vector<1x16xi32> to vector<16xi32>
    %swap3A_164 = vector.shape_cast %add3A_158 : vector<16xi32> to vector<1x16xi32>
    tpu.vector_store %arg7[%swap3A_160, %swap3A_161], %swap3A_164 {strides = array<i32>} : memref<80x128xi32, #tpu.memory_space<vmem>>, vector<1x16xi32>,
    %mul3A_165 = arith.constant 613 : i32
    %mul3A_166 = vector.broadcast %mul3A_165 : i32 to vector<16xi32>
    %mul3A_167 = arith.muli %iota3A, %mul3A_166 : vector<16xi32>
    %add3A_168 = arith.constant 60916 : i32
    %add3A_169 = vector.broadcast %add3A_168 : i32 to vector<16xi32>
    %add3A_170 = arith.addi %mul3A_167, %add3A_169 : vector<16xi32>
    %jit3A_171 = arith.constant 10000 : i32
    %eq3A_172 = arith.constant 0 : i32
    %eq3A_173 = arith.cmpi eq, %jit3A_171, %eq3A_172 : i32
    %jit3A_174 = arith.constant 1 : i32
    %select_n3A_175 = arith.select %eq3A_173, %jit3A_174, %jit3A_171 : i32
    %rem3A_176 = vector.broadcast %select_n3A_175 : i32 to vector<16xi32>
    %rem3A_177 = arith.remsi %add3A_170, %rem3A_176 : vector<16xi32>
    %ne3A_178 = arith.constant 0 : i32
    %ne3A_179 = vector.broadcast %ne3A_178 : i32 to vector<16xi32>
    %ne3A_180 = arith.cmpi ne, %rem3A_177, %ne3A_179 : vector<16xi32>
    %lt3A_181 = arith.constant 0 : i32
    %lt3A_182 = vector.broadcast %lt3A_181 : i32 to vector<16xi32>
    %lt3A_183 = arith.cmpi slt, %rem3A_177, %lt3A_182 : vector<16xi32>
    %lt3A_184 = arith.constant 0 : i32
    %lt3A_185 = arith.cmpi slt, %select_n3A_175, %lt3A_184 : i32
    %ne3A_186 = vector.broadcast %lt3A_185 : i1 to vector<16xi1>
    %ne3A_187 = vector.broadcast %ne3A_186 : vector<16xi1> to vector<16xi1>
    %ne3A_188 = arith.xori %lt3A_183, %ne3A_187 : vector<16xi1>
    %and3A_189 = arith.andi %ne3A_188, %ne3A_180 : vector<16xi1>
    %add3A_190 = vector.broadcast %select_n3A_175 : i32 to vector<16xi32>
    %add3A_191 = arith.addi %rem3A_177, %add3A_190 : vector<16xi32>
    %select_n3A_192 = arith.select %and3A_189, %add3A_191, %rem3A_177 : vector<16xi1>, vector<16xi32>
    %swap3A_193 = arith.constant 10048 : index
    %swap3A_194 = tpu.vector_load %arg6[%swap3A_193] {strides = array<i32>} : memref<10240xi32, #tpu.memory_space<vmem>>, vector<16xi32>,
    %swap3A_195 = vector.shape_cast %swap3A_194 : vector<16xi32> to vector<16xi32>
    %swap3A_196 = vector.shape_cast %select_n3A_192 : vector<16xi32> to vector<16xi32>
    tpu.vector_store %arg6[%swap3A_193], %swap3A_196 {strides = array<i32>} : memref<10240xi32, #tpu.memory_space<vmem>>, vector<16xi32>,
    %add3A_197 = arith.constant 10208 : i32
    %add3A_198 = vector.broadcast %add3A_197 : i32 to vector<16xi32>
    %add3A_199 = arith.addi %add3A_198, %iota3A : vector<16xi32>
    %swap3A_200 = arith.constant 78 : i32
    %swap3A_201 = arith.index_cast %swap3A_200 : i32 to index
    %swap3A_202 = arith.constant 64 : index
    %swap3A_203 = tpu.vector_load %arg7[%swap3A_201, %swap3A_202] {strides = array<i32>} : memref<80x128xi32, #tpu.memory_space<vmem>>, vector<1x16xi32>,
    %swap3A_204 = vector.shape_cast %swap3A_203 : vector<1x16xi32> to vector<16xi32>
    %swap3A_205 = vector.shape_cast %add3A_199 : vector<16xi32> to vector<1x16xi32>
    tpu.vector_store %arg7[%swap3A_201, %swap3A_202], %swap3A_205 {strides = array<i32>} : memref<80x128xi32, #tpu.memory_space<vmem>>, vector<1x16xi32>,
    %mul3A_206 = arith.constant 613 : i32
    %mul3A_207 = vector.broadcast %mul3A_206 : i32 to vector<16xi32>
    %mul3A_208 = arith.muli %iota3A, %mul3A_207 : vector<16xi32>
    %add3A_209 = arith.constant 61013 : i32
    %add3A_210 = vector.broadcast %add3A_209 : i32 to vector<16xi32>
    %add3A_211 = arith.addi %mul3A_208, %add3A_210 : vector<16xi32>
    %jit3A_212 = arith.constant 10000 : i32
    %eq3A_213 = arith.constant 0 : i32
    %eq3A_214 = arith.cmpi eq, %jit3A_212, %eq3A_213 : i32
    %jit3A_215 = arith.constant 1 : i32
    %select_n3A_216 = arith.select %eq3A_214, %jit3A_215, %jit3A_212 : i32
    %rem3A_217 = vector.broadcast %select_n3A_216 : i32 to vector<16xi32>
    %rem3A_218 = arith.remsi %add3A_211, %rem3A_217 : vector<16xi32>
    %ne3A_219 = arith.constant 0 : i32
    %ne3A_220 = vector.broadcast %ne3A_219 : i32 to vector<16xi32>
    %ne3A_221 = arith.cmpi ne, %rem3A_218, %ne3A_220 : vector<16xi32>
    %lt3A_222 = arith.constant 0 : i32
    %lt3A_223 = vector.broadcast %lt3A_222 : i32 to vector<16xi32>
    %lt3A_224 = arith.cmpi slt, %rem3A_218, %lt3A_223 : vector<16xi32>
    %lt3A_225 = arith.constant 0 : i32
    %lt3A_226 = arith.cmpi slt, %select_n3A_216, %lt3A_225 : i32
    %ne3A_227 = vector.broadcast %lt3A_226 : i1 to vector<16xi1>
    %ne3A_228 = vector.broadcast %ne3A_227 : vector<16xi1> to vector<16xi1>
    %ne3A_229 = arith.xori %lt3A_224, %ne3A_228 : vector<16xi1>
    %and3A_230 = arith.andi %ne3A_229, %ne3A_221 : vector<16xi1>
    %add3A_231 = vector.broadcast %select_n3A_216 : i32 to vector<16xi32>
    %add3A_232 = arith.addi %rem3A_218, %add3A_231 : vector<16xi32>
    %select_n3A_233 = arith.select %and3A_230, %add3A_232, %rem3A_218 : vector<16xi1>, vector<16xi32>
    %swap3A_234 = arith.constant 10064 : index
    %swap3A_235 = tpu.vector_load %arg6[%swap3A_234] {strides = array<i32>} : memref<10240xi32, #tpu.memory_space<vmem>>, vector<16xi32>,
    %swap3A_236 = vector.shape_cast %swap3A_235 : vector<16xi32> to vector<16xi32>
    %swap3A_237 = vector.shape_cast %select_n3A_233 : vector<16xi32> to vector<16xi32>
    tpu.vector_store %arg6[%swap3A_234], %swap3A_237 {strides = array<i32>} : memref<10240xi32, #tpu.memory_space<vmem>>, vector<16xi32>,
    %add3A_238 = arith.constant 10224 : i32
    %add3A_239 = vector.broadcast %add3A_238 : i32 to vector<16xi32>
    %add3A_240 = arith.addi %add3A_239, %iota3A : vector<16xi32>
    %swap3A_241 = arith.constant 78 : i32
    %swap3A_242 = arith.index_cast %swap3A_241 : i32 to index
    %swap3A_243 = arith.constant 80 : index
    %swap3A_244 = tpu.vector_load %arg7[%swap3A_242, %swap3A_243] {strides = array<i32>} : memref<80x128xi32, #tpu.memory_space<vmem>>, vector<1x16xi32>,
    %swap3A_245 = vector.shape_cast %swap3A_244 : vector<1x16xi32> to vector<16xi32>
    %swap3A_246 = vector.shape_cast %add3A_240 : vector<16xi32> to vector<1x16xi32>
    tpu.vector_store %arg7[%swap3A_242, %swap3A_243], %swap3A_246 {strides = array<i32>} : memref<80x128xi32, #tpu.memory_space<vmem>>, vector<1x16xi32>,
    %mul3A_247 = arith.constant 613 : i32
    %mul3A_248 = vector.broadcast %mul3A_247 : i32 to vector<16xi32>
    %mul3A_249 = arith.muli %iota3A, %mul3A_248 : vector<16xi32>
    %add3A_250 = arith.constant 61110 : i32
    %add3A_251 = vector.broadcast %add3A_250 : i32 to vector<16xi32>
    %add3A_252 = arith.addi %mul3A_249, %add3A_251 : vector<16xi32>
    %jit3A_253 = arith.constant 10000 : i32
    %eq3A_254 = arith.constant 0 : i32
    %eq3A_255 = arith.cmpi eq, %jit3A_253, %eq3A_254 : i32
    %jit3A_256 = arith.constant 1 : i32
    %select_n3A_257 = arith.select %eq3A_255, %jit3A_256, %jit3A_253 : i32
    %rem3A_258 = vector.broadcast %select_n3A_257 : i32 to vector<16xi32>
    %rem3A_259 = arith.remsi %add3A_252, %rem3A_258 : vector<16xi32>
    %ne3A_260 = arith.constant 0 : i32
    %ne3A_261 = vector.broadcast %ne3A_260 : i32 to vector<16xi32>
    %ne3A_262 = arith.cmpi ne, %rem3A_259, %ne3A_261 : vector<16xi32>
    %lt3A_263 = arith.constant 0 : i32
    %lt3A_264 = vector.broadcast %lt3A_263 : i32 to vector<16xi32>
    %lt3A_265 = arith.cmpi slt, %rem3A_259, %lt3A_264 : vector<16xi32>
    %lt3A_266 = arith.constant 0 : i32
    %lt3A_267 = arith.cmpi slt, %select_n3A_257, %lt3A_266 : i32
    %ne3A_268 = vector.broadcast %lt3A_267 : i1 to vector<16xi1>
    %ne3A_269 = vector.broadcast %ne3A_268 : vector<16xi1> to vector<16xi1>
    %ne3A_270 = arith.xori %lt3A_265, %ne3A_269 : vector<16xi1>
    %and3A_271 = arith.andi %ne3A_270, %ne3A_262 : vector<16xi1>
    %add3A_272 = vector.broadcast %select_n3A_257 : i32 to vector<16xi32>
    %add3A_273 = arith.addi %rem3A_259, %add3A_272 : vector<16xi32>
    %select_n3A_274 = arith.select %and3A_271, %add3A_273, %rem3A_259 : vector<16xi1>, vector<16xi32>
    %swap3A_275 = arith.constant 10080 : index
    %swap3A_276 = tpu.vector_load %arg6[%swap3A_275] {strides = array<i32>} : memref<10240xi32, #tpu.memory_space<vmem>>, vector<16xi32>,
    %swap3A_277 = vector.shape_cast %swap3A_276 : vector<16xi32> to vector<16xi32>
    %swap3A_278 = vector.shape_cast %select_n3A_274 : vector<16xi32> to vector<16xi32>
    tpu.vector_store %arg6[%swap3A_275], %swap3A_278 {strides = array<i32>} : memref<10240xi32, #tpu.memory_space<vmem>>, vector<16xi32>,
    %add3A_279 = arith.constant 10000 : i32
    %add3A_280 = vector.broadcast %add3A_279 : i32 to vector<16xi32>
    %add3A_281 = arith.addi %add3A_280, %iota3A : vector<16xi32>
    %swap3A_282 = arith.constant 78 : i32
    %swap3A_283 = arith.index_cast %swap3A_282 : i32 to index
    %swap3A_284 = arith.constant 96 : index
    %swap3A_285 = tpu.vector_load %arg7[%swap3A_283, %swap3A_284] {strides = array<i32>} : memref<80x128xi32, #tpu.memory_space<vmem>>, vector<1x16xi32>,
    %swap3A_286 = vector.shape_cast %swap3A_285 : vector<1x16xi32> to vector<16xi32>
    %swap3A_287 = vector.shape_cast %add3A_281 : vector<16xi32> to vector<1x16xi32>
    tpu.vector_store %arg7[%swap3A_283, %swap3A_284], %swap3A_287 {strides = array<i32>} : memref<80x128xi32, #tpu.memory_space<vmem>>, vector<1x16xi32>,
    %mul3A_288 = arith.constant 613 : i32
    %mul3A_289 = vector.broadcast %mul3A_288 : i32 to vector<16xi32>
    %mul3A_290 = arith.muli %iota3A, %mul3A_289 : vector<16xi32>
    %add3A_291 = arith.constant 61207 : i32
    %add3A_292 = vector.broadcast %add3A_291 : i32 to vector<16xi32>
    %add3A_293 = arith.addi %mul3A_290, %add3A_292 : vector<16xi32>
    %jit3A_294 = arith.constant 10000 : i32
    %eq3A_295 = arith.constant 0 : i32
    %eq3A_296 = arith.cmpi eq, %jit3A_294, %eq3A_295 : i32
    %jit3A_297 = arith.constant 1 : i32
    %select_n3A_298 = arith.select %eq3A_296, %jit3A_297, %jit3A_294 : i32
    %rem3A_299 = vector.broadcast %select_n3A_298 : i32 to vector<16xi32>
    %rem3A_300 = arith.remsi %add3A_293, %rem3A_299 : vector<16xi32>
    %ne3A_301 = arith.constant 0 : i32
    %ne3A_302 = vector.broadcast %ne3A_301 : i32 to vector<16xi32>
    %ne3A_303 = arith.cmpi ne, %rem3A_300, %ne3A_302 : vector<16xi32>
    %lt3A_304 = arith.constant 0 : i32
    %lt3A_305 = vector.broadcast %lt3A_304 : i32 to vector<16xi32>
    %lt3A_306 = arith.cmpi slt, %rem3A_300, %lt3A_305 : vector<16xi32>
    %lt3A_307 = arith.constant 0 : i32
    %lt3A_308 = arith.cmpi slt, %select_n3A_298, %lt3A_307 : i32
    %ne3A_309 = vector.broadcast %lt3A_308 : i1 to vector<16xi1>
    %ne3A_310 = vector.broadcast %ne3A_309 : vector<16xi1> to vector<16xi1>
    %ne3A_311 = arith.xori %lt3A_306, %ne3A_310 : vector<16xi1>
    %and3A_312 = arith.andi %ne3A_311, %ne3A_303 : vector<16xi1>
    %add3A_313 = vector.broadcast %select_n3A_298 : i32 to vector<16xi32>
    %add3A_314 = arith.addi %rem3A_300, %add3A_313 : vector<16xi32>
    %select_n3A_315 = arith.select %and3A_312, %add3A_314, %rem3A_300 : vector<16xi1>, vector<16xi32>
    %swap3A_316 = arith.constant 10096 : index
    %swap3A_317 = tpu.vector_load %arg6[%swap3A_316] {strides = array<i32>} : memref<10240xi32, #tpu.memory_space<vmem>>, vector<16xi32>,
    %swap3A_318 = vector.shape_cast %swap3A_317 : vector<16xi32> to vector<16xi32>
    %swap3A_319 = vector.shape_cast %select_n3A_315 : vector<16xi32> to vector<16xi32>
    tpu.vector_store %arg6[%swap3A_316], %swap3A_319 {strides = array<i32>} : memref<10240xi32, #tpu.memory_space<vmem>>, vector<16xi32>,
    %add3A_320 = arith.constant 10016 : i32
    %add3A_321 = vector.broadcast %add3A_320 : i32 to vector<16xi32>
    %add3A_322 = arith.addi %add3A_321, %iota3A : vector<16xi32>
    %swap3A_323 = arith.constant 78 : i32
    %swap3A_324 = arith.index_cast %swap3A_323 : i32 to index
    %swap3A_325 = arith.constant 112 : index
    %swap3A_326 = tpu.vector_load %arg7[%swap3A_324, %swap3A_325] {strides = array<i32>} : memref<80x128xi32, #tpu.memory_space<vmem>>, vector<1x16xi32>,
    %swap3A_327 = vector.shape_cast %swap3A_326 : vector<1x16xi32> to vector<16xi32>
    %swap3A_328 = vector.shape_cast %add3A_322 : vector<16xi32> to vector<1x16xi32>
    tpu.vector_store %arg7[%swap3A_324, %swap3A_325], %swap3A_328 {strides = array<i32>} : memref<80x128xi32, #tpu.memory_space<vmem>>, vector<1x16xi32>,
    %mul3A_329 = arith.constant 613 : i32
    %mul3A_330 = vector.broadcast %mul3A_329 : i32 to vector<16xi32>
    %mul3A_331 = arith.muli %iota3A, %mul3A_330 : vector<16xi32>
    %add3A_332 = arith.constant 61304 : i32
    %add3A_333 = vector.broadcast %add3A_332 : i32 to vector<16xi32>
    %add3A_334 = arith.addi %mul3A_331, %add3A_333 : vector<16xi32>
    %jit3A_335 = arith.constant 10000 : i32
    %eq3A_336 = arith.constant 0 : i32
    %eq3A_337 = arith.cmpi eq, %jit3A_335, %eq3A_336 : i32
    %jit3A_338 = arith.constant 1 : i32
    %select_n3A_339 = arith.select %eq3A_337, %jit3A_338, %jit3A_335 : i32
    %rem3A_340 = vector.broadcast %select_n3A_339 : i32 to vector<16xi32>
    %rem3A_341 = arith.remsi %add3A_334, %rem3A_340 : vector<16xi32>
    %ne3A_342 = arith.constant 0 : i32
    %ne3A_343 = vector.broadcast %ne3A_342 : i32 to vector<16xi32>
    %ne3A_344 = arith.cmpi ne, %rem3A_341, %ne3A_343 : vector<16xi32>
    %lt3A_345 = arith.constant 0 : i32
    %lt3A_346 = vector.broadcast %lt3A_345 : i32 to vector<16xi32>
    %lt3A_347 = arith.cmpi slt, %rem3A_341, %lt3A_346 : vector<16xi32>
    %lt3A_348 = arith.constant 0 : i32
    %lt3A_349 = arith.cmpi slt, %select_n3A_339, %lt3A_348 : i32
    %ne3A_350 = vector.broadcast %lt3A_349 : i1 to vector<16xi1>
    %ne3A_351 = vector.broadcast %ne3A_350 : vector<16xi1> to vector<16xi1>
    %ne3A_352 = arith.xori %lt3A_347, %ne3A_351 : vector<16xi1>
    %and3A_353 = arith.andi %ne3A_352, %ne3A_344 : vector<16xi1>
    %add3A_354 = vector.broadcast %select_n3A_339 : i32 to vector<16xi32>
    %add3A_355 = arith.addi %rem3A_341, %add3A_354 : vector<16xi32>
    %select_n3A_356 = arith.select %and3A_353, %add3A_355, %rem3A_341 : vector<16xi1>, vector<16xi32>
    %swap3A_357 = arith.constant 10112 : index
    %swap3A_358 = tpu.vector_load %arg6[%swap3A_357] {strides = array<i32>} : memref<10240xi32, #tpu.memory_space<vmem>>, vector<16xi32>,
    %swap3A_359 = vector.shape_cast %swap3A_358 : vector<16xi32> to vector<16xi32>
    %swap3A_360 = vector.shape_cast %select_n3A_356 : vector<16xi32> to vector<16xi32>
    tpu.vector_store %arg6[%swap3A_357], %swap3A_360 {strides = array<i32>} : memref<10240xi32, #tpu.memory_space<vmem>>, vector<16xi32>,
    %add3A_361 = arith.constant 10032 : i32
    %add3A_362 = vector.broadcast %add3A_361 : i32 to vector<16xi32>
    %add3A_363 = arith.addi %add3A_362, %iota3A : vector<16xi32>
    %swap3A_364 = arith.constant 79 : i32
    %swap3A_365 = arith.index_cast %swap3A_364 : i32 to index
    %swap3A_366 = arith.constant 0 : index
    %swap3A_367 = tpu.vector_load %arg7[%swap3A_365, %swap3A_366] {strides = array<i32>} : memref<80x128xi32, #tpu.memory_space<vmem>>, vector<1x16xi32>,
    %swap3A_368 = vector.shape_cast %swap3A_367 : vector<1x16xi32> to vector<16xi32>
    %swap3A_369 = vector.shape_cast %add3A_363 : vector<16xi32> to vector<1x16xi32>
    tpu.vector_store %arg7[%swap3A_365, %swap3A_366], %swap3A_369 {strides = array<i32>} : memref<80x128xi32, #tpu.memory_space<vmem>>, vector<1x16xi32>,
    %mul3A_370 = arith.constant 613 : i32
    %mul3A_371 = vector.broadcast %mul3A_370 : i32 to vector<16xi32>
    %mul3A_372 = arith.muli %iota3A, %mul3A_371 : vector<16xi32>
    %add3A_373 = arith.constant 61401 : i32
    %add3A_374 = vector.broadcast %add3A_373 : i32 to vector<16xi32>
    %add3A_375 = arith.addi %mul3A_372, %add3A_374 : vector<16xi32>
    %jit3A_376 = arith.constant 10000 : i32
    %eq3A_377 = arith.constant 0 : i32
    %eq3A_378 = arith.cmpi eq, %jit3A_376, %eq3A_377 : i32
    %jit3A_379 = arith.constant 1 : i32
    %select_n3A_380 = arith.select %eq3A_378, %jit3A_379, %jit3A_376 : i32
    %rem3A_381 = vector.broadcast %select_n3A_380 : i32 to vector<16xi32>
    %rem3A_382 = arith.remsi %add3A_375, %rem3A_381 : vector<16xi32>
    %ne3A_383 = arith.constant 0 : i32
    %ne3A_384 = vector.broadcast %ne3A_383 : i32 to vector<16xi32>
    %ne3A_385 = arith.cmpi ne, %rem3A_382, %ne3A_384 : vector<16xi32>
    %lt3A_386 = arith.constant 0 : i32
    %lt3A_387 = vector.broadcast %lt3A_386 : i32 to vector<16xi32>
    %lt3A_388 = arith.cmpi slt, %rem3A_382, %lt3A_387 : vector<16xi32>
    %lt3A_389 = arith.constant 0 : i32
    %lt3A_390 = arith.cmpi slt, %select_n3A_380, %lt3A_389 : i32
    %ne3A_391 = vector.broadcast %lt3A_390 : i1 to vector<16xi1>
    %ne3A_392 = vector.broadcast %ne3A_391 : vector<16xi1> to vector<16xi1>
    %ne3A_393 = arith.xori %lt3A_388, %ne3A_392 : vector<16xi1>
    %and3A_394 = arith.andi %ne3A_393, %ne3A_385 : vector<16xi1>
    %add3A_395 = vector.broadcast %select_n3A_380 : i32 to vector<16xi32>
    %add3A_396 = arith.addi %rem3A_382, %add3A_395 : vector<16xi32>
    %select_n3A_397 = arith.select %and3A_394, %add3A_396, %rem3A_382 : vector<16xi1>, vector<16xi32>
    %swap3A_398 = arith.constant 10128 : index
    %swap3A_399 = tpu.vector_load %arg6[%swap3A_398] {strides = array<i32>} : memref<10240xi32, #tpu.memory_space<vmem>>, vector<16xi32>,
    %swap3A_400 = vector.shape_cast %swap3A_399 : vector<16xi32> to vector<16xi32>
    %swap3A_401 = vector.shape_cast %select_n3A_397 : vector<16xi32> to vector<16xi32>
    tpu.vector_store %arg6[%swap3A_398], %swap3A_401 {strides = array<i32>} : memref<10240xi32, #tpu.memory_space<vmem>>, vector<16xi32>,
    %add3A_402 = arith.constant 10048 : i32
    %add3A_403 = vector.broadcast %add3A_402 : i32 to vector<16xi32>
    %add3A_404 = arith.addi %add3A_403, %iota3A : vector<16xi32>
    %swap3A_405 = arith.constant 79 : i32
    %swap3A_406 = arith.index_cast %swap3A_405 : i32 to index
    %swap3A_407 = arith.constant 16 : index
    %swap3A_408 = tpu.vector_load %arg7[%swap3A_406, %swap3A_407] {strides = array<i32>} : memref<80x128xi32, #tpu.memory_space<vmem>>, vector<1x16xi32>,
    %swap3A_409 = vector.shape_cast %swap3A_408 : vector<1x16xi32> to vector<16xi32>
    %swap3A_410 = vector.shape_cast %add3A_404 : vector<16xi32> to vector<1x16xi32>
    tpu.vector_store %arg7[%swap3A_406, %swap3A_407], %swap3A_410 {strides = array<i32>} : memref<80x128xi32, #tpu.memory_space<vmem>>, vector<1x16xi32>,
    %mul3A_411 = arith.constant 613 : i32
    %mul3A_412 = vector.broadcast %mul3A_411 : i32 to vector<16xi32>
    %mul3A_413 = arith.muli %iota3A, %mul3A_412 : vector<16xi32>
    %add3A_414 = arith.constant 61498 : i32
    %add3A_415 = vector.broadcast %add3A_414 : i32 to vector<16xi32>
    %add3A_416 = arith.addi %mul3A_413, %add3A_415 : vector<16xi32>
    %jit3A_417 = arith.constant 10000 : i32
    %eq3A_418 = arith.constant 0 : i32
    %eq3A_419 = arith.cmpi eq, %jit3A_417, %eq3A_418 : i32
    %jit3A_420 = arith.constant 1 : i32
    %select_n3A_421 = arith.select %eq3A_419, %jit3A_420, %jit3A_417 : i32
    %rem3A_422 = vector.broadcast %select_n3A_421 : i32 to vector<16xi32>
    %rem3A_423 = arith.remsi %add3A_416, %rem3A_422 : vector<16xi32>
    %ne3A_424 = arith.constant 0 : i32
    %ne3A_425 = vector.broadcast %ne3A_424 : i32 to vector<16xi32>
    %ne3A_426 = arith.cmpi ne, %rem3A_423, %ne3A_425 : vector<16xi32>
    %lt3A_427 = arith.constant 0 : i32
    %lt3A_428 = vector.broadcast %lt3A_427 : i32 to vector<16xi32>
    %lt3A_429 = arith.cmpi slt, %rem3A_423, %lt3A_428 : vector<16xi32>
    %lt3A_430 = arith.constant 0 : i32
    %lt3A_431 = arith.cmpi slt, %select_n3A_421, %lt3A_430 : i32
    %ne3A_432 = vector.broadcast %lt3A_431 : i1 to vector<16xi1>
    %ne3A_433 = vector.broadcast %ne3A_432 : vector<16xi1> to vector<16xi1>
    %ne3A_434 = arith.xori %lt3A_429, %ne3A_433 : vector<16xi1>
    %and3A_435 = arith.andi %ne3A_434, %ne3A_426 : vector<16xi1>
    %add3A_436 = vector.broadcast %select_n3A_421 : i32 to vector<16xi32>
    %add3A_437 = arith.addi %rem3A_423, %add3A_436 : vector<16xi32>
    %select_n3A_438 = arith.select %and3A_435, %add3A_437, %rem3A_423 : vector<16xi1>, vector<16xi32>
    %swap3A_439 = arith.constant 10144 : index
    %swap3A_440 = tpu.vector_load %arg6[%swap3A_439] {strides = array<i32>} : memref<10240xi32, #tpu.memory_space<vmem>>, vector<16xi32>,
    %swap3A_441 = vector.shape_cast %swap3A_440 : vector<16xi32> to vector<16xi32>
    %swap3A_442 = vector.shape_cast %select_n3A_438 : vector<16xi32> to vector<16xi32>
    tpu.vector_store %arg6[%swap3A_439], %swap3A_442 {strides = array<i32>} : memref<10240xi32, #tpu.memory_space<vmem>>, vector<16xi32>,
    %add3A_443 = arith.constant 10064 : i32
    %add3A_444 = vector.broadcast %add3A_443 : i32 to vector<16xi32>
    %add3A_445 = arith.addi %add3A_444, %iota3A : vector<16xi32>
    %swap3A_446 = arith.constant 79 : i32
    %swap3A_447 = arith.index_cast %swap3A_446 : i32 to index
    %swap3A_448 = arith.constant 32 : index
    %swap3A_449 = tpu.vector_load %arg7[%swap3A_447, %swap3A_448] {strides = array<i32>} : memref<80x128xi32, #tpu.memory_space<vmem>>, vector<1x16xi32>,
    %swap3A_450 = vector.shape_cast %swap3A_449 : vector<1x16xi32> to vector<16xi32>
    %swap3A_451 = vector.shape_cast %add3A_445 : vector<16xi32> to vector<1x16xi32>
    tpu.vector_store %arg7[%swap3A_447, %swap3A_448], %swap3A_451 {strides = array<i32>} : memref<80x128xi32, #tpu.memory_space<vmem>>, vector<1x16xi32>,
    %mul3A_452 = arith.constant 613 : i32
    %mul3A_453 = vector.broadcast %mul3A_452 : i32 to vector<16xi32>
    %mul3A_454 = arith.muli %iota3A, %mul3A_453 : vector<16xi32>
    %add3A_455 = arith.constant 61595 : i32
    %add3A_456 = vector.broadcast %add3A_455 : i32 to vector<16xi32>
    %add3A_457 = arith.addi %mul3A_454, %add3A_456 : vector<16xi32>
    %jit3A_458 = arith.constant 10000 : i32
    %eq3A_459 = arith.constant 0 : i32
    %eq3A_460 = arith.cmpi eq, %jit3A_458, %eq3A_459 : i32
    %jit3A_461 = arith.constant 1 : i32
    %select_n3A_462 = arith.select %eq3A_460, %jit3A_461, %jit3A_458 : i32
    %rem3A_463 = vector.broadcast %select_n3A_462 : i32 to vector<16xi32>
    %rem3A_464 = arith.remsi %add3A_457, %rem3A_463 : vector<16xi32>
    %ne3A_465 = arith.constant 0 : i32
    %ne3A_466 = vector.broadcast %ne3A_465 : i32 to vector<16xi32>
    %ne3A_467 = arith.cmpi ne, %rem3A_464, %ne3A_466 : vector<16xi32>
    %lt3A_468 = arith.constant 0 : i32
    %lt3A_469 = vector.broadcast %lt3A_468 : i32 to vector<16xi32>
    %lt3A_470 = arith.cmpi slt, %rem3A_464, %lt3A_469 : vector<16xi32>
    %lt3A_471 = arith.constant 0 : i32
    %lt3A_472 = arith.cmpi slt, %select_n3A_462, %lt3A_471 : i32
    %ne3A_473 = vector.broadcast %lt3A_472 : i1 to vector<16xi1>
    %ne3A_474 = vector.broadcast %ne3A_473 : vector<16xi1> to vector<16xi1>
    %ne3A_475 = arith.xori %lt3A_470, %ne3A_474 : vector<16xi1>
    %and3A_476 = arith.andi %ne3A_475, %ne3A_467 : vector<16xi1>
    %add3A_477 = vector.broadcast %select_n3A_462 : i32 to vector<16xi32>
    %add3A_478 = arith.addi %rem3A_464, %add3A_477 : vector<16xi32>
    %select_n3A_479 = arith.select %and3A_476, %add3A_478, %rem3A_464 : vector<16xi1>, vector<16xi32>
    %swap3A_480 = arith.constant 10160 : index
    %swap3A_481 = tpu.vector_load %arg6[%swap3A_480] {strides = array<i32>} : memref<10240xi32, #tpu.memory_space<vmem>>, vector<16xi32>,
    %swap3A_482 = vector.shape_cast %swap3A_481 : vector<16xi32> to vector<16xi32>
    %swap3A_483 = vector.shape_cast %select_n3A_479 : vector<16xi32> to vector<16xi32>
    tpu.vector_store %arg6[%swap3A_480], %swap3A_483 {strides = array<i32>} : memref<10240xi32, #tpu.memory_space<vmem>>, vector<16xi32>,
    %add3A_484 = arith.constant 10080 : i32
    %add3A_485 = vector.broadcast %add3A_484 : i32 to vector<16xi32>
    %add3A_486 = arith.addi %add3A_485, %iota3A : vector<16xi32>
    %swap3A_487 = arith.constant 79 : i32
    %swap3A_488 = arith.index_cast %swap3A_487 : i32 to index
    %swap3A_489 = arith.constant 48 : index
    %swap3A_490 = tpu.vector_load %arg7[%swap3A_488, %swap3A_489] {strides = array<i32>} : memref<80x128xi32, #tpu.memory_space<vmem>>, vector<1x16xi32>,
    %swap3A_491 = vector.shape_cast %swap3A_490 : vector<1x16xi32> to vector<16xi32>
    %swap3A_492 = vector.shape_cast %add3A_486 : vector<16xi32> to vector<1x16xi32>
    tpu.vector_store %arg7[%swap3A_488, %swap3A_489], %swap3A_492 {strides = array<i32>} : memref<80x128xi32, #tpu.memory_space<vmem>>, vector<1x16xi32>,
    %mul3A_493 = arith.constant 613 : i32
    %mul3A_494 = vector.broadcast %mul3A_493 : i32 to vector<16xi32>
    %mul3A_495 = arith.muli %iota3A, %mul3A_494 : vector<16xi32>
    %add3A_496 = arith.constant 61692 : i32
    %add3A_497 = vector.broadcast %add3A_496 : i32 to vector<16xi32>
    %add3A_498 = arith.addi %mul3A_495, %add3A_497 : vector<16xi32>
    %jit3A_499 = arith.constant 10000 : i32
    %eq3A_500 = arith.constant 0 : i32
    %eq3A_501 = arith.cmpi eq, %jit3A_499, %eq3A_500 : i32
    %jit3A_502 = arith.constant 1 : i32
    %select_n3A_503 = arith.select %eq3A_501, %jit3A_502, %jit3A_499 : i32
    %rem3A_504 = vector.broadcast %select_n3A_503 : i32 to vector<16xi32>
    %rem3A_505 = arith.remsi %add3A_498, %rem3A_504 : vector<16xi32>
    %ne3A_506 = arith.constant 0 : i32
    %ne3A_507 = vector.broadcast %ne3A_506 : i32 to vector<16xi32>
    %ne3A_508 = arith.cmpi ne, %rem3A_505, %ne3A_507 : vector<16xi32>
    %lt3A_509 = arith.constant 0 : i32
    %lt3A_510 = vector.broadcast %lt3A_509 : i32 to vector<16xi32>
    %lt3A_511 = arith.cmpi slt, %rem3A_505, %lt3A_510 : vector<16xi32>
    %lt3A_512 = arith.constant 0 : i32
    %lt3A_513 = arith.cmpi slt, %select_n3A_503, %lt3A_512 : i32
    %ne3A_514 = vector.broadcast %lt3A_513 : i1 to vector<16xi1>
    %ne3A_515 = vector.broadcast %ne3A_514 : vector<16xi1> to vector<16xi1>
    %ne3A_516 = arith.xori %lt3A_511, %ne3A_515 : vector<16xi1>
    %and3A_517 = arith.andi %ne3A_516, %ne3A_508 : vector<16xi1>
    %add3A_518 = vector.broadcast %select_n3A_503 : i32 to vector<16xi32>
    %add3A_519 = arith.addi %rem3A_505, %add3A_518 : vector<16xi32>
    %select_n3A_520 = arith.select %and3A_517, %add3A_519, %rem3A_505 : vector<16xi1>, vector<16xi32>
    %swap3A_521 = arith.constant 10176 : index
    %swap3A_522 = tpu.vector_load %arg6[%swap3A_521] {strides = array<i32>} : memref<10240xi32, #tpu.memory_space<vmem>>, vector<16xi32>,
    %swap3A_523 = vector.shape_cast %swap3A_522 : vector<16xi32> to vector<16xi32>
    %swap3A_524 = vector.shape_cast %select_n3A_520 : vector<16xi32> to vector<16xi32>
    tpu.vector_store %arg6[%swap3A_521], %swap3A_524 {strides = array<i32>} : memref<10240xi32, #tpu.memory_space<vmem>>, vector<16xi32>,
    %add3A_525 = arith.constant 10096 : i32
    %add3A_526 = vector.broadcast %add3A_525 : i32 to vector<16xi32>
    %add3A_527 = arith.addi %add3A_526, %iota3A : vector<16xi32>
    %swap3A_528 = arith.constant 79 : i32
    %swap3A_529 = arith.index_cast %swap3A_528 : i32 to index
    %swap3A_530 = arith.constant 64 : index
    %swap3A_531 = tpu.vector_load %arg7[%swap3A_529, %swap3A_530] {strides = array<i32>} : memref<80x128xi32, #tpu.memory_space<vmem>>, vector<1x16xi32>,
    %swap3A_532 = vector.shape_cast %swap3A_531 : vector<1x16xi32> to vector<16xi32>
    %swap3A_533 = vector.shape_cast %add3A_527 : vector<16xi32> to vector<1x16xi32>
    tpu.vector_store %arg7[%swap3A_529, %swap3A_530], %swap3A_533 {strides = array<i32>} : memref<80x128xi32, #tpu.memory_space<vmem>>, vector<1x16xi32>,
    %mul3A_534 = arith.constant 613 : i32
    %mul3A_535 = vector.broadcast %mul3A_534 : i32 to vector<16xi32>
    %mul3A_536 = arith.muli %iota3A, %mul3A_535 : vector<16xi32>
    %add3A_537 = arith.constant 61789 : i32
    %add3A_538 = vector.broadcast %add3A_537 : i32 to vector<16xi32>
    %add3A_539 = arith.addi %mul3A_536, %add3A_538 : vector<16xi32>
    %jit3A_540 = arith.constant 10000 : i32
    %eq3A_541 = arith.constant 0 : i32
    %eq3A_542 = arith.cmpi eq, %jit3A_540, %eq3A_541 : i32
    %jit3A_543 = arith.constant 1 : i32
    %select_n3A_544 = arith.select %eq3A_542, %jit3A_543, %jit3A_540 : i32
    %rem3A_545 = vector.broadcast %select_n3A_544 : i32 to vector<16xi32>
    %rem3A_546 = arith.remsi %add3A_539, %rem3A_545 : vector<16xi32>
    %ne3A_547 = arith.constant 0 : i32
    %ne3A_548 = vector.broadcast %ne3A_547 : i32 to vector<16xi32>
    %ne3A_549 = arith.cmpi ne, %rem3A_546, %ne3A_548 : vector<16xi32>
    %lt3A_550 = arith.constant 0 : i32
    %lt3A_551 = vector.broadcast %lt3A_550 : i32 to vector<16xi32>
    %lt3A_552 = arith.cmpi slt, %rem3A_546, %lt3A_551 : vector<16xi32>
    %lt3A_553 = arith.constant 0 : i32
    %lt3A_554 = arith.cmpi slt, %select_n3A_544, %lt3A_553 : i32
    %ne3A_555 = vector.broadcast %lt3A_554 : i1 to vector<16xi1>
    %ne3A_556 = vector.broadcast %ne3A_555 : vector<16xi1> to vector<16xi1>
    %ne3A_557 = arith.xori %lt3A_552, %ne3A_556 : vector<16xi1>
    %and3A_558 = arith.andi %ne3A_557, %ne3A_549 : vector<16xi1>
    %add3A_559 = vector.broadcast %select_n3A_544 : i32 to vector<16xi32>
    %add3A_560 = arith.addi %rem3A_546, %add3A_559 : vector<16xi32>
    %select_n3A_561 = arith.select %and3A_558, %add3A_560, %rem3A_546 : vector<16xi1>, vector<16xi32>
    %swap3A_562 = arith.constant 10192 : index
    %swap3A_563 = tpu.vector_load %arg6[%swap3A_562] {strides = array<i32>} : memref<10240xi32, #tpu.memory_space<vmem>>, vector<16xi32>,
    %swap3A_564 = vector.shape_cast %swap3A_563 : vector<16xi32> to vector<16xi32>
    %swap3A_565 = vector.shape_cast %select_n3A_561 : vector<16xi32> to vector<16xi32>
    tpu.vector_store %arg6[%swap3A_562], %swap3A_565 {strides = array<i32>} : memref<10240xi32, #tpu.memory_space<vmem>>, vector<16xi32>,
    %add3A_566 = arith.constant 10112 : i32
    %add3A_567 = vector.broadcast %add3A_566 : i32 to vector<16xi32>
    %add3A_568 = arith.addi %add3A_567, %iota3A : vector<16xi32>
    %swap3A_569 = arith.constant 79 : i32
    %swap3A_570 = arith.index_cast %swap3A_569 : i32 to index
    %swap3A_571 = arith.constant 80 : index
    %swap3A_572 = tpu.vector_load %arg7[%swap3A_570, %swap3A_571] {strides = array<i32>} : memref<80x128xi32, #tpu.memory_space<vmem>>, vector<1x16xi32>,
    %swap3A_573 = vector.shape_cast %swap3A_572 : vector<1x16xi32> to vector<16xi32>
    %swap3A_574 = vector.shape_cast %add3A_568 : vector<16xi32> to vector<1x16xi32>
    tpu.vector_store %arg7[%swap3A_570, %swap3A_571], %swap3A_574 {strides = array<i32>} : memref<80x128xi32, #tpu.memory_space<vmem>>, vector<1x16xi32>,
    %mul3A_575 = arith.constant 613 : i32
    %mul3A_576 = vector.broadcast %mul3A_575 : i32 to vector<16xi32>
    %mul3A_577 = arith.muli %iota3A, %mul3A_576 : vector<16xi32>
    %add3A_578 = arith.constant 61886 : i32
    %add3A_579 = vector.broadcast %add3A_578 : i32 to vector<16xi32>
    %add3A_580 = arith.addi %mul3A_577, %add3A_579 : vector<16xi32>
    %jit3A_581 = arith.constant 10000 : i32
    %eq3A_582 = arith.constant 0 : i32
    %eq3A_583 = arith.cmpi eq, %jit3A_581, %eq3A_582 : i32
    %jit3A_584 = arith.constant 1 : i32
    %select_n3A_585 = arith.select %eq3A_583, %jit3A_584, %jit3A_581 : i32
    %rem3A_586 = vector.broadcast %select_n3A_585 : i32 to vector<16xi32>
    %rem3A_587 = arith.remsi %add3A_580, %rem3A_586 : vector<16xi32>
    %ne3A_588 = arith.constant 0 : i32
    %ne3A_589 = vector.broadcast %ne3A_588 : i32 to vector<16xi32>
    %ne3A_590 = arith.cmpi ne, %rem3A_587, %ne3A_589 : vector<16xi32>
    %lt3A_591 = arith.constant 0 : i32
    %lt3A_592 = vector.broadcast %lt3A_591 : i32 to vector<16xi32>
    %lt3A_593 = arith.cmpi slt, %rem3A_587, %lt3A_592 : vector<16xi32>
    %lt3A_594 = arith.constant 0 : i32
    %lt3A_595 = arith.cmpi slt, %select_n3A_585, %lt3A_594 : i32
    %ne3A_596 = vector.broadcast %lt3A_595 : i1 to vector<16xi1>
    %ne3A_597 = vector.broadcast %ne3A_596 : vector<16xi1> to vector<16xi1>
    %ne3A_598 = arith.xori %lt3A_593, %ne3A_597 : vector<16xi1>
    %and3A_599 = arith.andi %ne3A_598, %ne3A_590 : vector<16xi1>
    %add3A_600 = vector.broadcast %select_n3A_585 : i32 to vector<16xi32>
    %add3A_601 = arith.addi %rem3A_587, %add3A_600 : vector<16xi32>
    %select_n3A_602 = arith.select %and3A_599, %add3A_601, %rem3A_587 : vector<16xi1>, vector<16xi32>
    %swap3A_603 = arith.constant 10208 : index
    %swap3A_604 = tpu.vector_load %arg6[%swap3A_603] {strides = array<i32>} : memref<10240xi32, #tpu.memory_space<vmem>>, vector<16xi32>,
    %swap3A_605 = vector.shape_cast %swap3A_604 : vector<16xi32> to vector<16xi32>
    %swap3A_606 = vector.shape_cast %select_n3A_602 : vector<16xi32> to vector<16xi32>
    tpu.vector_store %arg6[%swap3A_603], %swap3A_606 {strides = array<i32>} : memref<10240xi32, #tpu.memory_space<vmem>>, vector<16xi32>,
    %add3A_607 = arith.constant 10128 : i32
    %add3A_608 = vector.broadcast %add3A_607 : i32 to vector<16xi32>
    %add3A_609 = arith.addi %add3A_608, %iota3A : vector<16xi32>
    %swap3A_610 = arith.constant 79 : i32
    %swap3A_611 = arith.index_cast %swap3A_610 : i32 to index
    %swap3A_612 = arith.constant 96 : index
    %swap3A_613 = tpu.vector_load %arg7[%swap3A_611, %swap3A_612] {strides = array<i32>} : memref<80x128xi32, #tpu.memory_space<vmem>>, vector<1x16xi32>,
    %swap3A_614 = vector.shape_cast %swap3A_613 : vector<1x16xi32> to vector<16xi32>
    %swap3A_615 = vector.shape_cast %add3A_609 : vector<16xi32> to vector<1x16xi32>
    tpu.vector_store %arg7[%swap3A_611, %swap3A_612], %swap3A_615 {strides = array<i32>} : memref<80x128xi32, #tpu.memory_space<vmem>>, vector<1x16xi32>,
    %mul3A_616 = arith.constant 613 : i32
    %mul3A_617 = vector.broadcast %mul3A_616 : i32 to vector<16xi32>
    %mul3A_618 = arith.muli %iota3A, %mul3A_617 : vector<16xi32>
    %add3A_619 = arith.constant 61983 : i32
    %add3A_620 = vector.broadcast %add3A_619 : i32 to vector<16xi32>
    %add3A_621 = arith.addi %mul3A_618, %add3A_620 : vector<16xi32>
    %jit3A_622 = arith.constant 10000 : i32
    %eq3A_623 = arith.constant 0 : i32
    %eq3A_624 = arith.cmpi eq, %jit3A_622, %eq3A_623 : i32
    %jit3A_625 = arith.constant 1 : i32
    %select_n3A_626 = arith.select %eq3A_624, %jit3A_625, %jit3A_622 : i32
    %rem3A_627 = vector.broadcast %select_n3A_626 : i32 to vector<16xi32>
    %rem3A_628 = arith.remsi %add3A_621, %rem3A_627 : vector<16xi32>
    %ne3A_629 = arith.constant 0 : i32
    %ne3A_630 = vector.broadcast %ne3A_629 : i32 to vector<16xi32>
    %ne3A_631 = arith.cmpi ne, %rem3A_628, %ne3A_630 : vector<16xi32>
    %lt3A_632 = arith.constant 0 : i32
    %lt3A_633 = vector.broadcast %lt3A_632 : i32 to vector<16xi32>
    %lt3A_634 = arith.cmpi slt, %rem3A_628, %lt3A_633 : vector<16xi32>
    %lt3A_635 = arith.constant 0 : i32
    %lt3A_636 = arith.cmpi slt, %select_n3A_626, %lt3A_635 : i32
    %ne3A_637 = vector.broadcast %lt3A_636 : i1 to vector<16xi1>
    %ne3A_638 = vector.broadcast %ne3A_637 : vector<16xi1> to vector<16xi1>
    %ne3A_639 = arith.xori %lt3A_634, %ne3A_638 : vector<16xi1>
    %and3A_640 = arith.andi %ne3A_639, %ne3A_631 : vector<16xi1>
    %add3A_641 = vector.broadcast %select_n3A_626 : i32 to vector<16xi32>
    %add3A_642 = arith.addi %rem3A_628, %add3A_641 : vector<16xi32>
    %select_n3A_643 = arith.select %and3A_640, %add3A_642, %rem3A_628 : vector<16xi1>, vector<16xi32>
    %swap3A_644 = arith.constant 10224 : index
    %swap3A_645 = tpu.vector_load %arg6[%swap3A_644] {strides = array<i32>} : memref<10240xi32, #tpu.memory_space<vmem>>, vector<16xi32>,
    %swap3A_646 = vector.shape_cast %swap3A_645 : vector<16xi32> to vector<16xi32>
    %swap3A_647 = vector.shape_cast %select_n3A_643 : vector<16xi32> to vector<16xi32>
    tpu.vector_store %arg6[%swap3A_644], %swap3A_647 {strides = array<i32>} : memref<10240xi32, #tpu.memory_space<vmem>>, vector<16xi32>,
    %add3A_648 = arith.constant 10144 : i32
    %add3A_649 = vector.broadcast %add3A_648 : i32 to vector<16xi32>
    %add3A_650 = arith.addi %add3A_649, %iota3A : vector<16xi32>
    %swap3A_651 = arith.constant 79 : i32
    %swap3A_652 = arith.index_cast %swap3A_651 : i32 to index
    %swap3A_653 = arith.constant 112 : index
    %swap3A_654 = tpu.vector_load %arg7[%swap3A_652, %swap3A_653] {strides = array<i32>} : memref<80x128xi32, #tpu.memory_space<vmem>>, vector<1x16xi32>,
    %swap3A_655 = vector.shape_cast %swap3A_654 : vector<1x16xi32> to vector<16xi32>
    %swap3A_656 = vector.shape_cast %add3A_650 : vector<16xi32> to vector<1x16xi32>
    tpu.vector_store %arg7[%swap3A_652, %swap3A_653], %swap3A_656 {strides = array<i32>} : memref<80x128xi32, #tpu.memory_space<vmem>>, vector<1x16xi32>,
    %dma_wait3A = arith.constant 0 : i32
    %dma_wait3A_657 = arith.constant 0 : i32
    %dma_wait3A_658 = tpu.memref_slice %arg6[%dma_wait3A_657] : memref<10240xi32, #tpu.memory_space<vmem>> -> memref<10000xi32, #tpu.memory_space<vmem>>
    %dma_wait3A_659 = arith.constant 0 : i32
    %dma_wait3A_660 = tpu.memref_slice %arg2[%dma_wait3A, %dma_wait3A_659] : memref<2x320000xi32, #tpu.memory_space<hbm>> -> memref<1x320000xi32, #tpu.memory_space<hbm>>
    %dma_wait3A_661 = tpu.memref_squeeze %dma_wait3A_660 : memref<1x320000xi32, #tpu.memory_space<hbm>> -> memref<320000xi32, #tpu.memory_space<hbm>>
    %dma_wait3A_662 = tpu.memref_slice %dma_wait3A_661[%mul3A_5] : memref<320000xi32, #tpu.memory_space<hbm>> -> memref<10000xi32, #tpu.memory_space<hbm>>
    %dma_wait3A_663 = arith.constant 0 : i32
    %dma_wait3A_664 = tpu.memref_slice %arg6[%dma_wait3A_663] : memref<10240xi32, #tpu.memory_space<vmem>> -> memref<10000xi32, #tpu.memory_space<vmem>>
    %dma_wait3A_665 = arith.constant 0 : i32
    %dma_wait3A_666 = tpu.memref_slice %arg2[%dma_wait3A, %dma_wait3A_665] : memref<2x320000xi32, #tpu.memory_space<hbm>> -> memref<1x320000xi32, #tpu.memory_space<hbm>>
    %dma_wait3A_667 = tpu.memref_squeeze %dma_wait3A_666 : memref<1x320000xi32, #tpu.memory_space<hbm>> -> memref<320000xi32, #tpu.memory_space<hbm>>
    %dma_wait3A_668 = tpu.memref_slice %dma_wait3A_667[%mul3A_5] : memref<320000xi32, #tpu.memory_space<hbm>> -> memref<10000xi32, #tpu.memory_space<hbm>>
    tpu.wait_dma2 semaphore(%arg20 : memref<!tpu.dma_semaphore, #tpu.memory_space<semaphore_mem>>) src(%dma_wait3A_668 : memref<10000xi32, #tpu.memory_space<hbm>>) dst(%dma_wait3A_664 : memref<10000xi32, #tpu.memory_space<vmem>>)
    %scan3A_669 = arith.constant 1 : i32
    %scan3A_670 = arith.constant 0 : i32
    %scan3A_671 = arith.constant 0 : i32
    %scan3A_672 = arith.constant 78 : i32
    %scan3A_673 = arith.addi %scan3A_671, %scan3A_672 : i32
    %scan3A_674 = arith.constant 1 : i32
    %scan3A_675 = scf.for %scan3A_1315 = %scan3A_671 to %scan3A_673 step %scan3A_674 iter_args(%scan3A_1316 = %scan3A_670) -> (i32)  : i32 {
      %dma_wait3A_1317 = arith.constant 0 : i32
      %dma_wait3A_1318 = arith.constant 0 : i32
      %dma_wait3A_1319 = tpu.memref_slice %arg7[%dma_wait3A_1317, %dma_wait3A_1318] : memref<80x128xi32, #tpu.memory_space<vmem>> -> memref<1x128xi32, #tpu.memory_space<vmem>>
      %dma_wait3A_1320 = tpu.memref_squeeze %dma_wait3A_1319 : memref<1x128xi32, #tpu.memory_space<vmem>> -> memref<128xi32, #tpu.memory_space<vmem>>
      %dma_wait3A_1321 = arith.constant 0 : i32
      %dma_wait3A_1322 = tpu.memref_slice %arg2[%scan3A_669, %dma_wait3A_1321] : memref<2x320000xi32, #tpu.memory_space<hbm>> -> memref<1x320000xi32, #tpu.memory_space<hbm>>
      %dma_wait3A_1323 = tpu.memref_squeeze %dma_wait3A_1322 : memref<1x320000xi32, #tpu.memory_space<hbm>> -> memref<320000xi32, #tpu.memory_space<hbm>>
      %dma_wait3A_1324 = arith.constant 0 : i32
      %dma_wait3A_1325 = tpu.memref_slice %dma_wait3A_1323[%dma_wait3A_1324] : memref<320000xi32, #tpu.memory_space<hbm>> -> memref<128xi32, #tpu.memory_space<hbm>>
      %dma_wait3A_1326 = arith.constant 0 : i32
      %dma_wait3A_1327 = tpu.memref_slice %arg7[%dma_wait3A_1317, %dma_wait3A_1326] : memref<80x128xi32, #tpu.memory_space<vmem>> -> memref<1x128xi32, #tpu.memory_space<vmem>>
      %dma_wait3A_1328 = tpu.memref_squeeze %dma_wait3A_1327 : memref<1x128xi32, #tpu.memory_space<vmem>> -> memref<128xi32, #tpu.memory_space<vmem>>
      %dma_wait3A_1329 = arith.constant 0 : i32
      %dma_wait3A_1330 = tpu.memref_slice %arg2[%scan3A_669, %dma_wait3A_1329] : memref<2x320000xi32, #tpu.memory_space<hbm>> -> memref<1x320000xi32, #tpu.memory_space<hbm>>
      %dma_wait3A_1331 = tpu.memref_squeeze %dma_wait3A_1330 : memref<1x320000xi32, #tpu.memory_space<hbm>> -> memref<320000xi32, #tpu.memory_space<hbm>>
      %dma_wait3A_1332 = arith.constant 0 : i32
      %dma_wait3A_1333 = tpu.memref_slice %dma_wait3A_1331[%dma_wait3A_1332] : memref<320000xi32, #tpu.memory_space<hbm>> -> memref<128xi32, #tpu.memory_space<hbm>>
      tpu.wait_dma2 semaphore(%arg20 : memref<!tpu.dma_semaphore, #tpu.memory_space<semaphore_mem>>) src(%dma_wait3A_1333 : memref<128xi32, #tpu.memory_space<hbm>>) dst(%dma_wait3A_1328 : memref<128xi32, #tpu.memory_space<vmem>>)
      %scan3A_1334 = arith.constant 0 : i32
      scf.yield %scan3A_1334 : i32
    }
    %scan3A_676 = arith.constant 78 : i32
    %dma_wait3A_677 = arith.constant 1 : i32
    %dma_wait3A_678 = arith.constant 0 : i32
    %dma_wait3A_679 = arith.constant 0 : i32
    %dma_wait3A_680 = tpu.memref_slice %arg7[%dma_wait3A_678, %dma_wait3A_679] : memref<80x128xi32, #tpu.memory_space<vmem>> -> memref<1x16xi32, #tpu.memory_space<vmem>>
    %dma_wait3A_681 = tpu.memref_squeeze %dma_wait3A_680 : memref<1x16xi32, #tpu.memory_space<vmem>> -> memref<16xi32, #tpu.memory_space<vmem>>
    %dma_wait3A_682 = arith.constant 0 : i32
    %dma_wait3A_683 = tpu.memref_slice %arg2[%dma_wait3A_677, %dma_wait3A_682] : memref<2x320000xi32, #tpu.memory_space<hbm>> -> memref<1x320000xi32, #tpu.memory_space<hbm>>
    %dma_wait3A_684 = tpu.memref_squeeze %dma_wait3A_683 : memref<1x320000xi32, #tpu.memory_space<hbm>> -> memref<320000xi32, #tpu.memory_space<hbm>>
    %dma_wait3A_685 = arith.constant 0 : i32
    %dma_wait3A_686 = tpu.memref_slice %dma_wait3A_684[%dma_wait3A_685] : memref<320000xi32, #tpu.memory_space<hbm>> -> memref<16xi32, #tpu.memory_space<hbm>>
    %dma_wait3A_687 = arith.constant 0 : i32
    %dma_wait3A_688 = tpu.memref_slice %arg7[%dma_wait3A_678, %dma_wait3A_687] : memref<80x128xi32, #tpu.memory_space<vmem>> -> memref<1x16xi32, #tpu.memory_space<vmem>>
    %dma_wait3A_689 = tpu.memref_squeeze %dma_wait3A_688 : memref<1x16xi32, #tpu.memory_space<vmem>> -> memref<16xi32, #tpu.memory_space<vmem>>
    %dma_wait3A_690 = arith.constant 0 : i32
    %dma_wait3A_691 = tpu.memref_slice %arg2[%dma_wait3A_677, %dma_wait3A_690] : memref<2x320000xi32, #tpu.memory_space<hbm>> -> memref<1x320000xi32, #tpu.memory_space<hbm>>
    %dma_wait3A_692 = tpu.memref_squeeze %dma_wait3A_691 : memref<1x320000xi32, #tpu.memory_space<hbm>> -> memref<320000xi32, #tpu.memory_space<hbm>>
    %dma_wait3A_693 = arith.constant 0 : i32
    %dma_wait3A_694 = tpu.memref_slice %dma_wait3A_692[%dma_wait3A_693] : memref<320000xi32, #tpu.memory_space<hbm>> -> memref<16xi32, #tpu.memory_space<hbm>>
    tpu.wait_dma2 semaphore(%arg20 : memref<!tpu.dma_semaphore, #tpu.memory_space<semaphore_mem>>) src(%dma_wait3A_694 : memref<16xi32, #tpu.memory_space<hbm>>) dst(%dma_wait3A_689 : memref<16xi32, #tpu.memory_space<vmem>>)
    %scan3A_695 = arith.constant 0 : i32
    %scan3A_696 = arith.constant 0 : i32
    %scan3A_697 = arith.constant 625 : i32
    %scan3A_698 = arith.addi %scan3A_696, %scan3A_697 : i32
    %scan3A_699 = arith.constant 1 : i32
    %scan3A_700 = scf.for %scan3A_1315 = %scan3A_696 to %scan3A_698 step %scan3A_699 iter_args(%scan3A_1316 = %scan3A_695) -> (i32)  : i32 {
      %jit3A_1317 = arith.constant 8 : i32
      %div3A = arith.divsi %scan3A_1315, %jit3A_1317 : i32
      %sign3A = arith.constant 0 : i32
      %sign3A_1318 = arith.cmpi sgt, %scan3A_1315, %sign3A : i32
      %sign3A_1319 = arith.extui %sign3A_1318 : i1 to i32
      %sign3A_1320 = arith.constant 0 : i32
      %sign3A_1321 = arith.cmpi slt, %scan3A_1315, %sign3A_1320 : i32
      %sign3A_1322 = arith.extui %sign3A_1321 : i1 to i32
      %sign3A_1323 = arith.subi %sign3A_1319, %sign3A_1322 : i32
      %sign3A_1324 = arith.constant 0 : i32
      %sign3A_1325 = arith.cmpi sgt, %jit3A_1317, %sign3A_1324 : i32
      %sign3A_1326 = arith.extui %sign3A_1325 : i1 to i32
      %sign3A_1327 = arith.constant 0 : i32
      %sign3A_1328 = arith.cmpi slt, %jit3A_1317, %sign3A_1327 : i32
      %sign3A_1329 = arith.extui %sign3A_1328 : i1 to i32
      %sign3A_1330 = arith.subi %sign3A_1326, %sign3A_1329 : i32
      %ne3A_1331 = arith.cmpi ne, %sign3A_1323, %sign3A_1330 : i32
      %rem3A_1332 = arith.remsi %scan3A_1315, %jit3A_1317 : i32
      %ne3A_1333 = arith.constant 0 : i32
      %ne3A_1334 = arith.cmpi ne, %rem3A_1332, %ne3A_1333 : i32
      %and3A_1335 = arith.andi %ne3A_1331, %ne3A_1334 : i1
      %sub3A = arith.constant 1 : i32
      %sub3A_1336 = arith.subi %div3A, %sub3A : i32
      %select_n3A_1337 = arith.select %and3A_1335, %sub3A_1336, %div3A : i32
      %jit3A_1338 = arith.constant 8 : i32
      %eq3A_1339 = arith.constant 0 : i32
      %eq3A_1340 = arith.cmpi eq, %jit3A_1338, %eq3A_1339 : i32
      %jit3A_1341 = arith.constant 1 : i32
      %select_n3A_1342 = arith.select %eq3A_1340, %jit3A_1341, %jit3A_1338 : i32
      %rem3A_1343 = arith.remsi %scan3A_1315, %select_n3A_1342 : i32
      %ne3A_1344 = arith.constant 0 : i32
      %ne3A_1345 = arith.cmpi ne, %rem3A_1343, %ne3A_1344 : i32
      %lt3A_1346 = arith.constant 0 : i32
      %lt3A_1347 = arith.cmpi slt, %rem3A_1343, %lt3A_1346 : i32
      %lt3A_1348 = arith.constant 0 : i32
      %lt3A_1349 = arith.cmpi slt, %select_n3A_1342, %lt3A_1348 : i32
      %ne3A_1350 = arith.xori %lt3A_1347, %lt3A_1349 : i1
      %and3A_1351 = arith.andi %ne3A_1350, %ne3A_1345 : i1
      %add3A_1352 = arith.addi %rem3A_1343, %select_n3A_1342 : i32
      %select_n3A_1353 = arith.select %and3A_1351, %add3A_1352, %rem3A_1343 : i32
      %mul3A_1354 = arith.constant 16 : i32
      %mul3A_1355 = arith.muli %scan3A_1315, %mul3A_1354 : i32
      %get3A = arith.index_cast %mul3A_1355 : i32 to index
      %get3A_1356 = tpu.vector_load %arg6[%get3A] {strides = array<i32>} : memref<10240xi32, #tpu.memory_space<vmem>>, vector<16xi32>,
      %get3A_1357 = vector.shape_cast %get3A_1356 : vector<16xi32> to vector<16xi32>
      %mul3A_1358 = arith.constant 16 : i32
      %mul3A_1359 = arith.muli %select_n3A_1353, %mul3A_1358 : i32
      %get3A_1360 = arith.index_cast %select_n3A_1337 : i32 to index
      %get3A_1361 = arith.index_cast %mul3A_1359 : i32 to index
      %get3A_1362 = tpu.vector_load %arg7[%get3A_1360, %get3A_1361] {strides = array<i32>} : memref<80x128xi32, #tpu.memory_space<vmem>>, vector<1x16xi32>,
      %get3A_1363 = vector.shape_cast %get3A_1362 : vector<1x16xi32> to vector<16xi32>
      %jit3A_1364 = arith.constant 15 : i32
      %eq3A_1365 = arith.constant 0 : i32
      %eq3A_1366 = arith.cmpi eq, %jit3A_1364, %eq3A_1365 : i32
      %jit3A_1367 = arith.constant 1 : i32
      %select_n3A_1368 = arith.select %eq3A_1366, %jit3A_1367, %jit3A_1364 : i32
      %rem3A_1369 = arith.remsi %scan3A_1315, %select_n3A_1368 : i32
      %ne3A_1370 = arith.constant 0 : i32
      %ne3A_1371 = arith.cmpi ne, %rem3A_1369, %ne3A_1370 : i32
      %lt3A_1372 = arith.constant 0 : i32
      %lt3A_1373 = arith.cmpi slt, %rem3A_1369, %lt3A_1372 : i32
      %lt3A_1374 = arith.constant 0 : i32
      %lt3A_1375 = arith.cmpi slt, %select_n3A_1368, %lt3A_1374 : i32
      %ne3A_1376 = arith.xori %lt3A_1373, %lt3A_1375 : i1
      %and3A_1377 = arith.andi %ne3A_1376, %ne3A_1371 : i1
      %add3A_1378 = arith.addi %rem3A_1369, %select_n3A_1368 : i32
      %select_n3A_1379 = arith.select %and3A_1377, %add3A_1378, %rem3A_1369 : i32
      %mul3A_1380 = arith.constant 16 : i32
      %mul3A_1381 = arith.muli %select_n3A_1379, %mul3A_1380 : i32
      %add3A_1382 = arith.constant 10000 : i32
      %add3A_1383 = arith.addi %add3A_1382, %mul3A_1381 : i32
      %add3A_1384 = vector.broadcast %add3A_1383 : i32 to vector<16xi32>
      %add3A_1385 = arith.addi %add3A_1384, %iota3A : vector<16xi32>
      %eq3A_1386 = arith.cmpi eq, %get3A_1357, %get3A_1363 : vector<16xi32>
      %select_n3A_1387 = arith.select %eq3A_1386, %add3A_1385, %get3A_1363 : vector<16xi1>, vector<16xi32>
      %mul3A_1388 = arith.constant 16 : i32
      %mul3A_1389 = arith.muli %select_n3A_1353, %mul3A_1388 : i32
      %swap3A_1390 = arith.index_cast %select_n3A_1337 : i32 to index
      %swap3A_1391 = arith.index_cast %mul3A_1389 : i32 to index
      %swap3A_1392 = tpu.vector_load %arg7[%swap3A_1390, %swap3A_1391] {strides = array<i32>} : memref<80x128xi32, #tpu.memory_space<vmem>>, vector<1x16xi32>,
      %swap3A_1393 = vector.shape_cast %swap3A_1392 : vector<1x16xi32> to vector<16xi32>
      %swap3A_1394 = vector.shape_cast %select_n3A_1387 : vector<16xi32> to vector<1x16xi32>
      tpu.vector_store %arg7[%swap3A_1390, %swap3A_1391], %swap3A_1394 {strides = array<i32>} : memref<80x128xi32, #tpu.memory_space<vmem>>, vector<1x16xi32>,
      %scan3A_1395 = arith.constant 0 : i32
      scf.yield %scan3A_1395 : i32
    }
    %scan3A_701 = arith.constant 625 : i32
    %scan3A_702 = arith.constant 0 : i32
    %scan3A_703 = arith.constant 0 : i32
    %scan3A_704 = arith.constant 512 : i32
    %scan3A_705 = arith.addi %scan3A_703, %scan3A_704 : i32
    %scan3A_706 = arith.constant 1 : i32
    %scan3A_707 = scf.for %scan3A_1315 = %scan3A_703 to %scan3A_705 step %scan3A_706 iter_args(%scan3A_1316 = %scan3A_702) -> (i32)  : i32 {
      %jit3A_1317 = arith.constant 4 : i32
      %div3A = arith.divsi %scan3A_1315, %jit3A_1317 : i32
      %sign3A = arith.constant 0 : i32
      %sign3A_1318 = arith.cmpi sgt, %scan3A_1315, %sign3A : i32
      %sign3A_1319 = arith.extui %sign3A_1318 : i1 to i32
      %sign3A_1320 = arith.constant 0 : i32
      %sign3A_1321 = arith.cmpi slt, %scan3A_1315, %sign3A_1320 : i32
      %sign3A_1322 = arith.extui %sign3A_1321 : i1 to i32
      %sign3A_1323 = arith.subi %sign3A_1319, %sign3A_1322 : i32
      %sign3A_1324 = arith.constant 0 : i32
      %sign3A_1325 = arith.cmpi sgt, %jit3A_1317, %sign3A_1324 : i32
      %sign3A_1326 = arith.extui %sign3A_1325 : i1 to i32
      %sign3A_1327 = arith.constant 0 : i32
      %sign3A_1328 = arith.cmpi slt, %jit3A_1317, %sign3A_1327 : i32
      %sign3A_1329 = arith.extui %sign3A_1328 : i1 to i32
      %sign3A_1330 = arith.subi %sign3A_1326, %sign3A_1329 : i32
      %ne3A_1331 = arith.cmpi ne, %sign3A_1323, %sign3A_1330 : i32
      %rem3A_1332 = arith.remsi %scan3A_1315, %jit3A_1317 : i32
      %ne3A_1333 = arith.constant 0 : i32
      %ne3A_1334 = arith.cmpi ne, %rem3A_1332, %ne3A_1333 : i32
      %and3A_1335 = arith.andi %ne3A_1331, %ne3A_1334 : i1
      %sub3A = arith.constant 1 : i32
      %sub3A_1336 = arith.subi %div3A, %sub3A : i32
      %select_n3A_1337 = arith.select %and3A_1335, %sub3A_1336, %div3A : i32
      %jit3A_1338 = arith.constant 4 : i32
      %eq3A_1339 = arith.constant 0 : i32
      %eq3A_1340 = arith.cmpi eq, %jit3A_1338, %eq3A_1339 : i32
      %jit3A_1341 = arith.constant 1 : i32
      %select_n3A_1342 = arith.select %eq3A_1340, %jit3A_1341, %jit3A_1338 : i32
      %rem3A_1343 = arith.remsi %scan3A_1315, %select_n3A_1342 : i32
      %ne3A_1344 = arith.constant 0 : i32
      %ne3A_1345 = arith.cmpi ne, %rem3A_1343, %ne3A_1344 : i32
      %lt3A_1346 = arith.constant 0 : i32
      %lt3A_1347 = arith.cmpi slt, %rem3A_1343, %lt3A_1346 : i32
      %lt3A_1348 = arith.constant 0 : i32
      %lt3A_1349 = arith.cmpi slt, %select_n3A_1342, %lt3A_1348 : i32
      %ne3A_1350 = arith.xori %lt3A_1347, %lt3A_1349 : i1
      %and3A_1351 = arith.andi %ne3A_1350, %ne3A_1345 : i1
      %add3A_1352 = arith.addi %rem3A_1343, %select_n3A_1342 : i32
      %select_n3A_1353 = arith.select %and3A_1351, %add3A_1352, %rem3A_1343 : i32
      %mul3A_1354 = arith.constant 16 : i32
      %mul3A_1355 = arith.muli %select_n3A_1353, %mul3A_1354 : i32
      %swap3A_1356 = arith.index_cast %select_n3A_1337 : i32 to index
      %swap3A_1357 = arith.index_cast %mul3A_1355 : i32 to index
      %swap3A_1358 = tpu.vector_load %arg8[%swap3A_1356, %swap3A_1357] {strides = array<i32>} : memref<128x64xf32, #tpu.memory_space<vmem>>, vector<1x16xf32>,
      %swap3A_1359 = vector.shape_cast %swap3A_1358 : vector<1x16xf32> to vector<16xf32>
      %swap3A_1360 = vector.shape_cast %broadcast_in_dim3A_1 : vector<16xf32> to vector<1x16xf32>
      tpu.vector_store %arg8[%swap3A_1356, %swap3A_1357], %swap3A_1360 {strides = array<i32>} : memref<128x64xf32, #tpu.memory_space<vmem>>, vector<1x16xf32>,
      %scan3A_1361 = arith.constant 0 : i32
      scf.yield %scan3A_1361 : i32
    }
    %scan3A_708 = arith.constant 512 : i32
    %scan3A_709 = arith.constant 0 : i32
    %scan3A_710 = arith.constant 0 : i32
    %scan3A_711 = arith.constant 40 : i32
    %scan3A_712 = arith.addi %scan3A_710, %scan3A_711 : i32
    %scan3A_713 = arith.constant 1 : i32
    %scan3A_714 = scf.for %scan3A_1315 = %scan3A_710 to %scan3A_712 step %scan3A_713 iter_args(%scan3A_1316 = %scan3A_709) -> (i32)  : i32 {
      %mul3A_1317 = arith.constant 16 : i32
      %mul3A_1318 = arith.muli %scan3A_1315, %mul3A_1317 : i32
      %swap3A_1319 = arith.index_cast %mul3A_1318 : i32 to index
      %swap3A_1320 = tpu.vector_load %arg17[%swap3A_1319] {strides = array<i32>} : memref<640xf32, #tpu.memory_space<vmem>>, vector<16xf32>,
      %swap3A_1321 = vector.shape_cast %swap3A_1320 : vector<16xf32> to vector<16xf32>
      %swap3A_1322 = vector.shape_cast %broadcast_in_dim3A_1 : vector<16xf32> to vector<16xf32>
      tpu.vector_store %arg17[%swap3A_1319], %swap3A_1322 {strides = array<i32>} : memref<640xf32, #tpu.memory_space<vmem>>, vector<16xf32>,
      %scan3A_1323 = arith.constant 0 : i32
      scf.yield %scan3A_1323 : i32
    }
    %scan3A_715 = arith.constant 40 : i32
    %mul3A_716 = arith.constant 640 : i32
    %mul3A_717 = arith.muli %arg1, %mul3A_716 : i32
    %add3A_718 = arith.constant 0 : i32
    %add3A_719 = arith.addi %mul3A_717, %add3A_718 : i32
    "tpu.region"() ({
      %run_scoped3A = tpu.sem_alloc : memref<!tpu.dma_semaphore, #tpu.memory_space<semaphore_mem>>
      %dma_start3A_1315 = arith.constant 0 : i32
      %dma_start3A_1316 = tpu.memref_slice %arg18[%add3A_719, %dma_start3A_1315] : memref<10240x64xf32, #tpu.memory_space<vmem_shared>> -> memref<128x64xf32, #tpu.memory_space<vmem_shared>>
      %dma_start3A_1317 = arith.constant 0 : i32
      %dma_start3A_1318 = tpu.memref_slice %arg18[%add3A_719, %dma_start3A_1317] : memref<10240x64xf32, #tpu.memory_space<vmem_shared>> -> memref<128x64xf32, #tpu.memory_space<vmem_shared>>
      tpu.enqueue_dma source(%arg8 : memref<128x64xf32, #tpu.memory_space<vmem>>) target(%dma_start3A_1318 : memref<128x64xf32, #tpu.memory_space<vmem_shared>>) target_semaphore(%run_scoped3A : memref<!tpu.dma_semaphore, #tpu.memory_space<semaphore_mem>>)
      %dma_wait3A_1319 = arith.constant 0 : i32
      %dma_wait3A_1320 = tpu.memref_slice %arg18[%add3A_719, %dma_wait3A_1319] : memref<10240x64xf32, #tpu.memory_space<vmem_shared>> -> memref<128x64xf32, #tpu.memory_space<vmem_shared>>
      %dma_wait3A_1321 = arith.constant 0 : i32
      %dma_wait3A_1322 = tpu.memref_slice %arg18[%add3A_719, %dma_wait3A_1321] : memref<10240x64xf32, #tpu.memory_space<vmem_shared>> -> memref<128x64xf32, #tpu.memory_space<vmem_shared>>
      tpu.wait_dma2 semaphore(%run_scoped3A : memref<!tpu.dma_semaphore, #tpu.memory_space<semaphore_mem>>) src(%arg8 : memref<128x64xf32, #tpu.memory_space<vmem>>) dst(%dma_wait3A_1322 : memref<128x64xf32, #tpu.memory_space<vmem_shared>>)
      tpu.yield
    }) : () -> ()
    %add3A_720 = arith.constant 128 : i32
    %add3A_721 = arith.addi %mul3A_717, %add3A_720 : i32
    "tpu.region"() ({
      %run_scoped3A = tpu.sem_alloc : memref<!tpu.dma_semaphore, #tpu.memory_space<semaphore_mem>>
      %dma_start3A_1315 = arith.constant 0 : i32
      %dma_start3A_1316 = tpu.memref_slice %arg18[%add3A_721, %dma_start3A_1315] : memref<10240x64xf32, #tpu.memory_space<vmem_shared>> -> memref<128x64xf32, #tpu.memory_space<vmem_shared>>
      %dma_start3A_1317 = arith.constant 0 : i32
      %dma_start3A_1318 = tpu.memref_slice %arg18[%add3A_721, %dma_start3A_1317] : memref<10240x64xf32, #tpu.memory_space<vmem_shared>> -> memref<128x64xf32, #tpu.memory_space<vmem_shared>>
      tpu.enqueue_dma source(%arg8 : memref<128x64xf32, #tpu.memory_space<vmem>>) target(%dma_start3A_1318 : memref<128x64xf32, #tpu.memory_space<vmem_shared>>) target_semaphore(%run_scoped3A : memref<!tpu.dma_semaphore, #tpu.memory_space<semaphore_mem>>)
      %dma_wait3A_1319 = arith.constant 0 : i32
      %dma_wait3A_1320 = tpu.memref_slice %arg18[%add3A_721, %dma_wait3A_1319] : memref<10240x64xf32, #tpu.memory_space<vmem_shared>> -> memref<128x64xf32, #tpu.memory_space<vmem_shared>>
      %dma_wait3A_1321 = arith.constant 0 : i32
      %dma_wait3A_1322 = tpu.memref_slice %arg18[%add3A_721, %dma_wait3A_1321] : memref<10240x64xf32, #tpu.memory_space<vmem_shared>> -> memref<128x64xf32, #tpu.memory_space<vmem_shared>>
      tpu.wait_dma2 semaphore(%run_scoped3A : memref<!tpu.dma_semaphore, #tpu.memory_space<semaphore_mem>>) src(%arg8 : memref<128x64xf32, #tpu.memory_space<vmem>>) dst(%dma_wait3A_1322 : memref<128x64xf32, #tpu.memory_space<vmem_shared>>)
      tpu.yield
    }) : () -> ()
    %add3A_722 = arith.constant 256 : i32
    %add3A_723 = arith.addi %mul3A_717, %add3A_722 : i32
    "tpu.region"() ({
      %run_scoped3A = tpu.sem_alloc : memref<!tpu.dma_semaphore, #tpu.memory_space<semaphore_mem>>
      %dma_start3A_1315 = arith.constant 0 : i32
      %dma_start3A_1316 = tpu.memref_slice %arg18[%add3A_723, %dma_start3A_1315] : memref<10240x64xf32, #tpu.memory_space<vmem_shared>> -> memref<128x64xf32, #tpu.memory_space<vmem_shared>>
      %dma_start3A_1317 = arith.constant 0 : i32
      %dma_start3A_1318 = tpu.memref_slice %arg18[%add3A_723, %dma_start3A_1317] : memref<10240x64xf32, #tpu.memory_space<vmem_shared>> -> memref<128x64xf32, #tpu.memory_space<vmem_shared>>
      tpu.enqueue_dma source(%arg8 : memref<128x64xf32, #tpu.memory_space<vmem>>) target(%dma_start3A_1318 : memref<128x64xf32, #tpu.memory_space<vmem_shared>>) target_semaphore(%run_scoped3A : memref<!tpu.dma_semaphore, #tpu.memory_space<semaphore_mem>>)
      %dma_wait3A_1319 = arith.constant 0 : i32
      %dma_wait3A_1320 = tpu.memref_slice %arg18[%add3A_723, %dma_wait3A_1319] : memref<10240x64xf32, #tpu.memory_space<vmem_shared>> -> memref<128x64xf32, #tpu.memory_space<vmem_shared>>
      %dma_wait3A_1321 = arith.constant 0 : i32
      %dma_wait3A_1322 = tpu.memref_slice %arg18[%add3A_723, %dma_wait3A_1321] : memref<10240x64xf32, #tpu.memory_space<vmem_shared>> -> memref<128x64xf32, #tpu.memory_space<vmem_shared>>
      tpu.wait_dma2 semaphore(%run_scoped3A : memref<!tpu.dma_semaphore, #tpu.memory_space<semaphore_mem>>) src(%arg8 : memref<128x64xf32, #tpu.memory_space<vmem>>) dst(%dma_wait3A_1322 : memref<128x64xf32, #tpu.memory_space<vmem_shared>>)
      tpu.yield
    }) : () -> ()
    %add3A_724 = arith.constant 384 : i32
    %add3A_725 = arith.addi %mul3A_717, %add3A_724 : i32
    "tpu.region"() ({
      %run_scoped3A = tpu.sem_alloc : memref<!tpu.dma_semaphore, #tpu.memory_space<semaphore_mem>>
      %dma_start3A_1315 = arith.constant 0 : i32
      %dma_start3A_1316 = tpu.memref_slice %arg18[%add3A_725, %dma_start3A_1315] : memref<10240x64xf32, #tpu.memory_space<vmem_shared>> -> memref<128x64xf32, #tpu.memory_space<vmem_shared>>
      %dma_start3A_1317 = arith.constant 0 : i32
      %dma_start3A_1318 = tpu.memref_slice %arg18[%add3A_725, %dma_start3A_1317] : memref<10240x64xf32, #tpu.memory_space<vmem_shared>> -> memref<128x64xf32, #tpu.memory_space<vmem_shared>>
      tpu.enqueue_dma source(%arg8 : memref<128x64xf32, #tpu.memory_space<vmem>>) target(%dma_start3A_1318 : memref<128x64xf32, #tpu.memory_space<vmem_shared>>) target_semaphore(%run_scoped3A : memref<!tpu.dma_semaphore, #tpu.memory_space<semaphore_mem>>)
      %dma_wait3A_1319 = arith.constant 0 : i32
      %dma_wait3A_1320 = tpu.memref_slice %arg18[%add3A_725, %dma_wait3A_1319] : memref<10240x64xf32, #tpu.memory_space<vmem_shared>> -> memref<128x64xf32, #tpu.memory_space<vmem_shared>>
      %dma_wait3A_1321 = arith.constant 0 : i32
      %dma_wait3A_1322 = tpu.memref_slice %arg18[%add3A_725, %dma_wait3A_1321] : memref<10240x64xf32, #tpu.memory_space<vmem_shared>> -> memref<128x64xf32, #tpu.memory_space<vmem_shared>>
      tpu.wait_dma2 semaphore(%run_scoped3A : memref<!tpu.dma_semaphore, #tpu.memory_space<semaphore_mem>>) src(%arg8 : memref<128x64xf32, #tpu.memory_space<vmem>>) dst(%dma_wait3A_1322 : memref<128x64xf32, #tpu.memory_space<vmem_shared>>)
      tpu.yield
    }) : () -> ()
    %add3A_726 = arith.constant 512 : i32
    %add3A_727 = arith.addi %mul3A_717, %add3A_726 : i32
    "tpu.region"() ({
      %run_scoped3A = tpu.sem_alloc : memref<!tpu.dma_semaphore, #tpu.memory_space<semaphore_mem>>
      %dma_start3A_1315 = arith.constant 0 : i32
      %dma_start3A_1316 = tpu.memref_slice %arg18[%add3A_727, %dma_start3A_1315] : memref<10240x64xf32, #tpu.memory_space<vmem_shared>> -> memref<128x64xf32, #tpu.memory_space<vmem_shared>>
      %dma_start3A_1317 = arith.constant 0 : i32
      %dma_start3A_1318 = tpu.memref_slice %arg18[%add3A_727, %dma_start3A_1317] : memref<10240x64xf32, #tpu.memory_space<vmem_shared>> -> memref<128x64xf32, #tpu.memory_space<vmem_shared>>
      tpu.enqueue_dma source(%arg8 : memref<128x64xf32, #tpu.memory_space<vmem>>) target(%dma_start3A_1318 : memref<128x64xf32, #tpu.memory_space<vmem_shared>>) target_semaphore(%run_scoped3A : memref<!tpu.dma_semaphore, #tpu.memory_space<semaphore_mem>>)
      %dma_wait3A_1319 = arith.constant 0 : i32
      %dma_wait3A_1320 = tpu.memref_slice %arg18[%add3A_727, %dma_wait3A_1319] : memref<10240x64xf32, #tpu.memory_space<vmem_shared>> -> memref<128x64xf32, #tpu.memory_space<vmem_shared>>
      %dma_wait3A_1321 = arith.constant 0 : i32
      %dma_wait3A_1322 = tpu.memref_slice %arg18[%add3A_727, %dma_wait3A_1321] : memref<10240x64xf32, #tpu.memory_space<vmem_shared>> -> memref<128x64xf32, #tpu.memory_space<vmem_shared>>
      tpu.wait_dma2 semaphore(%run_scoped3A : memref<!tpu.dma_semaphore, #tpu.memory_space<semaphore_mem>>) src(%arg8 : memref<128x64xf32, #tpu.memory_space<vmem>>) dst(%dma_wait3A_1322 : memref<128x64xf32, #tpu.memory_space<vmem_shared>>)
      tpu.yield
    }) : () -> ()
    "tpu.region"() ({
      %run_scoped3A = tpu.sem_alloc : memref<!tpu.dma_semaphore, #tpu.memory_space<semaphore_mem>>
      %dma_start3A_1315 = arith.constant 0 : i32
      %dma_start3A_1316 = tpu.memref_slice %arg17[%dma_start3A_1315] : memref<640xf32, #tpu.memory_space<vmem>> -> memref<640xf32, #tpu.memory_space<vmem>>
      %dma_start3A_1317 = tpu.memref_slice %arg19[%mul3A_717] : memref<10240xf32, #tpu.memory_space<vmem_shared>> -> memref<640xf32, #tpu.memory_space<vmem_shared>>
      %dma_start3A_1318 = tpu.memref_slice %arg19[%mul3A_717] : memref<10240xf32, #tpu.memory_space<vmem_shared>> -> memref<640xf32, #tpu.memory_space<vmem_shared>>
      %dma_start3A_1319 = arith.constant 0 : i32
      %dma_start3A_1320 = tpu.memref_slice %arg17[%dma_start3A_1319] : memref<640xf32, #tpu.memory_space<vmem>> -> memref<640xf32, #tpu.memory_space<vmem>>
      tpu.enqueue_dma source(%dma_start3A_1320 : memref<640xf32, #tpu.memory_space<vmem>>) target(%dma_start3A_1318 : memref<640xf32, #tpu.memory_space<vmem_shared>>) target_semaphore(%run_scoped3A : memref<!tpu.dma_semaphore, #tpu.memory_space<semaphore_mem>>)
      %dma_wait3A_1321 = arith.constant 0 : i32
      %dma_wait3A_1322 = tpu.memref_slice %arg17[%dma_wait3A_1321] : memref<640xf32, #tpu.memory_space<vmem>> -> memref<640xf32, #tpu.memory_space<vmem>>
      %dma_wait3A_1323 = tpu.memref_slice %arg19[%mul3A_717] : memref<10240xf32, #tpu.memory_space<vmem_shared>> -> memref<640xf32, #tpu.memory_space<vmem_shared>>
      %dma_wait3A_1324 = tpu.memref_slice %arg19[%mul3A_717] : memref<10240xf32, #tpu.memory_space<vmem_shared>> -> memref<640xf32, #tpu.memory_space<vmem_shared>>
      %dma_wait3A_1325 = arith.constant 0 : i32
      %dma_wait3A_1326 = tpu.memref_slice %arg17[%dma_wait3A_1325] : memref<640xf32, #tpu.memory_space<vmem>> -> memref<640xf32, #tpu.memory_space<vmem>>
      tpu.wait_dma2 semaphore(%run_scoped3A : memref<!tpu.dma_semaphore, #tpu.memory_space<semaphore_mem>>) src(%dma_wait3A_1326 : memref<640xf32, #tpu.memory_space<vmem>>) dst(%dma_wait3A_1324 : memref<640xf32, #tpu.memory_space<vmem_shared>>)
      tpu.yield
    }) : () -> ()
    %barrier3A = arith.constant 0 : index
    tpu.barrier barrier_id(%barrier3A)
    %dma_start3A_728 = arith.constant 0 : i32
    %dma_start3A_729 = tpu.memref_slice %arg6[%dma_start3A_728] : memref<10240xi32, #tpu.memory_space<vmem>> -> memref<128xi32, #tpu.memory_space<vmem>>
    %dma_start3A_730 = arith.constant 0 : i32
    %dma_start3A_731 = arith.constant 0 : i32
    %dma_start3A_732 = tpu.memref_slice %arg3[%dma_start3A_730, %dma_start3A_731] : memref<10000x64xf32, #tpu.memory_space<hbm>> -> memref<10000x64xf32, #tpu.memory_space<hbm>>
    tpu.enqueue_indirect_dma source(%dma_start3A_732 : memref<10000x64xf32, #tpu.memory_space<hbm>>) target(%arg8 : memref<128x64xf32, #tpu.memory_space<vmem>>) offsets(%dma_start3A_729 : memref<128xi32, #tpu.memory_space<vmem>>) semaphore(%arg21 : memref<!tpu.dma_semaphore, #tpu.memory_space<semaphore_mem>>)
    %dma_start3A_733 = arith.constant 128 : i32
    %dma_start3A_734 = tpu.memref_slice %arg6[%dma_start3A_733] : memref<10240xi32, #tpu.memory_space<vmem>> -> memref<128xi32, #tpu.memory_space<vmem>>
    %dma_start3A_735 = arith.constant 0 : i32
    %dma_start3A_736 = arith.constant 0 : i32
    %dma_start3A_737 = tpu.memref_slice %arg3[%dma_start3A_735, %dma_start3A_736] : memref<10000x64xf32, #tpu.memory_space<hbm>> -> memref<10000x64xf32, #tpu.memory_space<hbm>>
    tpu.enqueue_indirect_dma source(%dma_start3A_737 : memref<10000x64xf32, #tpu.memory_space<hbm>>) target(%arg9 : memref<128x64xf32, #tpu.memory_space<vmem>>) offsets(%dma_start3A_734 : memref<128xi32, #tpu.memory_space<vmem>>) semaphore(%arg22 : memref<!tpu.dma_semaphore, #tpu.memory_space<semaphore_mem>>)
    %dma_start3A_738 = arith.constant 256 : i32
    %dma_start3A_739 = tpu.memref_slice %arg6[%dma_start3A_738] : memref<10240xi32, #tpu.memory_space<vmem>> -> memref<128xi32, #tpu.memory_space<vmem>>
    %dma_start3A_740 = arith.constant 0 : i32
    %dma_start3A_741 = arith.constant 0 : i32
    %dma_start3A_742 = tpu.memref_slice %arg3[%dma_start3A_740, %dma_start3A_741] : memref<10000x64xf32, #tpu.memory_space<hbm>> -> memref<10000x64xf32, #tpu.memory_space<hbm>>
    tpu.enqueue_indirect_dma source(%dma_start3A_742 : memref<10000x64xf32, #tpu.memory_space<hbm>>) target(%arg10 : memref<128x64xf32, #tpu.memory_space<vmem>>) offsets(%dma_start3A_739 : memref<128xi32, #tpu.memory_space<vmem>>) semaphore(%arg23 : memref<!tpu.dma_semaphore, #tpu.memory_space<semaphore_mem>>)
    %dma_start3A_743 = arith.constant 384 : i32
    %dma_start3A_744 = tpu.memref_slice %arg6[%dma_start3A_743] : memref<10240xi32, #tpu.memory_space<vmem>> -> memref<128xi32, #tpu.memory_space<vmem>>
    %dma_start3A_745 = arith.constant 0 : i32
    %dma_start3A_746 = arith.constant 0 : i32
    %dma_start3A_747 = tpu.memref_slice %arg3[%dma_start3A_745, %dma_start3A_746] : memref<10000x64xf32, #tpu.memory_space<hbm>> -> memref<10000x64xf32, #tpu.memory_space<hbm>>
    tpu.enqueue_indirect_dma source(%dma_start3A_747 : memref<10000x64xf32, #tpu.memory_space<hbm>>) target(%arg11 : memref<128x64xf32, #tpu.memory_space<vmem>>) offsets(%dma_start3A_744 : memref<128xi32, #tpu.memory_space<vmem>>) semaphore(%arg24 : memref<!tpu.dma_semaphore, #tpu.memory_space<semaphore_mem>>)
    %dma_start3A_748 = arith.constant 512 : i32
    %dma_start3A_749 = tpu.memref_slice %arg6[%dma_start3A_748] : memref<10240xi32, #tpu.memory_space<vmem>> -> memref<128xi32, #tpu.memory_space<vmem>>
    %dma_start3A_750 = arith.constant 0 : i32
    %dma_start3A_751 = arith.constant 0 : i32
    %dma_start3A_752 = tpu.memref_slice %arg3[%dma_start3A_750, %dma_start3A_751] : memref<10000x64xf32, #tpu.memory_space<hbm>> -> memref<10000x64xf32, #tpu.memory_space<hbm>>
    tpu.enqueue_indirect_dma source(%dma_start3A_752 : memref<10000x64xf32, #tpu.memory_space<hbm>>) target(%arg12 : memref<128x64xf32, #tpu.memory_space<vmem>>) offsets(%dma_start3A_749 : memref<128xi32, #tpu.memory_space<vmem>>) semaphore(%arg25 : memref<!tpu.dma_semaphore, #tpu.memory_space<semaphore_mem>>)
    %dma_start3A_753 = arith.constant 640 : i32
    %dma_start3A_754 = tpu.memref_slice %arg6[%dma_start3A_753] : memref<10240xi32, #tpu.memory_space<vmem>> -> memref<128xi32, #tpu.memory_space<vmem>>
    %dma_start3A_755 = arith.constant 0 : i32
    %dma_start3A_756 = arith.constant 0 : i32
    %dma_start3A_757 = tpu.memref_slice %arg3[%dma_start3A_755, %dma_start3A_756] : memref<10000x64xf32, #tpu.memory_space<hbm>> -> memref<10000x64xf32, #tpu.memory_space<hbm>>
    tpu.enqueue_indirect_dma source(%dma_start3A_757 : memref<10000x64xf32, #tpu.memory_space<hbm>>) target(%arg13 : memref<128x64xf32, #tpu.memory_space<vmem>>) offsets(%dma_start3A_754 : memref<128xi32, #tpu.memory_space<vmem>>) semaphore(%arg26 : memref<!tpu.dma_semaphore, #tpu.memory_space<semaphore_mem>>)
    %dma_start3A_758 = arith.constant 768 : i32
    %dma_start3A_759 = tpu.memref_slice %arg6[%dma_start3A_758] : memref<10240xi32, #tpu.memory_space<vmem>> -> memref<128xi32, #tpu.memory_space<vmem>>
    %dma_start3A_760 = arith.constant 0 : i32
    %dma_start3A_761 = arith.constant 0 : i32
    %dma_start3A_762 = tpu.memref_slice %arg3[%dma_start3A_760, %dma_start3A_761] : memref<10000x64xf32, #tpu.memory_space<hbm>> -> memref<10000x64xf32, #tpu.memory_space<hbm>>
    tpu.enqueue_indirect_dma source(%dma_start3A_762 : memref<10000x64xf32, #tpu.memory_space<hbm>>) target(%arg14 : memref<128x64xf32, #tpu.memory_space<vmem>>) offsets(%dma_start3A_759 : memref<128xi32, #tpu.memory_space<vmem>>) semaphore(%arg27 : memref<!tpu.dma_semaphore, #tpu.memory_space<semaphore_mem>>)
    %dma_wait3A_763 = arith.constant 0 : i32
    %dma_wait3A_764 = tpu.memref_slice %arg6[%dma_wait3A_763] : memref<10240xi32, #tpu.memory_space<vmem>> -> memref<128xi32, #tpu.memory_space<vmem>>
    %dma_wait3A_765 = arith.constant 0 : i32
    %dma_wait3A_766 = arith.constant 0 : i32
    %dma_wait3A_767 = tpu.memref_slice %arg3[%dma_wait3A_765, %dma_wait3A_766] : memref<10000x64xf32, #tpu.memory_space<hbm>> -> memref<10000x64xf32, #tpu.memory_space<hbm>>
    tpu.wait_indirect_dma semaphore(%arg21 : memref<!tpu.dma_semaphore, #tpu.memory_space<semaphore_mem>>) src(%dma_wait3A_767 : memref<10000x64xf32, #tpu.memory_space<hbm>>) dst(%arg8 : memref<128x64xf32, #tpu.memory_space<vmem>>)
    %dma_start3A_768 = arith.constant 0 : i32
    %dma_start3A_769 = arith.constant 0 : i32
    %dma_start3A_770 = tpu.memref_slice %arg7[%dma_start3A_768, %dma_start3A_769] : memref<80x128xi32, #tpu.memory_space<vmem>> -> memref<1x128xi32, #tpu.memory_space<vmem>>
    %dma_start3A_771 = tpu.memref_squeeze %dma_start3A_770 : memref<1x128xi32, #tpu.memory_space<vmem>> -> memref<128xi32, #tpu.memory_space<vmem>>
    %dma_start3A_772 = arith.constant 0 : i32
    %dma_start3A_773 = arith.constant 0 : i32
    %dma_start3A_774 = tpu.memref_slice %arg18[%dma_start3A_772, %dma_start3A_773] : memref<10240x64xf32, #tpu.memory_space<vmem_shared>> -> memref<10240x64xf32, #tpu.memory_space<vmem_shared>>
    tpu.enqueue_indirect_dma source(%arg8 : memref<128x64xf32, #tpu.memory_space<vmem>>) target(%dma_start3A_774 : memref<10240x64xf32, #tpu.memory_space<vmem_shared>>) offsets(%dma_start3A_771 : memref<128xi32, #tpu.memory_space<vmem>>) semaphore(%arg29 : memref<!tpu.dma_semaphore, #tpu.memory_space<semaphore_mem>>) {add = true}
    %dma_start3A_775 = arith.constant 0 : i32
    %dma_start3A_776 = arith.constant 0 : i32
    %dma_start3A_777 = tpu.memref_slice %arg7[%dma_start3A_775, %dma_start3A_776] : memref<80x128xi32, #tpu.memory_space<vmem>> -> memref<1x128xi32, #tpu.memory_space<vmem>>
    %dma_start3A_778 = tpu.memref_squeeze %dma_start3A_777 : memref<1x128xi32, #tpu.memory_space<vmem>> -> memref<128xi32, #tpu.memory_space<vmem>>
    %dma_start3A_779 = arith.constant 0 : i32
    %dma_start3A_780 = tpu.memref_slice %arg19[%dma_start3A_779] : memref<10240xf32, #tpu.memory_space<vmem_shared>> -> memref<10240xf32, #tpu.memory_space<vmem_shared>>
    tpu.enqueue_indirect_dma source(%arg16 : memref<128xf32, #tpu.memory_space<vmem>>) target(%dma_start3A_780 : memref<10240xf32, #tpu.memory_space<vmem_shared>>) offsets(%dma_start3A_778 : memref<128xi32, #tpu.memory_space<vmem>>) semaphore(%arg37 : memref<!tpu.dma_semaphore, #tpu.memory_space<semaphore_mem>>) {add = true}
    %dma_start3A_781 = arith.constant 896 : i32
    %dma_start3A_782 = tpu.memref_slice %arg6[%dma_start3A_781] : memref<10240xi32, #tpu.memory_space<vmem>> -> memref<128xi32, #tpu.memory_space<vmem>>
    %dma_start3A_783 = arith.constant 0 : i32
    %dma_start3A_784 = arith.constant 0 : i32
    %dma_start3A_785 = tpu.memref_slice %arg3[%dma_start3A_783, %dma_start3A_784] : memref<10000x64xf32, #tpu.memory_space<hbm>> -> memref<10000x64xf32, #tpu.memory_space<hbm>>
    tpu.enqueue_indirect_dma source(%dma_start3A_785 : memref<10000x64xf32, #tpu.memory_space<hbm>>) target(%arg15 : memref<128x64xf32, #tpu.memory_space<vmem>>) offsets(%dma_start3A_782 : memref<128xi32, #tpu.memory_space<vmem>>) semaphore(%arg28 : memref<!tpu.dma_semaphore, #tpu.memory_space<semaphore_mem>>)
    %dma_wait3A_786 = arith.constant 0 : i32
    %dma_wait3A_787 = tpu.memref_slice %arg6[%dma_wait3A_786] : memref<10240xi32, #tpu.memory_space<vmem>> -> memref<128xi32, #tpu.memory_space<vmem>>
    %dma_wait3A_788 = arith.constant 0 : i32
    %dma_wait3A_789 = arith.constant 0 : i32
    %dma_wait3A_790 = tpu.memref_slice %arg3[%dma_wait3A_788, %dma_wait3A_789] : memref<10000x64xf32, #tpu.memory_space<hbm>> -> memref<10000x64xf32, #tpu.memory_space<hbm>>
    tpu.wait_indirect_dma semaphore(%arg22 : memref<!tpu.dma_semaphore, #tpu.memory_space<semaphore_mem>>) src(%dma_wait3A_790 : memref<10000x64xf32, #tpu.memory_space<hbm>>) dst(%arg9 : memref<128x64xf32, #tpu.memory_space<vmem>>)
    %dma_start3A_791 = arith.constant 1 : i32
    %dma_start3A_792 = arith.constant 0 : i32
    %dma_start3A_793 = tpu.memref_slice %arg7[%dma_start3A_791, %dma_start3A_792] : memref<80x128xi32, #tpu.memory_space<vmem>> -> memref<1x128xi32, #tpu.memory_space<vmem>>
    %dma_start3A_794 = tpu.memref_squeeze %dma_start3A_793 : memref<1x128xi32, #tpu.memory_space<vmem>> -> memref<128xi32, #tpu.memory_space<vmem>>
    %dma_start3A_795 = arith.constant 0 : i32
    %dma_start3A_796 = arith.constant 0 : i32
    %dma_start3A_797 = tpu.memref_slice %arg18[%dma_start3A_795, %dma_start3A_796] : memref<10240x64xf32, #tpu.memory_space<vmem_shared>> -> memref<10240x64xf32, #tpu.memory_space<vmem_shared>>
    tpu.enqueue_indirect_dma source(%arg9 : memref<128x64xf32, #tpu.memory_space<vmem>>) target(%dma_start3A_797 : memref<10240x64xf32, #tpu.memory_space<vmem_shared>>) offsets(%dma_start3A_794 : memref<128xi32, #tpu.memory_space<vmem>>) semaphore(%arg30 : memref<!tpu.dma_semaphore, #tpu.memory_space<semaphore_mem>>) {add = true}
    %dma_start3A_798 = arith.constant 1 : i32
    %dma_start3A_799 = arith.constant 0 : i32
    %dma_start3A_800 = tpu.memref_slice %arg7[%dma_start3A_798, %dma_start3A_799] : memref<80x128xi32, #tpu.memory_space<vmem>> -> memref<1x128xi32, #tpu.memory_space<vmem>>
    %dma_start3A_801 = tpu.memref_squeeze %dma_start3A_800 : memref<1x128xi32, #tpu.memory_space<vmem>> -> memref<128xi32, #tpu.memory_space<vmem>>
    %dma_start3A_802 = arith.constant 0 : i32
    %dma_start3A_803 = tpu.memref_slice %arg19[%dma_start3A_802] : memref<10240xf32, #tpu.memory_space<vmem_shared>> -> memref<10240xf32, #tpu.memory_space<vmem_shared>>
    tpu.enqueue_indirect_dma source(%arg16 : memref<128xf32, #tpu.memory_space<vmem>>) target(%dma_start3A_803 : memref<10240xf32, #tpu.memory_space<vmem_shared>>) offsets(%dma_start3A_801 : memref<128xi32, #tpu.memory_space<vmem>>) semaphore(%arg38 : memref<!tpu.dma_semaphore, #tpu.memory_space<semaphore_mem>>) {add = true}
    %dma_wait3A_804 = arith.constant 0 : i32
    %dma_wait3A_805 = arith.constant 0 : i32
    %dma_wait3A_806 = tpu.memref_slice %arg7[%dma_wait3A_804, %dma_wait3A_805] : memref<80x128xi32, #tpu.memory_space<vmem>> -> memref<1x128xi32, #tpu.memory_space<vmem>>
    %dma_wait3A_807 = tpu.memref_squeeze %dma_wait3A_806 : memref<1x128xi32, #tpu.memory_space<vmem>> -> memref<128xi32, #tpu.memory_space<vmem>>
    %dma_wait3A_808 = arith.constant 0 : i32
    %dma_wait3A_809 = arith.constant 0 : i32
    %dma_wait3A_810 = tpu.memref_slice %arg18[%dma_wait3A_808, %dma_wait3A_809] : memref<10240x64xf32, #tpu.memory_space<vmem_shared>> -> memref<10240x64xf32, #tpu.memory_space<vmem_shared>>
    tpu.wait_indirect_dma semaphore(%arg29 : memref<!tpu.dma_semaphore, #tpu.memory_space<semaphore_mem>>) src(%arg8 : memref<128x64xf32, #tpu.memory_space<vmem>>) dst(%dma_wait3A_810 : memref<10240x64xf32, #tpu.memory_space<vmem_shared>>)
    %dma_wait3A_811 = arith.constant 0 : i32
    %dma_wait3A_812 = arith.constant 0 : i32
    %dma_wait3A_813 = tpu.memref_slice %arg7[%dma_wait3A_811, %dma_wait3A_812] : memref<80x128xi32, #tpu.memory_space<vmem>> -> memref<1x128xi32, #tpu.memory_space<vmem>>
    %dma_wait3A_814 = tpu.memref_squeeze %dma_wait3A_813 : memref<1x128xi32, #tpu.memory_space<vmem>> -> memref<128xi32, #tpu.memory_space<vmem>>
    %dma_wait3A_815 = arith.constant 0 : i32
    %dma_wait3A_816 = tpu.memref_slice %arg19[%dma_wait3A_815] : memref<10240xf32, #tpu.memory_space<vmem_shared>> -> memref<10240xf32, #tpu.memory_space<vmem_shared>>
    tpu.wait_indirect_dma semaphore(%arg37 : memref<!tpu.dma_semaphore, #tpu.memory_space<semaphore_mem>>) src(%arg16 : memref<128xf32, #tpu.memory_space<vmem>>) dst(%dma_wait3A_816 : memref<10240xf32, #tpu.memory_space<vmem_shared>>)
    %dma_start3A_817 = arith.constant 1024 : i32
    %dma_start3A_818 = tpu.memref_slice %arg6[%dma_start3A_817] : memref<10240xi32, #tpu.memory_space<vmem>> -> memref<128xi32, #tpu.memory_space<vmem>>
    %dma_start3A_819 = arith.constant 0 : i32
    %dma_start3A_820 = arith.constant 0 : i32
    %dma_start3A_821 = tpu.memref_slice %arg3[%dma_start3A_819, %dma_start3A_820] : memref<10000x64xf32, #tpu.memory_space<hbm>> -> memref<10000x64xf32, #tpu.memory_space<hbm>>
    tpu.enqueue_indirect_dma source(%dma_start3A_821 : memref<10000x64xf32, #tpu.memory_space<hbm>>) target(%arg8 : memref<128x64xf32, #tpu.memory_space<vmem>>) offsets(%dma_start3A_818 : memref<128xi32, #tpu.memory_space<vmem>>) semaphore(%arg21 : memref<!tpu.dma_semaphore, #tpu.memory_space<semaphore_mem>>)
    %dma_wait3A_822 = arith.constant 0 : i32
    %dma_wait3A_823 = tpu.memref_slice %arg6[%dma_wait3A_822] : memref<10240xi32, #tpu.memory_space<vmem>> -> memref<128xi32, #tpu.memory_space<vmem>>
    %dma_wait3A_824 = arith.constant 0 : i32
    %dma_wait3A_825 = arith.constant 0 : i32
    %dma_wait3A_826 = tpu.memref_slice %arg3[%dma_wait3A_824, %dma_wait3A_825] : memref<10000x64xf32, #tpu.memory_space<hbm>> -> memref<10000x64xf32, #tpu.memory_space<hbm>>
    tpu.wait_indirect_dma semaphore(%arg23 : memref<!tpu.dma_semaphore, #tpu.memory_space<semaphore_mem>>) src(%dma_wait3A_826 : memref<10000x64xf32, #tpu.memory_space<hbm>>) dst(%arg10 : memref<128x64xf32, #tpu.memory_space<vmem>>)
    %dma_start3A_827 = arith.constant 2 : i32
    %dma_start3A_828 = arith.constant 0 : i32
    %dma_start3A_829 = tpu.memref_slice %arg7[%dma_start3A_827, %dma_start3A_828] : memref<80x128xi32, #tpu.memory_space<vmem>> -> memref<1x128xi32, #tpu.memory_space<vmem>>
    %dma_start3A_830 = tpu.memref_squeeze %dma_start3A_829 : memref<1x128xi32, #tpu.memory_space<vmem>> -> memref<128xi32, #tpu.memory_space<vmem>>
    %dma_start3A_831 = arith.constant 0 : i32
    %dma_start3A_832 = arith.constant 0 : i32
    %dma_start3A_833 = tpu.memref_slice %arg18[%dma_start3A_831, %dma_start3A_832] : memref<10240x64xf32, #tpu.memory_space<vmem_shared>> -> memref<10240x64xf32, #tpu.memory_space<vmem_shared>>
    tpu.enqueue_indirect_dma source(%arg10 : memref<128x64xf32, #tpu.memory_space<vmem>>) target(%dma_start3A_833 : memref<10240x64xf32, #tpu.memory_space<vmem_shared>>) offsets(%dma_start3A_830 : memref<128xi32, #tpu.memory_space<vmem>>) semaphore(%arg31 : memref<!tpu.dma_semaphore, #tpu.memory_space<semaphore_mem>>) {add = true}
    %dma_start3A_834 = arith.constant 2 : i32
    %dma_start3A_835 = arith.constant 0 : i32
    %dma_start3A_836 = tpu.memref_slice %arg7[%dma_start3A_834, %dma_start3A_835] : memref<80x128xi32, #tpu.memory_space<vmem>> -> memref<1x128xi32, #tpu.memory_space<vmem>>
    %dma_start3A_837 = tpu.memref_squeeze %dma_start3A_836 : memref<1x128xi32, #tpu.memory_space<vmem>> -> memref<128xi32, #tpu.memory_space<vmem>>
    %dma_start3A_838 = arith.constant 0 : i32
    %dma_start3A_839 = tpu.memref_slice %arg19[%dma_start3A_838] : memref<10240xf32, #tpu.memory_space<vmem_shared>> -> memref<10240xf32, #tpu.memory_space<vmem_shared>>
    tpu.enqueue_indirect_dma source(%arg16 : memref<128xf32, #tpu.memory_space<vmem>>) target(%dma_start3A_839 : memref<10240xf32, #tpu.memory_space<vmem_shared>>) offsets(%dma_start3A_837 : memref<128xi32, #tpu.memory_space<vmem>>) semaphore(%arg39 : memref<!tpu.dma_semaphore, #tpu.memory_space<semaphore_mem>>) {add = true}
    %dma_wait3A_840 = arith.constant 0 : i32
    %dma_wait3A_841 = arith.constant 0 : i32
    %dma_wait3A_842 = tpu.memref_slice %arg7[%dma_wait3A_840, %dma_wait3A_841] : memref<80x128xi32, #tpu.memory_space<vmem>> -> memref<1x128xi32, #tpu.memory_space<vmem>>
    %dma_wait3A_843 = tpu.memref_squeeze %dma_wait3A_842 : memref<1x128xi32, #tpu.memory_space<vmem>> -> memref<128xi32, #tpu.memory_space<vmem>>
    %dma_wait3A_844 = arith.constant 0 : i32
    %dma_wait3A_845 = arith.constant 0 : i32
    %dma_wait3A_846 = tpu.memref_slice %arg18[%dma_wait3A_844, %dma_wait3A_845] : memref<10240x64xf32, #tpu.memory_space<vmem_shared>> -> memref<10240x64xf32, #tpu.memory_space<vmem_shared>>
    tpu.wait_indirect_dma semaphore(%arg30 : memref<!tpu.dma_semaphore, #tpu.memory_space<semaphore_mem>>) src(%arg9 : memref<128x64xf32, #tpu.memory_space<vmem>>) dst(%dma_wait3A_846 : memref<10240x64xf32, #tpu.memory_space<vmem_shared>>)
    %dma_wait3A_847 = arith.constant 0 : i32
    %dma_wait3A_848 = arith.constant 0 : i32
    %dma_wait3A_849 = tpu.memref_slice %arg7[%dma_wait3A_847, %dma_wait3A_848] : memref<80x128xi32, #tpu.memory_space<vmem>> -> memref<1x128xi32, #tpu.memory_space<vmem>>
    %dma_wait3A_850 = tpu.memref_squeeze %dma_wait3A_849 : memref<1x128xi32, #tpu.memory_space<vmem>> -> memref<128xi32, #tpu.memory_space<vmem>>
    %dma_wait3A_851 = arith.constant 0 : i32
    %dma_wait3A_852 = tpu.memref_slice %arg19[%dma_wait3A_851] : memref<10240xf32, #tpu.memory_space<vmem_shared>> -> memref<10240xf32, #tpu.memory_space<vmem_shared>>
    tpu.wait_indirect_dma semaphore(%arg38 : memref<!tpu.dma_semaphore, #tpu.memory_space<semaphore_mem>>) src(%arg16 : memref<128xf32, #tpu.memory_space<vmem>>) dst(%dma_wait3A_852 : memref<10240xf32, #tpu.memory_space<vmem_shared>>)
    %dma_start3A_853 = arith.constant 1152 : i32
    %dma_start3A_854 = tpu.memref_slice %arg6[%dma_start3A_853] : memref<10240xi32, #tpu.memory_space<vmem>> -> memref<128xi32, #tpu.memory_space<vmem>>
    %dma_start3A_855 = arith.constant 0 : i32
    %dma_start3A_856 = arith.constant 0 : i32
    %dma_start3A_857 = tpu.memref_slice %arg3[%dma_start3A_855, %dma_start3A_856] : memref<10000x64xf32, #tpu.memory_space<hbm>> -> memref<10000x64xf32, #tpu.memory_space<hbm>>
    tpu.enqueue_indirect_dma source(%dma_start3A_857 : memref<10000x64xf32, #tpu.memory_space<hbm>>) target(%arg9 : memref<128x64xf32, #tpu.memory_space<vmem>>) offsets(%dma_start3A_854 : memref<128xi32, #tpu.memory_space<vmem>>) semaphore(%arg22 : memref<!tpu.dma_semaphore, #tpu.memory_space<semaphore_mem>>)
    %dma_wait3A_858 = arith.constant 0 : i32
    %dma_wait3A_859 = tpu.memref_slice %arg6[%dma_wait3A_858] : memref<10240xi32, #tpu.memory_space<vmem>> -> memref<128xi32, #tpu.memory_space<vmem>>
    %dma_wait3A_860 = arith.constant 0 : i32
    %dma_wait3A_861 = arith.constant 0 : i32
    %dma_wait3A_862 = tpu.memref_slice %arg3[%dma_wait3A_860, %dma_wait3A_861] : memref<10000x64xf32, #tpu.memory_space<hbm>> -> memref<10000x64xf32, #tpu.memory_space<hbm>>
    tpu.wait_indirect_dma semaphore(%arg24 : memref<!tpu.dma_semaphore, #tpu.memory_space<semaphore_mem>>) src(%dma_wait3A_862 : memref<10000x64xf32, #tpu.memory_space<hbm>>) dst(%arg11 : memref<128x64xf32, #tpu.memory_space<vmem>>)
    %dma_start3A_863 = arith.constant 3 : i32
    %dma_start3A_864 = arith.constant 0 : i32
    %dma_start3A_865 = tpu.memref_slice %arg7[%dma_start3A_863, %dma_start3A_864] : memref<80x128xi32, #tpu.memory_space<vmem>> -> memref<1x128xi32, #tpu.memory_space<vmem>>
    %dma_start3A_866 = tpu.memref_squeeze %dma_start3A_865 : memref<1x128xi32, #tpu.memory_space<vmem>> -> memref<128xi32, #tpu.memory_space<vmem>>
    %dma_start3A_867 = arith.constant 0 : i32
    %dma_start3A_868 = arith.constant 0 : i32
    %dma_start3A_869 = tpu.memref_slice %arg18[%dma_start3A_867, %dma_start3A_868] : memref<10240x64xf32, #tpu.memory_space<vmem_shared>> -> memref<10240x64xf32, #tpu.memory_space<vmem_shared>>
    tpu.enqueue_indirect_dma source(%arg11 : memref<128x64xf32, #tpu.memory_space<vmem>>) target(%dma_start3A_869 : memref<10240x64xf32, #tpu.memory_space<vmem_shared>>) offsets(%dma_start3A_866 : memref<128xi32, #tpu.memory_space<vmem>>) semaphore(%arg32 : memref<!tpu.dma_semaphore, #tpu.memory_space<semaphore_mem>>) {add = true}
    %dma_start3A_870 = arith.constant 3 : i32
    %dma_start3A_871 = arith.constant 0 : i32
    %dma_start3A_872 = tpu.memref_slice %arg7[%dma_start3A_870, %dma_start3A_871] : memref<80x128xi32, #tpu.memory_space<vmem>> -> memref<1x128xi32, #tpu.memory_space<vmem>>
    %dma_start3A_873 = tpu.memref_squeeze %dma_start3A_872 : memref<1x128xi32, #tpu.memory_space<vmem>> -> memref<128xi32, #tpu.memory_space<vmem>>
    %dma_start3A_874 = arith.constant 0 : i32
    %dma_start3A_875 = tpu.memref_slice %arg19[%dma_start3A_874] : memref<10240xf32, #tpu.memory_space<vmem_shared>> -> memref<10240xf32, #tpu.memory_space<vmem_shared>>
    tpu.enqueue_indirect_dma source(%arg16 : memref<128xf32, #tpu.memory_space<vmem>>) target(%dma_start3A_875 : memref<10240xf32, #tpu.memory_space<vmem_shared>>) offsets(%dma_start3A_873 : memref<128xi32, #tpu.memory_space<vmem>>) semaphore(%arg40 : memref<!tpu.dma_semaphore, #tpu.memory_space<semaphore_mem>>) {add = true}
    %dma_wait3A_876 = arith.constant 0 : i32
    %dma_wait3A_877 = arith.constant 0 : i32
    %dma_wait3A_878 = tpu.memref_slice %arg7[%dma_wait3A_876, %dma_wait3A_877] : memref<80x128xi32, #tpu.memory_space<vmem>> -> memref<1x128xi32, #tpu.memory_space<vmem>>
    %dma_wait3A_879 = tpu.memref_squeeze %dma_wait3A_878 : memref<1x128xi32, #tpu.memory_space<vmem>> -> memref<128xi32, #tpu.memory_space<vmem>>
    %dma_wait3A_880 = arith.constant 0 : i32
    %dma_wait3A_881 = arith.constant 0 : i32
    %dma_wait3A_882 = tpu.memref_slice %arg18[%dma_wait3A_880, %dma_wait3A_881] : memref<10240x64xf32, #tpu.memory_space<vmem_shared>> -> memref<10240x64xf32, #tpu.memory_space<vmem_shared>>
    tpu.wait_indirect_dma semaphore(%arg31 : memref<!tpu.dma_semaphore, #tpu.memory_space<semaphore_mem>>) src(%arg10 : memref<128x64xf32, #tpu.memory_space<vmem>>) dst(%dma_wait3A_882 : memref<10240x64xf32, #tpu.memory_space<vmem_shared>>)
    %dma_wait3A_883 = arith.constant 0 : i32
    %dma_wait3A_884 = arith.constant 0 : i32
    %dma_wait3A_885 = tpu.memref_slice %arg7[%dma_wait3A_883, %dma_wait3A_884] : memref<80x128xi32, #tpu.memory_space<vmem>> -> memref<1x128xi32, #tpu.memory_space<vmem>>
    %dma_wait3A_886 = tpu.memref_squeeze %dma_wait3A_885 : memref<1x128xi32, #tpu.memory_space<vmem>> -> memref<128xi32, #tpu.memory_space<vmem>>
    %dma_wait3A_887 = arith.constant 0 : i32
    %dma_wait3A_888 = tpu.memref_slice %arg19[%dma_wait3A_887] : memref<10240xf32, #tpu.memory_space<vmem_shared>> -> memref<10240xf32, #tpu.memory_space<vmem_shared>>
    tpu.wait_indirect_dma semaphore(%arg39 : memref<!tpu.dma_semaphore, #tpu.memory_space<semaphore_mem>>) src(%arg16 : memref<128xf32, #tpu.memory_space<vmem>>) dst(%dma_wait3A_888 : memref<10240xf32, #tpu.memory_space<vmem_shared>>)
    %dma_start3A_889 = arith.constant 1280 : i32
    %dma_start3A_890 = tpu.memref_slice %arg6[%dma_start3A_889] : memref<10240xi32, #tpu.memory_space<vmem>> -> memref<128xi32, #tpu.memory_space<vmem>>
    %dma_start3A_891 = arith.constant 0 : i32
    %dma_start3A_892 = arith.constant 0 : i32
    %dma_start3A_893 = tpu.memref_slice %arg3[%dma_start3A_891, %dma_start3A_892] : memref<10000x64xf32, #tpu.memory_space<hbm>> -> memref<10000x64xf32, #tpu.memory_space<hbm>>
    tpu.enqueue_indirect_dma source(%dma_start3A_893 : memref<10000x64xf32, #tpu.memory_space<hbm>>) target(%arg10 : memref<128x64xf32, #tpu.memory_space<vmem>>) offsets(%dma_start3A_890 : memref<128xi32, #tpu.memory_space<vmem>>) semaphore(%arg23 : memref<!tpu.dma_semaphore, #tpu.memory_space<semaphore_mem>>)
    %dma_wait3A_894 = arith.constant 0 : i32
    %dma_wait3A_895 = tpu.memref_slice %arg6[%dma_wait3A_894] : memref<10240xi32, #tpu.memory_space<vmem>> -> memref<128xi32, #tpu.memory_space<vmem>>
    %dma_wait3A_896 = arith.constant 0 : i32
    %dma_wait3A_897 = arith.constant 0 : i32
    %dma_wait3A_898 = tpu.memref_slice %arg3[%dma_wait3A_896, %dma_wait3A_897] : memref<10000x64xf32, #tpu.memory_space<hbm>> -> memref<10000x64xf32, #tpu.memory_space<hbm>>
    tpu.wait_indirect_dma semaphore(%arg25 : memref<!tpu.dma_semaphore, #tpu.memory_space<semaphore_mem>>) src(%dma_wait3A_898 : memref<10000x64xf32, #tpu.memory_space<hbm>>) dst(%arg12 : memref<128x64xf32, #tpu.memory_space<vmem>>)
    %dma_start3A_899 = arith.constant 4 : i32
    %dma_start3A_900 = arith.constant 0 : i32
    %dma_start3A_901 = tpu.memref_slice %arg7[%dma_start3A_899, %dma_start3A_900] : memref<80x128xi32, #tpu.memory_space<vmem>> -> memref<1x128xi32, #tpu.memory_space<vmem>>
    %dma_start3A_902 = tpu.memref_squeeze %dma_start3A_901 : memref<1x128xi32, #tpu.memory_space<vmem>> -> memref<128xi32, #tpu.memory_space<vmem>>
    %dma_start3A_903 = arith.constant 0 : i32
    %dma_start3A_904 = arith.constant 0 : i32
    %dma_start3A_905 = tpu.memref_slice %arg18[%dma_start3A_903, %dma_start3A_904] : memref<10240x64xf32, #tpu.memory_space<vmem_shared>> -> memref<10240x64xf32, #tpu.memory_space<vmem_shared>>
    tpu.enqueue_indirect_dma source(%arg12 : memref<128x64xf32, #tpu.memory_space<vmem>>) target(%dma_start3A_905 : memref<10240x64xf32, #tpu.memory_space<vmem_shared>>) offsets(%dma_start3A_902 : memref<128xi32, #tpu.memory_space<vmem>>) semaphore(%arg33 : memref<!tpu.dma_semaphore, #tpu.memory_space<semaphore_mem>>) {add = true}
    %dma_start3A_906 = arith.constant 4 : i32
    %dma_start3A_907 = arith.constant 0 : i32
    %dma_start3A_908 = tpu.memref_slice %arg7[%dma_start3A_906, %dma_start3A_907] : memref<80x128xi32, #tpu.memory_space<vmem>> -> memref<1x128xi32, #tpu.memory_space<vmem>>
    %dma_start3A_909 = tpu.memref_squeeze %dma_start3A_908 : memref<1x128xi32, #tpu.memory_space<vmem>> -> memref<128xi32, #tpu.memory_space<vmem>>
    %dma_start3A_910 = arith.constant 0 : i32
    %dma_start3A_911 = tpu.memref_slice %arg19[%dma_start3A_910] : memref<10240xf32, #tpu.memory_space<vmem_shared>> -> memref<10240xf32, #tpu.memory_space<vmem_shared>>
    tpu.enqueue_indirect_dma source(%arg16 : memref<128xf32, #tpu.memory_space<vmem>>) target(%dma_start3A_911 : memref<10240xf32, #tpu.memory_space<vmem_shared>>) offsets(%dma_start3A_909 : memref<128xi32, #tpu.memory_space<vmem>>) semaphore(%arg41 : memref<!tpu.dma_semaphore, #tpu.memory_space<semaphore_mem>>) {add = true}
    %dma_wait3A_912 = arith.constant 0 : i32
    %dma_wait3A_913 = arith.constant 0 : i32
    %dma_wait3A_914 = tpu.memref_slice %arg7[%dma_wait3A_912, %dma_wait3A_913] : memref<80x128xi32, #tpu.memory_space<vmem>> -> memref<1x128xi32, #tpu.memory_space<vmem>>
    %dma_wait3A_915 = tpu.memref_squeeze %dma_wait3A_914 : memref<1x128xi32, #tpu.memory_space<vmem>> -> memref<128xi32, #tpu.memory_space<vmem>>
    %dma_wait3A_916 = arith.constant 0 : i32
    %dma_wait3A_917 = arith.constant 0 : i32
    %dma_wait3A_918 = tpu.memref_slice %arg18[%dma_wait3A_916, %dma_wait3A_917] : memref<10240x64xf32, #tpu.memory_space<vmem_shared>> -> memref<10240x64xf32, #tpu.memory_space<vmem_shared>>
    tpu.wait_indirect_dma semaphore(%arg32 : memref<!tpu.dma_semaphore, #tpu.memory_space<semaphore_mem>>) src(%arg11 : memref<128x64xf32, #tpu.memory_space<vmem>>) dst(%dma_wait3A_918 : memref<10240x64xf32, #tpu.memory_space<vmem_shared>>)
    %dma_wait3A_919 = arith.constant 0 : i32
    %dma_wait3A_920 = arith.constant 0 : i32
    %dma_wait3A_921 = tpu.memref_slice %arg7[%dma_wait3A_919, %dma_wait3A_920] : memref<80x128xi32, #tpu.memory_space<vmem>> -> memref<1x128xi32, #tpu.memory_space<vmem>>
    %dma_wait3A_922 = tpu.memref_squeeze %dma_wait3A_921 : memref<1x128xi32, #tpu.memory_space<vmem>> -> memref<128xi32, #tpu.memory_space<vmem>>
    %dma_wait3A_923 = arith.constant 0 : i32
    %dma_wait3A_924 = tpu.memref_slice %arg19[%dma_wait3A_923] : memref<10240xf32, #tpu.memory_space<vmem_shared>> -> memref<10240xf32, #tpu.memory_space<vmem_shared>>
    tpu.wait_indirect_dma semaphore(%arg40 : memref<!tpu.dma_semaphore, #tpu.memory_space<semaphore_mem>>) src(%arg16 : memref<128xf32, #tpu.memory_space<vmem>>) dst(%dma_wait3A_924 : memref<10240xf32, #tpu.memory_space<vmem_shared>>)
    %dma_start3A_925 = arith.constant 1408 : i32
    %dma_start3A_926 = tpu.memref_slice %arg6[%dma_start3A_925] : memref<10240xi32, #tpu.memory_space<vmem>> -> memref<128xi32, #tpu.memory_space<vmem>>
    %dma_start3A_927 = arith.constant 0 : i32
    %dma_start3A_928 = arith.constant 0 : i32
    %dma_start3A_929 = tpu.memref_slice %arg3[%dma_start3A_927, %dma_start3A_928] : memref<10000x64xf32, #tpu.memory_space<hbm>> -> memref<10000x64xf32, #tpu.memory_space<hbm>>
    tpu.enqueue_indirect_dma source(%dma_start3A_929 : memref<10000x64xf32, #tpu.memory_space<hbm>>) target(%arg11 : memref<128x64xf32, #tpu.memory_space<vmem>>) offsets(%dma_start3A_926 : memref<128xi32, #tpu.memory_space<vmem>>) semaphore(%arg24 : memref<!tpu.dma_semaphore, #tpu.memory_space<semaphore_mem>>)
    %dma_wait3A_930 = arith.constant 0 : i32
    %dma_wait3A_931 = tpu.memref_slice %arg6[%dma_wait3A_930] : memref<10240xi32, #tpu.memory_space<vmem>> -> memref<128xi32, #tpu.memory_space<vmem>>
    %dma_wait3A_932 = arith.constant 0 : i32
    %dma_wait3A_933 = arith.constant 0 : i32
    %dma_wait3A_934 = tpu.memref_slice %arg3[%dma_wait3A_932, %dma_wait3A_933] : memref<10000x64xf32, #tpu.memory_space<hbm>> -> memref<10000x64xf32, #tpu.memory_space<hbm>>
    tpu.wait_indirect_dma semaphore(%arg26 : memref<!tpu.dma_semaphore, #tpu.memory_space<semaphore_mem>>) src(%dma_wait3A_934 : memref<10000x64xf32, #tpu.memory_space<hbm>>) dst(%arg13 : memref<128x64xf32, #tpu.memory_space<vmem>>)
    %dma_start3A_935 = arith.constant 5 : i32
    %dma_start3A_936 = arith.constant 0 : i32
    %dma_start3A_937 = tpu.memref_slice %arg7[%dma_start3A_935, %dma_start3A_936] : memref<80x128xi32, #tpu.memory_space<vmem>> -> memref<1x128xi32, #tpu.memory_space<vmem>>
    %dma_start3A_938 = tpu.memref_squeeze %dma_start3A_937 : memref<1x128xi32, #tpu.memory_space<vmem>> -> memref<128xi32, #tpu.memory_space<vmem>>
    %dma_start3A_939 = arith.constant 0 : i32
    %dma_start3A_940 = arith.constant 0 : i32
    %dma_start3A_941 = tpu.memref_slice %arg18[%dma_start3A_939, %dma_start3A_940] : memref<10240x64xf32, #tpu.memory_space<vmem_shared>> -> memref<10240x64xf32, #tpu.memory_space<vmem_shared>>
    tpu.enqueue_indirect_dma source(%arg13 : memref<128x64xf32, #tpu.memory_space<vmem>>) target(%dma_start3A_941 : memref<10240x64xf32, #tpu.memory_space<vmem_shared>>) offsets(%dma_start3A_938 : memref<128xi32, #tpu.memory_space<vmem>>) semaphore(%arg34 : memref<!tpu.dma_semaphore, #tpu.memory_space<semaphore_mem>>) {add = true}
    %dma_start3A_942 = arith.constant 5 : i32
    %dma_start3A_943 = arith.constant 0 : i32
    %dma_start3A_944 = tpu.memref_slice %arg7[%dma_start3A_942, %dma_start3A_943] : memref<80x128xi32, #tpu.memory_space<vmem>> -> memref<1x128xi32, #tpu.memory_space<vmem>>
    %dma_start3A_945 = tpu.memref_squeeze %dma_start3A_944 : memref<1x128xi32, #tpu.memory_space<vmem>> -> memref<128xi32, #tpu.memory_space<vmem>>
    %dma_start3A_946 = arith.constant 0 : i32
    %dma_start3A_947 = tpu.memref_slice %arg19[%dma_start3A_946] : memref<10240xf32, #tpu.memory_space<vmem_shared>> -> memref<10240xf32, #tpu.memory_space<vmem_shared>>
    tpu.enqueue_indirect_dma source(%arg16 : memref<128xf32, #tpu.memory_space<vmem>>) target(%dma_start3A_947 : memref<10240xf32, #tpu.memory_space<vmem_shared>>) offsets(%dma_start3A_945 : memref<128xi32, #tpu.memory_space<vmem>>) semaphore(%arg42 : memref<!tpu.dma_semaphore, #tpu.memory_space<semaphore_mem>>) {add = true}
    %dma_wait3A_948 = arith.constant 0 : i32
    %dma_wait3A_949 = arith.constant 0 : i32
    %dma_wait3A_950 = tpu.memref_slice %arg7[%dma_wait3A_948, %dma_wait3A_949] : memref<80x128xi32, #tpu.memory_space<vmem>> -> memref<1x128xi32, #tpu.memory_space<vmem>>
    %dma_wait3A_951 = tpu.memref_squeeze %dma_wait3A_950 : memref<1x128xi32, #tpu.memory_space<vmem>> -> memref<128xi32, #tpu.memory_space<vmem>>
    %dma_wait3A_952 = arith.constant 0 : i32
    %dma_wait3A_953 = arith.constant 0 : i32
    %dma_wait3A_954 = tpu.memref_slice %arg18[%dma_wait3A_952, %dma_wait3A_953] : memref<10240x64xf32, #tpu.memory_space<vmem_shared>> -> memref<10240x64xf32, #tpu.memory_space<vmem_shared>>
    tpu.wait_indirect_dma semaphore(%arg33 : memref<!tpu.dma_semaphore, #tpu.memory_space<semaphore_mem>>) src(%arg12 : memref<128x64xf32, #tpu.memory_space<vmem>>) dst(%dma_wait3A_954 : memref<10240x64xf32, #tpu.memory_space<vmem_shared>>)
    %dma_wait3A_955 = arith.constant 0 : i32
    %dma_wait3A_956 = arith.constant 0 : i32
    %dma_wait3A_957 = tpu.memref_slice %arg7[%dma_wait3A_955, %dma_wait3A_956] : memref<80x128xi32, #tpu.memory_space<vmem>> -> memref<1x128xi32, #tpu.memory_space<vmem>>
    %dma_wait3A_958 = tpu.memref_squeeze %dma_wait3A_957 : memref<1x128xi32, #tpu.memory_space<vmem>> -> memref<128xi32, #tpu.memory_space<vmem>>
    %dma_wait3A_959 = arith.constant 0 : i32
    %dma_wait3A_960 = tpu.memref_slice %arg19[%dma_wait3A_959] : memref<10240xf32, #tpu.memory_space<vmem_shared>> -> memref<10240xf32, #tpu.memory_space<vmem_shared>>
    tpu.wait_indirect_dma semaphore(%arg41 : memref<!tpu.dma_semaphore, #tpu.memory_space<semaphore_mem>>) src(%arg16 : memref<128xf32, #tpu.memory_space<vmem>>) dst(%dma_wait3A_960 : memref<10240xf32, #tpu.memory_space<vmem_shared>>)
    %dma_start3A_961 = arith.constant 1536 : i32
    %dma_start3A_962 = tpu.memref_slice %arg6[%dma_start3A_961] : memref<10240xi32, #tpu.memory_space<vmem>> -> memref<128xi32, #tpu.memory_space<vmem>>
    %dma_start3A_963 = arith.constant 0 : i32
    %dma_start3A_964 = arith.constant 0 : i32
    %dma_start3A_965 = tpu.memref_slice %arg3[%dma_start3A_963, %dma_start3A_964] : memref<10000x64xf32, #tpu.memory_space<hbm>> -> memref<10000x64xf32, #tpu.memory_space<hbm>>
    tpu.enqueue_indirect_dma source(%dma_start3A_965 : memref<10000x64xf32, #tpu.memory_space<hbm>>) target(%arg12 : memref<128x64xf32, #tpu.memory_space<vmem>>) offsets(%dma_start3A_962 : memref<128xi32, #tpu.memory_space<vmem>>) semaphore(%arg25 : memref<!tpu.dma_semaphore, #tpu.memory_space<semaphore_mem>>)
    %dma_wait3A_966 = arith.constant 0 : i32
    %dma_wait3A_967 = tpu.memref_slice %arg6[%dma_wait3A_966] : memref<10240xi32, #tpu.memory_space<vmem>> -> memref<128xi32, #tpu.memory_space<vmem>>
    %dma_wait3A_968 = arith.constant 0 : i32
    %dma_wait3A_969 = arith.constant 0 : i32
    %dma_wait3A_970 = tpu.memref_slice %arg3[%dma_wait3A_968, %dma_wait3A_969] : memref<10000x64xf32, #tpu.memory_space<hbm>> -> memref<10000x64xf32, #tpu.memory_space<hbm>>
    tpu.wait_indirect_dma semaphore(%arg27 : memref<!tpu.dma_semaphore, #tpu.memory_space<semaphore_mem>>) src(%dma_wait3A_970 : memref<10000x64xf32, #tpu.memory_space<hbm>>) dst(%arg14 : memref<128x64xf32, #tpu.memory_space<vmem>>)
    %dma_start3A_971 = arith.constant 6 : i32
    %dma_start3A_972 = arith.constant 0 : i32
    %dma_start3A_973 = tpu.memref_slice %arg7[%dma_start3A_971, %dma_start3A_972] : memref<80x128xi32, #tpu.memory_space<vmem>> -> memref<1x128xi32, #tpu.memory_space<vmem>>
    %dma_start3A_974 = tpu.memref_squeeze %dma_start3A_973 : memref<1x128xi32, #tpu.memory_space<vmem>> -> memref<128xi32, #tpu.memory_space<vmem>>
    %dma_start3A_975 = arith.constant 0 : i32
    %dma_start3A_976 = arith.constant 0 : i32
    %dma_start3A_977 = tpu.memref_slice %arg18[%dma_start3A_975, %dma_start3A_976] : memref<10240x64xf32, #tpu.memory_space<vmem_shared>> -> memref<10240x64xf32, #tpu.memory_space<vmem_shared>>
    tpu.enqueue_indirect_dma source(%arg14 : memref<128x64xf32, #tpu.memory_space<vmem>>) target(%dma_start3A_977 : memref<10240x64xf32, #tpu.memory_space<vmem_shared>>) offsets(%dma_start3A_974 : memref<128xi32, #tpu.memory_space<vmem>>) semaphore(%arg35 : memref<!tpu.dma_semaphore, #tpu.memory_space<semaphore_mem>>) {add = true}
    %dma_start3A_978 = arith.constant 6 : i32
    %dma_start3A_979 = arith.constant 0 : i32
    %dma_start3A_980 = tpu.memref_slice %arg7[%dma_start3A_978, %dma_start3A_979] : memref<80x128xi32, #tpu.memory_space<vmem>> -> memref<1x128xi32, #tpu.memory_space<vmem>>
    %dma_start3A_981 = tpu.memref_squeeze %dma_start3A_980 : memref<1x128xi32, #tpu.memory_space<vmem>> -> memref<128xi32, #tpu.memory_space<vmem>>
    %dma_start3A_982 = arith.constant 0 : i32
    %dma_start3A_983 = tpu.memref_slice %arg19[%dma_start3A_982] : memref<10240xf32, #tpu.memory_space<vmem_shared>> -> memref<10240xf32, #tpu.memory_space<vmem_shared>>
    tpu.enqueue_indirect_dma source(%arg16 : memref<128xf32, #tpu.memory_space<vmem>>) target(%dma_start3A_983 : memref<10240xf32, #tpu.memory_space<vmem_shared>>) offsets(%dma_start3A_981 : memref<128xi32, #tpu.memory_space<vmem>>) semaphore(%arg43 : memref<!tpu.dma_semaphore, #tpu.memory_space<semaphore_mem>>) {add = true}
    %dma_wait3A_984 = arith.constant 0 : i32
    %dma_wait3A_985 = arith.constant 0 : i32
    %dma_wait3A_986 = tpu.memref_slice %arg7[%dma_wait3A_984, %dma_wait3A_985] : memref<80x128xi32, #tpu.memory_space<vmem>> -> memref<1x128xi32, #tpu.memory_space<vmem>>
    %dma_wait3A_987 = tpu.memref_squeeze %dma_wait3A_986 : memref<1x128xi32, #tpu.memory_space<vmem>> -> memref<128xi32, #tpu.memory_space<vmem>>
    %dma_wait3A_988 = arith.constant 0 : i32
    %dma_wait3A_989 = arith.constant 0 : i32
    %dma_wait3A_990 = tpu.memref_slice %arg18[%dma_wait3A_988, %dma_wait3A_989] : memref<10240x64xf32, #tpu.memory_space<vmem_shared>> -> memref<10240x64xf32, #tpu.memory_space<vmem_shared>>
    tpu.wait_indirect_dma semaphore(%arg34 : memref<!tpu.dma_semaphore, #tpu.memory_space<semaphore_mem>>) src(%arg13 : memref<128x64xf32, #tpu.memory_space<vmem>>) dst(%dma_wait3A_990 : memref<10240x64xf32, #tpu.memory_space<vmem_shared>>)
    %dma_wait3A_991 = arith.constant 0 : i32
    %dma_wait3A_992 = arith.constant 0 : i32
    %dma_wait3A_993 = tpu.memref_slice %arg7[%dma_wait3A_991, %dma_wait3A_992] : memref<80x128xi32, #tpu.memory_space<vmem>> -> memref<1x128xi32, #tpu.memory_space<vmem>>
    %dma_wait3A_994 = tpu.memref_squeeze %dma_wait3A_993 : memref<1x128xi32, #tpu.memory_space<vmem>> -> memref<128xi32, #tpu.memory_space<vmem>>
    %dma_wait3A_995 = arith.constant 0 : i32
    %dma_wait3A_996 = tpu.memref_slice %arg19[%dma_wait3A_995] : memref<10240xf32, #tpu.memory_space<vmem_shared>> -> memref<10240xf32, #tpu.memory_space<vmem_shared>>
    tpu.wait_indirect_dma semaphore(%arg42 : memref<!tpu.dma_semaphore, #tpu.memory_space<semaphore_mem>>) src(%arg16 : memref<128xf32, #tpu.memory_space<vmem>>) dst(%dma_wait3A_996 : memref<10240xf32, #tpu.memory_space<vmem_shared>>)
    %dma_start3A_997 = arith.constant 1664 : i32
    %dma_start3A_998 = tpu.memref_slice %arg6[%dma_start3A_997] : memref<10240xi32, #tpu.memory_space<vmem>> -> memref<128xi32, #tpu.memory_space<vmem>>
    %dma_start3A_999 = arith.constant 0 : i32
    %dma_start3A_1000 = arith.constant 0 : i32
    %dma_start3A_1001 = tpu.memref_slice %arg3[%dma_start3A_999, %dma_start3A_1000] : memref<10000x64xf32, #tpu.memory_space<hbm>> -> memref<10000x64xf32, #tpu.memory_space<hbm>>
    tpu.enqueue_indirect_dma source(%dma_start3A_1001 : memref<10000x64xf32, #tpu.memory_space<hbm>>) target(%arg13 : memref<128x64xf32, #tpu.memory_space<vmem>>) offsets(%dma_start3A_998 : memref<128xi32, #tpu.memory_space<vmem>>) semaphore(%arg26 : memref<!tpu.dma_semaphore, #tpu.memory_space<semaphore_mem>>)
    %dma_wait3A_1002 = arith.constant 0 : i32
    %dma_wait3A_1003 = tpu.memref_slice %arg6[%dma_wait3A_1002] : memref<10240xi32, #tpu.memory_space<vmem>> -> memref<128xi32, #tpu.memory_space<vmem>>
    %dma_wait3A_1004 = arith.constant 0 : i32
    %dma_wait3A_1005 = arith.constant 0 : i32
    %dma_wait3A_1006 = tpu.memref_slice %arg3[%dma_wait3A_1004, %dma_wait3A_1005] : memref<10000x64xf32, #tpu.memory_space<hbm>> -> memref<10000x64xf32, #tpu.memory_space<hbm>>
    tpu.wait_indirect_dma semaphore(%arg28 : memref<!tpu.dma_semaphore, #tpu.memory_space<semaphore_mem>>) src(%dma_wait3A_1006 : memref<10000x64xf32, #tpu.memory_space<hbm>>) dst(%arg15 : memref<128x64xf32, #tpu.memory_space<vmem>>)
    %dma_start3A_1007 = arith.constant 7 : i32
    %dma_start3A_1008 = arith.constant 0 : i32
    %dma_start3A_1009 = tpu.memref_slice %arg7[%dma_start3A_1007, %dma_start3A_1008] : memref<80x128xi32, #tpu.memory_space<vmem>> -> memref<1x128xi32, #tpu.memory_space<vmem>>
    %dma_start3A_1010 = tpu.memref_squeeze %dma_start3A_1009 : memref<1x128xi32, #tpu.memory_space<vmem>> -> memref<128xi32, #tpu.memory_space<vmem>>
    %dma_start3A_1011 = arith.constant 0 : i32
    %dma_start3A_1012 = arith.constant 0 : i32
    %dma_start3A_1013 = tpu.memref_slice %arg18[%dma_start3A_1011, %dma_start3A_1012] : memref<10240x64xf32, #tpu.memory_space<vmem_shared>> -> memref<10240x64xf32, #tpu.memory_space<vmem_shared>>
    tpu.enqueue_indirect_dma source(%arg15 : memref<128x64xf32, #tpu.memory_space<vmem>>) target(%dma_start3A_1013 : memref<10240x64xf32, #tpu.memory_space<vmem_shared>>) offsets(%dma_start3A_1010 : memref<128xi32, #tpu.memory_space<vmem>>) semaphore(%arg36 : memref<!tpu.dma_semaphore, #tpu.memory_space<semaphore_mem>>) {add = true}
    %dma_start3A_1014 = arith.constant 7 : i32
    %dma_start3A_1015 = arith.constant 0 : i32
    %dma_start3A_1016 = tpu.memref_slice %arg7[%dma_start3A_1014, %dma_start3A_1015] : memref<80x128xi32, #tpu.memory_space<vmem>> -> memref<1x128xi32, #tpu.memory_space<vmem>>
    %dma_start3A_1017 = tpu.memref_squeeze %dma_start3A_1016 : memref<1x128xi32, #tpu.memory_space<vmem>> -> memref<128xi32, #tpu.memory_space<vmem>>
    %dma_start3A_1018 = arith.constant 0 : i32
    %dma_start3A_1019 = tpu.memref_slice %arg19[%dma_start3A_1018] : memref<10240xf32, #tpu.memory_space<vmem_shared>> -> memref<10240xf32, #tpu.memory_space<vmem_shared>>
    tpu.enqueue_indirect_dma source(%arg16 : memref<128xf32, #tpu.memory_space<vmem>>) target(%dma_start3A_1019 : memref<10240xf32, #tpu.memory_space<vmem_shared>>) offsets(%dma_start3A_1017 : memref<128xi32, #tpu.memory_space<vmem>>) semaphore(%arg44 : memref<!tpu.dma_semaphore, #tpu.memory_space<semaphore_mem>>) {add = true}
    %scan3A_1020 = arith.constant 0 : i32
    %scan3A_1021 = arith.constant 1 : i32
    %scan3A_1022 = arith.constant 8 : i32
    %scan3A_1023 = arith.addi %scan3A_1021, %scan3A_1022 : i32
    %scan3A_1024 = arith.constant 1 : i32
    %scan3A_1025 = scf.for %scan3A_1315 = %scan3A_1021 to %scan3A_1023 step %scan3A_1024 iter_args(%scan3A_1316 = %scan3A_1020) -> (i32)  : i32 {
      %mul3A_1317 = arith.constant 8 : i32
      %mul3A_1318 = arith.muli %scan3A_1315, %mul3A_1317 : i32
      %dma_wait3A_1319 = arith.constant 0 : i32
      %dma_wait3A_1320 = arith.constant 0 : i32
      %dma_wait3A_1321 = tpu.memref_slice %arg7[%dma_wait3A_1319, %dma_wait3A_1320] : memref<80x128xi32, #tpu.memory_space<vmem>> -> memref<1x128xi32, #tpu.memory_space<vmem>>
      %dma_wait3A_1322 = tpu.memref_squeeze %dma_wait3A_1321 : memref<1x128xi32, #tpu.memory_space<vmem>> -> memref<128xi32, #tpu.memory_space<vmem>>
      %dma_wait3A_1323 = arith.constant 0 : i32
      %dma_wait3A_1324 = arith.constant 0 : i32
      %dma_wait3A_1325 = tpu.memref_slice %arg18[%dma_wait3A_1323, %dma_wait3A_1324] : memref<10240x64xf32, #tpu.memory_space<vmem_shared>> -> memref<10240x64xf32, #tpu.memory_space<vmem_shared>>
      tpu.wait_indirect_dma semaphore(%arg35 : memref<!tpu.dma_semaphore, #tpu.memory_space<semaphore_mem>>) src(%arg14 : memref<128x64xf32, #tpu.memory_space<vmem>>) dst(%dma_wait3A_1325 : memref<10240x64xf32, #tpu.memory_space<vmem_shared>>)
      %dma_wait3A_1326 = arith.constant 0 : i32
      %dma_wait3A_1327 = arith.constant 0 : i32
      %dma_wait3A_1328 = tpu.memref_slice %arg7[%dma_wait3A_1326, %dma_wait3A_1327] : memref<80x128xi32, #tpu.memory_space<vmem>> -> memref<1x128xi32, #tpu.memory_space<vmem>>
      %dma_wait3A_1329 = tpu.memref_squeeze %dma_wait3A_1328 : memref<1x128xi32, #tpu.memory_space<vmem>> -> memref<128xi32, #tpu.memory_space<vmem>>
      %dma_wait3A_1330 = arith.constant 0 : i32
      %dma_wait3A_1331 = tpu.memref_slice %arg19[%dma_wait3A_1330] : memref<10240xf32, #tpu.memory_space<vmem_shared>> -> memref<10240xf32, #tpu.memory_space<vmem_shared>>
      tpu.wait_indirect_dma semaphore(%arg43 : memref<!tpu.dma_semaphore, #tpu.memory_space<semaphore_mem>>) src(%arg16 : memref<128xf32, #tpu.memory_space<vmem>>) dst(%dma_wait3A_1331 : memref<10240xf32, #tpu.memory_space<vmem_shared>>)
      %add3A_1332 = arith.constant 0 : i32
      %add3A_1333 = arith.addi %mul3A_1318, %add3A_1332 : i32
      %add3A_1334 = arith.constant 6 : i32
      %add3A_1335 = arith.addi %add3A_1333, %add3A_1334 : i32
      %mul3A_1336 = arith.constant 128 : i32
      %mul3A_1337 = arith.muli %add3A_1335, %mul3A_1336 : i32
      %dma_start3A_1338 = tpu.memref_slice %arg6[%mul3A_1337] : memref<10240xi32, #tpu.memory_space<vmem>> -> memref<128xi32, #tpu.memory_space<vmem>>
      %dma_start3A_1339 = arith.constant 0 : i32
      %dma_start3A_1340 = arith.constant 0 : i32
      %dma_start3A_1341 = tpu.memref_slice %arg3[%dma_start3A_1339, %dma_start3A_1340] : memref<10000x64xf32, #tpu.memory_space<hbm>> -> memref<10000x64xf32, #tpu.memory_space<hbm>>
      tpu.enqueue_indirect_dma source(%dma_start3A_1341 : memref<10000x64xf32, #tpu.memory_space<hbm>>) target(%arg14 : memref<128x64xf32, #tpu.memory_space<vmem>>) offsets(%dma_start3A_1338 : memref<128xi32, #tpu.memory_space<vmem>>) semaphore(%arg27 : memref<!tpu.dma_semaphore, #tpu.memory_space<semaphore_mem>>)
      %dma_wait3A_1342 = arith.constant 0 : i32
      %dma_wait3A_1343 = tpu.memref_slice %arg6[%dma_wait3A_1342] : memref<10240xi32, #tpu.memory_space<vmem>> -> memref<128xi32, #tpu.memory_space<vmem>>
      %dma_wait3A_1344 = arith.constant 0 : i32
      %dma_wait3A_1345 = arith.constant 0 : i32
      %dma_wait3A_1346 = tpu.memref_slice %arg3[%dma_wait3A_1344, %dma_wait3A_1345] : memref<10000x64xf32, #tpu.memory_space<hbm>> -> memref<10000x64xf32, #tpu.memory_space<hbm>>
      tpu.wait_indirect_dma semaphore(%arg21 : memref<!tpu.dma_semaphore, #tpu.memory_space<semaphore_mem>>) src(%dma_wait3A_1346 : memref<10000x64xf32, #tpu.memory_space<hbm>>) dst(%arg8 : memref<128x64xf32, #tpu.memory_space<vmem>>)
      %add3A_1347 = arith.constant 0 : i32
      %add3A_1348 = arith.addi %mul3A_1318, %add3A_1347 : i32
      %dma_start3A_1349 = arith.constant 0 : i32
      %dma_start3A_1350 = tpu.memref_slice %arg7[%add3A_1348, %dma_start3A_1349] : memref<80x128xi32, #tpu.memory_space<vmem>> -> memref<1x128xi32, #tpu.memory_space<vmem>>
      %dma_start3A_1351 = tpu.memref_squeeze %dma_start3A_1350 : memref<1x128xi32, #tpu.memory_space<vmem>> -> memref<128xi32, #tpu.memory_space<vmem>>
      %dma_start3A_1352 = arith.constant 0 : i32
      %dma_start3A_1353 = arith.constant 0 : i32
      %dma_start3A_1354 = tpu.memref_slice %arg18[%dma_start3A_1352, %dma_start3A_1353] : memref<10240x64xf32, #tpu.memory_space<vmem_shared>> -> memref<10240x64xf32, #tpu.memory_space<vmem_shared>>
      tpu.enqueue_indirect_dma source(%arg8 : memref<128x64xf32, #tpu.memory_space<vmem>>) target(%dma_start3A_1354 : memref<10240x64xf32, #tpu.memory_space<vmem_shared>>) offsets(%dma_start3A_1351 : memref<128xi32, #tpu.memory_space<vmem>>) semaphore(%arg29 : memref<!tpu.dma_semaphore, #tpu.memory_space<semaphore_mem>>) {add = true}
      %dma_start3A_1355 = arith.constant 0 : i32
      %dma_start3A_1356 = tpu.memref_slice %arg7[%add3A_1348, %dma_start3A_1355] : memref<80x128xi32, #tpu.memory_space<vmem>> -> memref<1x128xi32, #tpu.memory_space<vmem>>
      %dma_start3A_1357 = tpu.memref_squeeze %dma_start3A_1356 : memref<1x128xi32, #tpu.memory_space<vmem>> -> memref<128xi32, #tpu.memory_space<vmem>>
      %dma_start3A_1358 = arith.constant 0 : i32
      %dma_start3A_1359 = tpu.memref_slice %arg19[%dma_start3A_1358] : memref<10240xf32, #tpu.memory_space<vmem_shared>> -> memref<10240xf32, #tpu.memory_space<vmem_shared>>
      tpu.enqueue_indirect_dma source(%arg16 : memref<128xf32, #tpu.memory_space<vmem>>) target(%dma_start3A_1359 : memref<10240xf32, #tpu.memory_space<vmem_shared>>) offsets(%dma_start3A_1357 : memref<128xi32, #tpu.memory_space<vmem>>) semaphore(%arg37 : memref<!tpu.dma_semaphore, #tpu.memory_space<semaphore_mem>>) {add = true}
      %dma_wait3A_1360 = arith.constant 0 : i32
      %dma_wait3A_1361 = arith.constant 0 : i32
      %dma_wait3A_1362 = tpu.memref_slice %arg7[%dma_wait3A_1360, %dma_wait3A_1361] : memref<80x128xi32, #tpu.memory_space<vmem>> -> memref<1x128xi32, #tpu.memory_space<vmem>>
      %dma_wait3A_1363 = tpu.memref_squeeze %dma_wait3A_1362 : memref<1x128xi32, #tpu.memory_space<vmem>> -> memref<128xi32, #tpu.memory_space<vmem>>
      %dma_wait3A_1364 = arith.constant 0 : i32
      %dma_wait3A_1365 = arith.constant 0 : i32
      %dma_wait3A_1366 = tpu.memref_slice %arg18[%dma_wait3A_1364, %dma_wait3A_1365] : memref<10240x64xf32, #tpu.memory_space<vmem_shared>> -> memref<10240x64xf32, #tpu.memory_space<vmem_shared>>
      tpu.wait_indirect_dma semaphore(%arg36 : memref<!tpu.dma_semaphore, #tpu.memory_space<semaphore_mem>>) src(%arg15 : memref<128x64xf32, #tpu.memory_space<vmem>>) dst(%dma_wait3A_1366 : memref<10240x64xf32, #tpu.memory_space<vmem_shared>>)
      %dma_wait3A_1367 = arith.constant 0 : i32
      %dma_wait3A_1368 = arith.constant 0 : i32
      %dma_wait3A_1369 = tpu.memref_slice %arg7[%dma_wait3A_1367, %dma_wait3A_1368] : memref<80x128xi32, #tpu.memory_space<vmem>> -> memref<1x128xi32, #tpu.memory_space<vmem>>
      %dma_wait3A_1370 = tpu.memref_squeeze %dma_wait3A_1369 : memref<1x128xi32, #tpu.memory_space<vmem>> -> memref<128xi32, #tpu.memory_space<vmem>>
      %dma_wait3A_1371 = arith.constant 0 : i32
      %dma_wait3A_1372 = tpu.memref_slice %arg19[%dma_wait3A_1371] : memref<10240xf32, #tpu.memory_space<vmem_shared>> -> memref<10240xf32, #tpu.memory_space<vmem_shared>>
      tpu.wait_indirect_dma semaphore(%arg44 : memref<!tpu.dma_semaphore, #tpu.memory_space<semaphore_mem>>) src(%arg16 : memref<128xf32, #tpu.memory_space<vmem>>) dst(%dma_wait3A_1372 : memref<10240xf32, #tpu.memory_space<vmem_shared>>)
      %add3A_1373 = arith.constant 1 : i32
      %add3A_1374 = arith.addi %mul3A_1318, %add3A_1373 : i32
      %add3A_1375 = arith.constant 6 : i32
      %add3A_1376 = arith.addi %add3A_1374, %add3A_1375 : i32
      %mul3A_1377 = arith.constant 128 : i32
      %mul3A_1378 = arith.muli %add3A_1376, %mul3A_1377 : i32
      %dma_start3A_1379 = tpu.memref_slice %arg6[%mul3A_1378] : memref<10240xi32, #tpu.memory_space<vmem>> -> memref<128xi32, #tpu.memory_space<vmem>>
      %dma_start3A_1380 = arith.constant 0 : i32
      %dma_start3A_1381 = arith.constant 0 : i32
      %dma_start3A_1382 = tpu.memref_slice %arg3[%dma_start3A_1380, %dma_start3A_1381] : memref<10000x64xf32, #tpu.memory_space<hbm>> -> memref<10000x64xf32, #tpu.memory_space<hbm>>
      tpu.enqueue_indirect_dma source(%dma_start3A_1382 : memref<10000x64xf32, #tpu.memory_space<hbm>>) target(%arg15 : memref<128x64xf32, #tpu.memory_space<vmem>>) offsets(%dma_start3A_1379 : memref<128xi32, #tpu.memory_space<vmem>>) semaphore(%arg28 : memref<!tpu.dma_semaphore, #tpu.memory_space<semaphore_mem>>)
      %dma_wait3A_1383 = arith.constant 0 : i32
      %dma_wait3A_1384 = tpu.memref_slice %arg6[%dma_wait3A_1383] : memref<10240xi32, #tpu.memory_space<vmem>> -> memref<128xi32, #tpu.memory_space<vmem>>
      %dma_wait3A_1385 = arith.constant 0 : i32
      %dma_wait3A_1386 = arith.constant 0 : i32
      %dma_wait3A_1387 = tpu.memref_slice %arg3[%dma_wait3A_1385, %dma_wait3A_1386] : memref<10000x64xf32, #tpu.memory_space<hbm>> -> memref<10000x64xf32, #tpu.memory_space<hbm>>
      tpu.wait_indirect_dma semaphore(%arg22 : memref<!tpu.dma_semaphore, #tpu.memory_space<semaphore_mem>>) src(%dma_wait3A_1387 : memref<10000x64xf32, #tpu.memory_space<hbm>>) dst(%arg9 : memref<128x64xf32, #tpu.memory_space<vmem>>)
      %add3A_1388 = arith.constant 1 : i32
      %add3A_1389 = arith.addi %mul3A_1318, %add3A_1388 : i32
      %dma_start3A_1390 = arith.constant 0 : i32
      %dma_start3A_1391 = tpu.memref_slice %arg7[%add3A_1389, %dma_start3A_1390] : memref<80x128xi32, #tpu.memory_space<vmem>> -> memref<1x128xi32, #tpu.memory_space<vmem>>
      %dma_start3A_1392 = tpu.memref_squeeze %dma_start3A_1391 : memref<1x128xi32, #tpu.memory_space<vmem>> -> memref<128xi32, #tpu.memory_space<vmem>>
      %dma_start3A_1393 = arith.constant 0 : i32
      %dma_start3A_1394 = arith.constant 0 : i32
      %dma_start3A_1395 = tpu.memref_slice %arg18[%dma_start3A_1393, %dma_start3A_1394] : memref<10240x64xf32, #tpu.memory_space<vmem_shared>> -> memref<10240x64xf32, #tpu.memory_space<vmem_shared>>
      tpu.enqueue_indirect_dma source(%arg9 : memref<128x64xf32, #tpu.memory_space<vmem>>) target(%dma_start3A_1395 : memref<10240x64xf32, #tpu.memory_space<vmem_shared>>) offsets(%dma_start3A_1392 : memref<128xi32, #tpu.memory_space<vmem>>) semaphore(%arg30 : memref<!tpu.dma_semaphore, #tpu.memory_space<semaphore_mem>>) {add = true}
      %dma_start3A_1396 = arith.constant 0 : i32
      %dma_start3A_1397 = tpu.memref_slice %arg7[%add3A_1389, %dma_start3A_1396] : memref<80x128xi32, #tpu.memory_space<vmem>> -> memref<1x128xi32, #tpu.memory_space<vmem>>
      %dma_start3A_1398 = tpu.memref_squeeze %dma_start3A_1397 : memref<1x128xi32, #tpu.memory_space<vmem>> -> memref<128xi32, #tpu.memory_space<vmem>>
      %dma_start3A_1399 = arith.constant 0 : i32
      %dma_start3A_1400 = tpu.memref_slice %arg19[%dma_start3A_1399] : memref<10240xf32, #tpu.memory_space<vmem_shared>> -> memref<10240xf32, #tpu.memory_space<vmem_shared>>
      tpu.enqueue_indirect_dma source(%arg16 : memref<128xf32, #tpu.memory_space<vmem>>) target(%dma_start3A_1400 : memref<10240xf32, #tpu.memory_space<vmem_shared>>) offsets(%dma_start3A_1398 : memref<128xi32, #tpu.memory_space<vmem>>) semaphore(%arg38 : memref<!tpu.dma_semaphore, #tpu.memory_space<semaphore_mem>>) {add = true}
      %dma_wait3A_1401 = arith.constant 0 : i32
      %dma_wait3A_1402 = arith.constant 0 : i32
      %dma_wait3A_1403 = tpu.memref_slice %arg7[%dma_wait3A_1401, %dma_wait3A_1402] : memref<80x128xi32, #tpu.memory_space<vmem>> -> memref<1x128xi32, #tpu.memory_space<vmem>>
      %dma_wait3A_1404 = tpu.memref_squeeze %dma_wait3A_1403 : memref<1x128xi32, #tpu.memory_space<vmem>> -> memref<128xi32, #tpu.memory_space<vmem>>
      %dma_wait3A_1405 = arith.constant 0 : i32
      %dma_wait3A_1406 = arith.constant 0 : i32
      %dma_wait3A_1407 = tpu.memref_slice %arg18[%dma_wait3A_1405, %dma_wait3A_1406] : memref<10240x64xf32, #tpu.memory_space<vmem_shared>> -> memref<10240x64xf32, #tpu.memory_space<vmem_shared>>
      tpu.wait_indirect_dma semaphore(%arg29 : memref<!tpu.dma_semaphore, #tpu.memory_space<semaphore_mem>>) src(%arg8 : memref<128x64xf32, #tpu.memory_space<vmem>>) dst(%dma_wait3A_1407 : memref<10240x64xf32, #tpu.memory_space<vmem_shared>>)
      %dma_wait3A_1408 = arith.constant 0 : i32
      %dma_wait3A_1409 = arith.constant 0 : i32
      %dma_wait3A_1410 = tpu.memref_slice %arg7[%dma_wait3A_1408, %dma_wait3A_1409] : memref<80x128xi32, #tpu.memory_space<vmem>> -> memref<1x128xi32, #tpu.memory_space<vmem>>
      %dma_wait3A_1411 = tpu.memref_squeeze %dma_wait3A_1410 : memref<1x128xi32, #tpu.memory_space<vmem>> -> memref<128xi32, #tpu.memory_space<vmem>>
      %dma_wait3A_1412 = arith.constant 0 : i32
      %dma_wait3A_1413 = tpu.memref_slice %arg19[%dma_wait3A_1412] : memref<10240xf32, #tpu.memory_space<vmem_shared>> -> memref<10240xf32, #tpu.memory_space<vmem_shared>>
      tpu.wait_indirect_dma semaphore(%arg37 : memref<!tpu.dma_semaphore, #tpu.memory_space<semaphore_mem>>) src(%arg16 : memref<128xf32, #tpu.memory_space<vmem>>) dst(%dma_wait3A_1413 : memref<10240xf32, #tpu.memory_space<vmem_shared>>)
      %add3A_1414 = arith.constant 2 : i32
      %add3A_1415 = arith.addi %mul3A_1318, %add3A_1414 : i32
      %add3A_1416 = arith.constant 6 : i32
      %add3A_1417 = arith.addi %add3A_1415, %add3A_1416 : i32
      %mul3A_1418 = arith.constant 128 : i32
      %mul3A_1419 = arith.muli %add3A_1417, %mul3A_1418 : i32
      %dma_start3A_1420 = tpu.memref_slice %arg6[%mul3A_1419] : memref<10240xi32, #tpu.memory_space<vmem>> -> memref<128xi32, #tpu.memory_space<vmem>>
      %dma_start3A_1421 = arith.constant 0 : i32
      %dma_start3A_1422 = arith.constant 0 : i32
      %dma_start3A_1423 = tpu.memref_slice %arg3[%dma_start3A_1421, %dma_start3A_1422] : memref<10000x64xf32, #tpu.memory_space<hbm>> -> memref<10000x64xf32, #tpu.memory_space<hbm>>
      tpu.enqueue_indirect_dma source(%dma_start3A_1423 : memref<10000x64xf32, #tpu.memory_space<hbm>>) target(%arg8 : memref<128x64xf32, #tpu.memory_space<vmem>>) offsets(%dma_start3A_1420 : memref<128xi32, #tpu.memory_space<vmem>>) semaphore(%arg21 : memref<!tpu.dma_semaphore, #tpu.memory_space<semaphore_mem>>)
      %dma_wait3A_1424 = arith.constant 0 : i32
      %dma_wait3A_1425 = tpu.memref_slice %arg6[%dma_wait3A_1424] : memref<10240xi32, #tpu.memory_space<vmem>> -> memref<128xi32, #tpu.memory_space<vmem>>
      %dma_wait3A_1426 = arith.constant 0 : i32
      %dma_wait3A_1427 = arith.constant 0 : i32
      %dma_wait3A_1428 = tpu.memref_slice %arg3[%dma_wait3A_1426, %dma_wait3A_1427] : memref<10000x64xf32, #tpu.memory_space<hbm>> -> memref<10000x64xf32, #tpu.memory_space<hbm>>
      tpu.wait_indirect_dma semaphore(%arg23 : memref<!tpu.dma_semaphore, #tpu.memory_space<semaphore_mem>>) src(%dma_wait3A_1428 : memref<10000x64xf32, #tpu.memory_space<hbm>>) dst(%arg10 : memref<128x64xf32, #tpu.memory_space<vmem>>)
      %add3A_1429 = arith.constant 2 : i32
      %add3A_1430 = arith.addi %mul3A_1318, %add3A_1429 : i32
      %dma_start3A_1431 = arith.constant 0 : i32
      %dma_start3A_1432 = tpu.memref_slice %arg7[%add3A_1430, %dma_start3A_1431] : memref<80x128xi32, #tpu.memory_space<vmem>> -> memref<1x128xi32, #tpu.memory_space<vmem>>
      %dma_start3A_1433 = tpu.memref_squeeze %dma_start3A_1432 : memref<1x128xi32, #tpu.memory_space<vmem>> -> memref<128xi32, #tpu.memory_space<vmem>>
      %dma_start3A_1434 = arith.constant 0 : i32
      %dma_start3A_1435 = arith.constant 0 : i32
      %dma_start3A_1436 = tpu.memref_slice %arg18[%dma_start3A_1434, %dma_start3A_1435] : memref<10240x64xf32, #tpu.memory_space<vmem_shared>> -> memref<10240x64xf32, #tpu.memory_space<vmem_shared>>
      tpu.enqueue_indirect_dma source(%arg10 : memref<128x64xf32, #tpu.memory_space<vmem>>) target(%dma_start3A_1436 : memref<10240x64xf32, #tpu.memory_space<vmem_shared>>) offsets(%dma_start3A_1433 : memref<128xi32, #tpu.memory_space<vmem>>) semaphore(%arg31 : memref<!tpu.dma_semaphore, #tpu.memory_space<semaphore_mem>>) {add = true}
      %dma_start3A_1437 = arith.constant 0 : i32
      %dma_start3A_1438 = tpu.memref_slice %arg7[%add3A_1430, %dma_start3A_1437] : memref<80x128xi32, #tpu.memory_space<vmem>> -> memref<1x128xi32, #tpu.memory_space<vmem>>
      %dma_start3A_1439 = tpu.memref_squeeze %dma_start3A_1438 : memref<1x128xi32, #tpu.memory_space<vmem>> -> memref<128xi32, #tpu.memory_space<vmem>>
      %dma_start3A_1440 = arith.constant 0 : i32
      %dma_start3A_1441 = tpu.memref_slice %arg19[%dma_start3A_1440] : memref<10240xf32, #tpu.memory_space<vmem_shared>> -> memref<10240xf32, #tpu.memory_space<vmem_shared>>
      tpu.enqueue_indirect_dma source(%arg16 : memref<128xf32, #tpu.memory_space<vmem>>) target(%dma_start3A_1441 : memref<10240xf32, #tpu.memory_space<vmem_shared>>) offsets(%dma_start3A_1439 : memref<128xi32, #tpu.memory_space<vmem>>) semaphore(%arg39 : memref<!tpu.dma_semaphore, #tpu.memory_space<semaphore_mem>>) {add = true}
      %dma_wait3A_1442 = arith.constant 0 : i32
      %dma_wait3A_1443 = arith.constant 0 : i32
      %dma_wait3A_1444 = tpu.memref_slice %arg7[%dma_wait3A_1442, %dma_wait3A_1443] : memref<80x128xi32, #tpu.memory_space<vmem>> -> memref<1x128xi32, #tpu.memory_space<vmem>>
      %dma_wait3A_1445 = tpu.memref_squeeze %dma_wait3A_1444 : memref<1x128xi32, #tpu.memory_space<vmem>> -> memref<128xi32, #tpu.memory_space<vmem>>
      %dma_wait3A_1446 = arith.constant 0 : i32
      %dma_wait3A_1447 = arith.constant 0 : i32
      %dma_wait3A_1448 = tpu.memref_slice %arg18[%dma_wait3A_1446, %dma_wait3A_1447] : memref<10240x64xf32, #tpu.memory_space<vmem_shared>> -> memref<10240x64xf32, #tpu.memory_space<vmem_shared>>
      tpu.wait_indirect_dma semaphore(%arg30 : memref<!tpu.dma_semaphore, #tpu.memory_space<semaphore_mem>>) src(%arg9 : memref<128x64xf32, #tpu.memory_space<vmem>>) dst(%dma_wait3A_1448 : memref<10240x64xf32, #tpu.memory_space<vmem_shared>>)
      %dma_wait3A_1449 = arith.constant 0 : i32
      %dma_wait3A_1450 = arith.constant 0 : i32
      %dma_wait3A_1451 = tpu.memref_slice %arg7[%dma_wait3A_1449, %dma_wait3A_1450] : memref<80x128xi32, #tpu.memory_space<vmem>> -> memref<1x128xi32, #tpu.memory_space<vmem>>
      %dma_wait3A_1452 = tpu.memref_squeeze %dma_wait3A_1451 : memref<1x128xi32, #tpu.memory_space<vmem>> -> memref<128xi32, #tpu.memory_space<vmem>>
      %dma_wait3A_1453 = arith.constant 0 : i32
      %dma_wait3A_1454 = tpu.memref_slice %arg19[%dma_wait3A_1453] : memref<10240xf32, #tpu.memory_space<vmem_shared>> -> memref<10240xf32, #tpu.memory_space<vmem_shared>>
      tpu.wait_indirect_dma semaphore(%arg38 : memref<!tpu.dma_semaphore, #tpu.memory_space<semaphore_mem>>) src(%arg16 : memref<128xf32, #tpu.memory_space<vmem>>) dst(%dma_wait3A_1454 : memref<10240xf32, #tpu.memory_space<vmem_shared>>)
      %add3A_1455 = arith.constant 3 : i32
      %add3A_1456 = arith.addi %mul3A_1318, %add3A_1455 : i32
      %add3A_1457 = arith.constant 6 : i32
      %add3A_1458 = arith.addi %add3A_1456, %add3A_1457 : i32
      %mul3A_1459 = arith.constant 128 : i32
      %mul3A_1460 = arith.muli %add3A_1458, %mul3A_1459 : i32
      %dma_start3A_1461 = tpu.memref_slice %arg6[%mul3A_1460] : memref<10240xi32, #tpu.memory_space<vmem>> -> memref<128xi32, #tpu.memory_space<vmem>>
      %dma_start3A_1462 = arith.constant 0 : i32
      %dma_start3A_1463 = arith.constant 0 : i32
      %dma_start3A_1464 = tpu.memref_slice %arg3[%dma_start3A_1462, %dma_start3A_1463] : memref<10000x64xf32, #tpu.memory_space<hbm>> -> memref<10000x64xf32, #tpu.memory_space<hbm>>
      tpu.enqueue_indirect_dma source(%dma_start3A_1464 : memref<10000x64xf32, #tpu.memory_space<hbm>>) target(%arg9 : memref<128x64xf32, #tpu.memory_space<vmem>>) offsets(%dma_start3A_1461 : memref<128xi32, #tpu.memory_space<vmem>>) semaphore(%arg22 : memref<!tpu.dma_semaphore, #tpu.memory_space<semaphore_mem>>)
      %dma_wait3A_1465 = arith.constant 0 : i32
      %dma_wait3A_1466 = tpu.memref_slice %arg6[%dma_wait3A_1465] : memref<10240xi32, #tpu.memory_space<vmem>> -> memref<128xi32, #tpu.memory_space<vmem>>
      %dma_wait3A_1467 = arith.constant 0 : i32
      %dma_wait3A_1468 = arith.constant 0 : i32
      %dma_wait3A_1469 = tpu.memref_slice %arg3[%dma_wait3A_1467, %dma_wait3A_1468] : memref<10000x64xf32, #tpu.memory_space<hbm>> -> memref<10000x64xf32, #tpu.memory_space<hbm>>
      tpu.wait_indirect_dma semaphore(%arg24 : memref<!tpu.dma_semaphore, #tpu.memory_space<semaphore_mem>>) src(%dma_wait3A_1469 : memref<10000x64xf32, #tpu.memory_space<hbm>>) dst(%arg11 : memref<128x64xf32, #tpu.memory_space<vmem>>)
      %add3A_1470 = arith.constant 3 : i32
      %add3A_1471 = arith.addi %mul3A_1318, %add3A_1470 : i32
      %dma_start3A_1472 = arith.constant 0 : i32
      %dma_start3A_1473 = tpu.memref_slice %arg7[%add3A_1471, %dma_start3A_1472] : memref<80x128xi32, #tpu.memory_space<vmem>> -> memref<1x128xi32, #tpu.memory_space<vmem>>
      %dma_start3A_1474 = tpu.memref_squeeze %dma_start3A_1473 : memref<1x128xi32, #tpu.memory_space<vmem>> -> memref<128xi32, #tpu.memory_space<vmem>>
      %dma_start3A_1475 = arith.constant 0 : i32
      %dma_start3A_1476 = arith.constant 0 : i32
      %dma_start3A_1477 = tpu.memref_slice %arg18[%dma_start3A_1475, %dma_start3A_1476] : memref<10240x64xf32, #tpu.memory_space<vmem_shared>> -> memref<10240x64xf32, #tpu.memory_space<vmem_shared>>
      tpu.enqueue_indirect_dma source(%arg11 : memref<128x64xf32, #tpu.memory_space<vmem>>) target(%dma_start3A_1477 : memref<10240x64xf32, #tpu.memory_space<vmem_shared>>) offsets(%dma_start3A_1474 : memref<128xi32, #tpu.memory_space<vmem>>) semaphore(%arg32 : memref<!tpu.dma_semaphore, #tpu.memory_space<semaphore_mem>>) {add = true}
      %dma_start3A_1478 = arith.constant 0 : i32
      %dma_start3A_1479 = tpu.memref_slice %arg7[%add3A_1471, %dma_start3A_1478] : memref<80x128xi32, #tpu.memory_space<vmem>> -> memref<1x128xi32, #tpu.memory_space<vmem>>
      %dma_start3A_1480 = tpu.memref_squeeze %dma_start3A_1479 : memref<1x128xi32, #tpu.memory_space<vmem>> -> memref<128xi32, #tpu.memory_space<vmem>>
      %dma_start3A_1481 = arith.constant 0 : i32
      %dma_start3A_1482 = tpu.memref_slice %arg19[%dma_start3A_1481] : memref<10240xf32, #tpu.memory_space<vmem_shared>> -> memref<10240xf32, #tpu.memory_space<vmem_shared>>
      tpu.enqueue_indirect_dma source(%arg16 : memref<128xf32, #tpu.memory_space<vmem>>) target(%dma_start3A_1482 : memref<10240xf32, #tpu.memory_space<vmem_shared>>) offsets(%dma_start3A_1480 : memref<128xi32, #tpu.memory_space<vmem>>) semaphore(%arg40 : memref<!tpu.dma_semaphore, #tpu.memory_space<semaphore_mem>>) {add = true}
      %dma_wait3A_1483 = arith.constant 0 : i32
      %dma_wait3A_1484 = arith.constant 0 : i32
      %dma_wait3A_1485 = tpu.memref_slice %arg7[%dma_wait3A_1483, %dma_wait3A_1484] : memref<80x128xi32, #tpu.memory_space<vmem>> -> memref<1x128xi32, #tpu.memory_space<vmem>>
      %dma_wait3A_1486 = tpu.memref_squeeze %dma_wait3A_1485 : memref<1x128xi32, #tpu.memory_space<vmem>> -> memref<128xi32, #tpu.memory_space<vmem>>
      %dma_wait3A_1487 = arith.constant 0 : i32
      %dma_wait3A_1488 = arith.constant 0 : i32
      %dma_wait3A_1489 = tpu.memref_slice %arg18[%dma_wait3A_1487, %dma_wait3A_1488] : memref<10240x64xf32, #tpu.memory_space<vmem_shared>> -> memref<10240x64xf32, #tpu.memory_space<vmem_shared>>
      tpu.wait_indirect_dma semaphore(%arg31 : memref<!tpu.dma_semaphore, #tpu.memory_space<semaphore_mem>>) src(%arg10 : memref<128x64xf32, #tpu.memory_space<vmem>>) dst(%dma_wait3A_1489 : memref<10240x64xf32, #tpu.memory_space<vmem_shared>>)
      %dma_wait3A_1490 = arith.constant 0 : i32
      %dma_wait3A_1491 = arith.constant 0 : i32
      %dma_wait3A_1492 = tpu.memref_slice %arg7[%dma_wait3A_1490, %dma_wait3A_1491] : memref<80x128xi32, #tpu.memory_space<vmem>> -> memref<1x128xi32, #tpu.memory_space<vmem>>
      %dma_wait3A_1493 = tpu.memref_squeeze %dma_wait3A_1492 : memref<1x128xi32, #tpu.memory_space<vmem>> -> memref<128xi32, #tpu.memory_space<vmem>>
      %dma_wait3A_1494 = arith.constant 0 : i32
      %dma_wait3A_1495 = tpu.memref_slice %arg19[%dma_wait3A_1494] : memref<10240xf32, #tpu.memory_space<vmem_shared>> -> memref<10240xf32, #tpu.memory_space<vmem_shared>>
      tpu.wait_indirect_dma semaphore(%arg39 : memref<!tpu.dma_semaphore, #tpu.memory_space<semaphore_mem>>) src(%arg16 : memref<128xf32, #tpu.memory_space<vmem>>) dst(%dma_wait3A_1495 : memref<10240xf32, #tpu.memory_space<vmem_shared>>)
      %add3A_1496 = arith.constant 4 : i32
      %add3A_1497 = arith.addi %mul3A_1318, %add3A_1496 : i32
      %add3A_1498 = arith.constant 6 : i32
      %add3A_1499 = arith.addi %add3A_1497, %add3A_1498 : i32
      %mul3A_1500 = arith.constant 128 : i32
      %mul3A_1501 = arith.muli %add3A_1499, %mul3A_1500 : i32
      %dma_start3A_1502 = tpu.memref_slice %arg6[%mul3A_1501] : memref<10240xi32, #tpu.memory_space<vmem>> -> memref<128xi32, #tpu.memory_space<vmem>>
      %dma_start3A_1503 = arith.constant 0 : i32
      %dma_start3A_1504 = arith.constant 0 : i32
      %dma_start3A_1505 = tpu.memref_slice %arg3[%dma_start3A_1503, %dma_start3A_1504] : memref<10000x64xf32, #tpu.memory_space<hbm>> -> memref<10000x64xf32, #tpu.memory_space<hbm>>
      tpu.enqueue_indirect_dma source(%dma_start3A_1505 : memref<10000x64xf32, #tpu.memory_space<hbm>>) target(%arg10 : memref<128x64xf32, #tpu.memory_space<vmem>>) offsets(%dma_start3A_1502 : memref<128xi32, #tpu.memory_space<vmem>>) semaphore(%arg23 : memref<!tpu.dma_semaphore, #tpu.memory_space<semaphore_mem>>)
      %dma_wait3A_1506 = arith.constant 0 : i32
      %dma_wait3A_1507 = tpu.memref_slice %arg6[%dma_wait3A_1506] : memref<10240xi32, #tpu.memory_space<vmem>> -> memref<128xi32, #tpu.memory_space<vmem>>
      %dma_wait3A_1508 = arith.constant 0 : i32
      %dma_wait3A_1509 = arith.constant 0 : i32
      %dma_wait3A_1510 = tpu.memref_slice %arg3[%dma_wait3A_1508, %dma_wait3A_1509] : memref<10000x64xf32, #tpu.memory_space<hbm>> -> memref<10000x64xf32, #tpu.memory_space<hbm>>
      tpu.wait_indirect_dma semaphore(%arg25 : memref<!tpu.dma_semaphore, #tpu.memory_space<semaphore_mem>>) src(%dma_wait3A_1510 : memref<10000x64xf32, #tpu.memory_space<hbm>>) dst(%arg12 : memref<128x64xf32, #tpu.memory_space<vmem>>)
      %add3A_1511 = arith.constant 4 : i32
      %add3A_1512 = arith.addi %mul3A_1318, %add3A_1511 : i32
      %dma_start3A_1513 = arith.constant 0 : i32
      %dma_start3A_1514 = tpu.memref_slice %arg7[%add3A_1512, %dma_start3A_1513] : memref<80x128xi32, #tpu.memory_space<vmem>> -> memref<1x128xi32, #tpu.memory_space<vmem>>
      %dma_start3A_1515 = tpu.memref_squeeze %dma_start3A_1514 : memref<1x128xi32, #tpu.memory_space<vmem>> -> memref<128xi32, #tpu.memory_space<vmem>>
      %dma_start3A_1516 = arith.constant 0 : i32
      %dma_start3A_1517 = arith.constant 0 : i32
      %dma_start3A_1518 = tpu.memref_slice %arg18[%dma_start3A_1516, %dma_start3A_1517] : memref<10240x64xf32, #tpu.memory_space<vmem_shared>> -> memref<10240x64xf32, #tpu.memory_space<vmem_shared>>
      tpu.enqueue_indirect_dma source(%arg12 : memref<128x64xf32, #tpu.memory_space<vmem>>) target(%dma_start3A_1518 : memref<10240x64xf32, #tpu.memory_space<vmem_shared>>) offsets(%dma_start3A_1515 : memref<128xi32, #tpu.memory_space<vmem>>) semaphore(%arg33 : memref<!tpu.dma_semaphore, #tpu.memory_space<semaphore_mem>>) {add = true}
      %dma_start3A_1519 = arith.constant 0 : i32
      %dma_start3A_1520 = tpu.memref_slice %arg7[%add3A_1512, %dma_start3A_1519] : memref<80x128xi32, #tpu.memory_space<vmem>> -> memref<1x128xi32, #tpu.memory_space<vmem>>
      %dma_start3A_1521 = tpu.memref_squeeze %dma_start3A_1520 : memref<1x128xi32, #tpu.memory_space<vmem>> -> memref<128xi32, #tpu.memory_space<vmem>>
      %dma_start3A_1522 = arith.constant 0 : i32
      %dma_start3A_1523 = tpu.memref_slice %arg19[%dma_start3A_1522] : memref<10240xf32, #tpu.memory_space<vmem_shared>> -> memref<10240xf32, #tpu.memory_space<vmem_shared>>
      tpu.enqueue_indirect_dma source(%arg16 : memref<128xf32, #tpu.memory_space<vmem>>) target(%dma_start3A_1523 : memref<10240xf32, #tpu.memory_space<vmem_shared>>) offsets(%dma_start3A_1521 : memref<128xi32, #tpu.memory_space<vmem>>) semaphore(%arg41 : memref<!tpu.dma_semaphore, #tpu.memory_space<semaphore_mem>>) {add = true}
      %dma_wait3A_1524 = arith.constant 0 : i32
      %dma_wait3A_1525 = arith.constant 0 : i32
      %dma_wait3A_1526 = tpu.memref_slice %arg7[%dma_wait3A_1524, %dma_wait3A_1525] : memref<80x128xi32, #tpu.memory_space<vmem>> -> memref<1x128xi32, #tpu.memory_space<vmem>>
      %dma_wait3A_1527 = tpu.memref_squeeze %dma_wait3A_1526 : memref<1x128xi32, #tpu.memory_space<vmem>> -> memref<128xi32, #tpu.memory_space<vmem>>
      %dma_wait3A_1528 = arith.constant 0 : i32
      %dma_wait3A_1529 = arith.constant 0 : i32
      %dma_wait3A_1530 = tpu.memref_slice %arg18[%dma_wait3A_1528, %dma_wait3A_1529] : memref<10240x64xf32, #tpu.memory_space<vmem_shared>> -> memref<10240x64xf32, #tpu.memory_space<vmem_shared>>
      tpu.wait_indirect_dma semaphore(%arg32 : memref<!tpu.dma_semaphore, #tpu.memory_space<semaphore_mem>>) src(%arg11 : memref<128x64xf32, #tpu.memory_space<vmem>>) dst(%dma_wait3A_1530 : memref<10240x64xf32, #tpu.memory_space<vmem_shared>>)
      %dma_wait3A_1531 = arith.constant 0 : i32
      %dma_wait3A_1532 = arith.constant 0 : i32
      %dma_wait3A_1533 = tpu.memref_slice %arg7[%dma_wait3A_1531, %dma_wait3A_1532] : memref<80x128xi32, #tpu.memory_space<vmem>> -> memref<1x128xi32, #tpu.memory_space<vmem>>
      %dma_wait3A_1534 = tpu.memref_squeeze %dma_wait3A_1533 : memref<1x128xi32, #tpu.memory_space<vmem>> -> memref<128xi32, #tpu.memory_space<vmem>>
      %dma_wait3A_1535 = arith.constant 0 : i32
      %dma_wait3A_1536 = tpu.memref_slice %arg19[%dma_wait3A_1535] : memref<10240xf32, #tpu.memory_space<vmem_shared>> -> memref<10240xf32, #tpu.memory_space<vmem_shared>>
      tpu.wait_indirect_dma semaphore(%arg40 : memref<!tpu.dma_semaphore, #tpu.memory_space<semaphore_mem>>) src(%arg16 : memref<128xf32, #tpu.memory_space<vmem>>) dst(%dma_wait3A_1536 : memref<10240xf32, #tpu.memory_space<vmem_shared>>)
      %add3A_1537 = arith.constant 5 : i32
      %add3A_1538 = arith.addi %mul3A_1318, %add3A_1537 : i32
      %add3A_1539 = arith.constant 6 : i32
      %add3A_1540 = arith.addi %add3A_1538, %add3A_1539 : i32
      %mul3A_1541 = arith.constant 128 : i32
      %mul3A_1542 = arith.muli %add3A_1540, %mul3A_1541 : i32
      %dma_start3A_1543 = tpu.memref_slice %arg6[%mul3A_1542] : memref<10240xi32, #tpu.memory_space<vmem>> -> memref<128xi32, #tpu.memory_space<vmem>>
      %dma_start3A_1544 = arith.constant 0 : i32
      %dma_start3A_1545 = arith.constant 0 : i32
      %dma_start3A_1546 = tpu.memref_slice %arg3[%dma_start3A_1544, %dma_start3A_1545] : memref<10000x64xf32, #tpu.memory_space<hbm>> -> memref<10000x64xf32, #tpu.memory_space<hbm>>
      tpu.enqueue_indirect_dma source(%dma_start3A_1546 : memref<10000x64xf32, #tpu.memory_space<hbm>>) target(%arg11 : memref<128x64xf32, #tpu.memory_space<vmem>>) offsets(%dma_start3A_1543 : memref<128xi32, #tpu.memory_space<vmem>>) semaphore(%arg24 : memref<!tpu.dma_semaphore, #tpu.memory_space<semaphore_mem>>)
      %dma_wait3A_1547 = arith.constant 0 : i32
      %dma_wait3A_1548 = tpu.memref_slice %arg6[%dma_wait3A_1547] : memref<10240xi32, #tpu.memory_space<vmem>> -> memref<128xi32, #tpu.memory_space<vmem>>
      %dma_wait3A_1549 = arith.constant 0 : i32
      %dma_wait3A_1550 = arith.constant 0 : i32
      %dma_wait3A_1551 = tpu.memref_slice %arg3[%dma_wait3A_1549, %dma_wait3A_1550] : memref<10000x64xf32, #tpu.memory_space<hbm>> -> memref<10000x64xf32, #tpu.memory_space<hbm>>
      tpu.wait_indirect_dma semaphore(%arg26 : memref<!tpu.dma_semaphore, #tpu.memory_space<semaphore_mem>>) src(%dma_wait3A_1551 : memref<10000x64xf32, #tpu.memory_space<hbm>>) dst(%arg13 : memref<128x64xf32, #tpu.memory_space<vmem>>)
      %add3A_1552 = arith.constant 5 : i32
      %add3A_1553 = arith.addi %mul3A_1318, %add3A_1552 : i32
      %dma_start3A_1554 = arith.constant 0 : i32
      %dma_start3A_1555 = tpu.memref_slice %arg7[%add3A_1553, %dma_start3A_1554] : memref<80x128xi32, #tpu.memory_space<vmem>> -> memref<1x128xi32, #tpu.memory_space<vmem>>
      %dma_start3A_1556 = tpu.memref_squeeze %dma_start3A_1555 : memref<1x128xi32, #tpu.memory_space<vmem>> -> memref<128xi32, #tpu.memory_space<vmem>>
      %dma_start3A_1557 = arith.constant 0 : i32
      %dma_start3A_1558 = arith.constant 0 : i32
      %dma_start3A_1559 = tpu.memref_slice %arg18[%dma_start3A_1557, %dma_start3A_1558] : memref<10240x64xf32, #tpu.memory_space<vmem_shared>> -> memref<10240x64xf32, #tpu.memory_space<vmem_shared>>
      tpu.enqueue_indirect_dma source(%arg13 : memref<128x64xf32, #tpu.memory_space<vmem>>) target(%dma_start3A_1559 : memref<10240x64xf32, #tpu.memory_space<vmem_shared>>) offsets(%dma_start3A_1556 : memref<128xi32, #tpu.memory_space<vmem>>) semaphore(%arg34 : memref<!tpu.dma_semaphore, #tpu.memory_space<semaphore_mem>>) {add = true}
      %dma_start3A_1560 = arith.constant 0 : i32
      %dma_start3A_1561 = tpu.memref_slice %arg7[%add3A_1553, %dma_start3A_1560] : memref<80x128xi32, #tpu.memory_space<vmem>> -> memref<1x128xi32, #tpu.memory_space<vmem>>
      %dma_start3A_1562 = tpu.memref_squeeze %dma_start3A_1561 : memref<1x128xi32, #tpu.memory_space<vmem>> -> memref<128xi32, #tpu.memory_space<vmem>>
      %dma_start3A_1563 = arith.constant 0 : i32
      %dma_start3A_1564 = tpu.memref_slice %arg19[%dma_start3A_1563] : memref<10240xf32, #tpu.memory_space<vmem_shared>> -> memref<10240xf32, #tpu.memory_space<vmem_shared>>
      tpu.enqueue_indirect_dma source(%arg16 : memref<128xf32, #tpu.memory_space<vmem>>) target(%dma_start3A_1564 : memref<10240xf32, #tpu.memory_space<vmem_shared>>) offsets(%dma_start3A_1562 : memref<128xi32, #tpu.memory_space<vmem>>) semaphore(%arg42 : memref<!tpu.dma_semaphore, #tpu.memory_space<semaphore_mem>>) {add = true}
      %dma_wait3A_1565 = arith.constant 0 : i32
      %dma_wait3A_1566 = arith.constant 0 : i32
      %dma_wait3A_1567 = tpu.memref_slice %arg7[%dma_wait3A_1565, %dma_wait3A_1566] : memref<80x128xi32, #tpu.memory_space<vmem>> -> memref<1x128xi32, #tpu.memory_space<vmem>>
      %dma_wait3A_1568 = tpu.memref_squeeze %dma_wait3A_1567 : memref<1x128xi32, #tpu.memory_space<vmem>> -> memref<128xi32, #tpu.memory_space<vmem>>
      %dma_wait3A_1569 = arith.constant 0 : i32
      %dma_wait3A_1570 = arith.constant 0 : i32
      %dma_wait3A_1571 = tpu.memref_slice %arg18[%dma_wait3A_1569, %dma_wait3A_1570] : memref<10240x64xf32, #tpu.memory_space<vmem_shared>> -> memref<10240x64xf32, #tpu.memory_space<vmem_shared>>
      tpu.wait_indirect_dma semaphore(%arg33 : memref<!tpu.dma_semaphore, #tpu.memory_space<semaphore_mem>>) src(%arg12 : memref<128x64xf32, #tpu.memory_space<vmem>>) dst(%dma_wait3A_1571 : memref<10240x64xf32, #tpu.memory_space<vmem_shared>>)
      %dma_wait3A_1572 = arith.constant 0 : i32
      %dma_wait3A_1573 = arith.constant 0 : i32
      %dma_wait3A_1574 = tpu.memref_slice %arg7[%dma_wait3A_1572, %dma_wait3A_1573] : memref<80x128xi32, #tpu.memory_space<vmem>> -> memref<1x128xi32, #tpu.memory_space<vmem>>
      %dma_wait3A_1575 = tpu.memref_squeeze %dma_wait3A_1574 : memref<1x128xi32, #tpu.memory_space<vmem>> -> memref<128xi32, #tpu.memory_space<vmem>>
      %dma_wait3A_1576 = arith.constant 0 : i32
      %dma_wait3A_1577 = tpu.memref_slice %arg19[%dma_wait3A_1576] : memref<10240xf32, #tpu.memory_space<vmem_shared>> -> memref<10240xf32, #tpu.memory_space<vmem_shared>>
      tpu.wait_indirect_dma semaphore(%arg41 : memref<!tpu.dma_semaphore, #tpu.memory_space<semaphore_mem>>) src(%arg16 : memref<128xf32, #tpu.memory_space<vmem>>) dst(%dma_wait3A_1577 : memref<10240xf32, #tpu.memory_space<vmem_shared>>)
      %add3A_1578 = arith.constant 6 : i32
      %add3A_1579 = arith.addi %mul3A_1318, %add3A_1578 : i32
      %add3A_1580 = arith.constant 6 : i32
      %add3A_1581 = arith.addi %add3A_1579, %add3A_1580 : i32
      %mul3A_1582 = arith.constant 128 : i32
      %mul3A_1583 = arith.muli %add3A_1581, %mul3A_1582 : i32
      %dma_start3A_1584 = tpu.memref_slice %arg6[%mul3A_1583] : memref<10240xi32, #tpu.memory_space<vmem>> -> memref<128xi32, #tpu.memory_space<vmem>>
      %dma_start3A_1585 = arith.constant 0 : i32
      %dma_start3A_1586 = arith.constant 0 : i32
      %dma_start3A_1587 = tpu.memref_slice %arg3[%dma_start3A_1585, %dma_start3A_1586] : memref<10000x64xf32, #tpu.memory_space<hbm>> -> memref<10000x64xf32, #tpu.memory_space<hbm>>
      tpu.enqueue_indirect_dma source(%dma_start3A_1587 : memref<10000x64xf32, #tpu.memory_space<hbm>>) target(%arg12 : memref<128x64xf32, #tpu.memory_space<vmem>>) offsets(%dma_start3A_1584 : memref<128xi32, #tpu.memory_space<vmem>>) semaphore(%arg25 : memref<!tpu.dma_semaphore, #tpu.memory_space<semaphore_mem>>)
      %dma_wait3A_1588 = arith.constant 0 : i32
      %dma_wait3A_1589 = tpu.memref_slice %arg6[%dma_wait3A_1588] : memref<10240xi32, #tpu.memory_space<vmem>> -> memref<128xi32, #tpu.memory_space<vmem>>
      %dma_wait3A_1590 = arith.constant 0 : i32
      %dma_wait3A_1591 = arith.constant 0 : i32
      %dma_wait3A_1592 = tpu.memref_slice %arg3[%dma_wait3A_1590, %dma_wait3A_1591] : memref<10000x64xf32, #tpu.memory_space<hbm>> -> memref<10000x64xf32, #tpu.memory_space<hbm>>
      tpu.wait_indirect_dma semaphore(%arg27 : memref<!tpu.dma_semaphore, #tpu.memory_space<semaphore_mem>>) src(%dma_wait3A_1592 : memref<10000x64xf32, #tpu.memory_space<hbm>>) dst(%arg14 : memref<128x64xf32, #tpu.memory_space<vmem>>)
      %add3A_1593 = arith.constant 6 : i32
      %add3A_1594 = arith.addi %mul3A_1318, %add3A_1593 : i32
      %dma_start3A_1595 = arith.constant 0 : i32
      %dma_start3A_1596 = tpu.memref_slice %arg7[%add3A_1594, %dma_start3A_1595] : memref<80x128xi32, #tpu.memory_space<vmem>> -> memref<1x128xi32, #tpu.memory_space<vmem>>
      %dma_start3A_1597 = tpu.memref_squeeze %dma_start3A_1596 : memref<1x128xi32, #tpu.memory_space<vmem>> -> memref<128xi32, #tpu.memory_space<vmem>>
      %dma_start3A_1598 = arith.constant 0 : i32
      %dma_start3A_1599 = arith.constant 0 : i32
      %dma_start3A_1600 = tpu.memref_slice %arg18[%dma_start3A_1598, %dma_start3A_1599] : memref<10240x64xf32, #tpu.memory_space<vmem_shared>> -> memref<10240x64xf32, #tpu.memory_space<vmem_shared>>
      tpu.enqueue_indirect_dma source(%arg14 : memref<128x64xf32, #tpu.memory_space<vmem>>) target(%dma_start3A_1600 : memref<10240x64xf32, #tpu.memory_space<vmem_shared>>) offsets(%dma_start3A_1597 : memref<128xi32, #tpu.memory_space<vmem>>) semaphore(%arg35 : memref<!tpu.dma_semaphore, #tpu.memory_space<semaphore_mem>>) {add = true}
      %dma_start3A_1601 = arith.constant 0 : i32
      %dma_start3A_1602 = tpu.memref_slice %arg7[%add3A_1594, %dma_start3A_1601] : memref<80x128xi32, #tpu.memory_space<vmem>> -> memref<1x128xi32, #tpu.memory_space<vmem>>
      %dma_start3A_1603 = tpu.memref_squeeze %dma_start3A_1602 : memref<1x128xi32, #tpu.memory_space<vmem>> -> memref<128xi32, #tpu.memory_space<vmem>>
      %dma_start3A_1604 = arith.constant 0 : i32
      %dma_start3A_1605 = tpu.memref_slice %arg19[%dma_start3A_1604] : memref<10240xf32, #tpu.memory_space<vmem_shared>> -> memref<10240xf32, #tpu.memory_space<vmem_shared>>
      tpu.enqueue_indirect_dma source(%arg16 : memref<128xf32, #tpu.memory_space<vmem>>) target(%dma_start3A_1605 : memref<10240xf32, #tpu.memory_space<vmem_shared>>) offsets(%dma_start3A_1603 : memref<128xi32, #tpu.memory_space<vmem>>) semaphore(%arg43 : memref<!tpu.dma_semaphore, #tpu.memory_space<semaphore_mem>>) {add = true}
      %dma_wait3A_1606 = arith.constant 0 : i32
      %dma_wait3A_1607 = arith.constant 0 : i32
      %dma_wait3A_1608 = tpu.memref_slice %arg7[%dma_wait3A_1606, %dma_wait3A_1607] : memref<80x128xi32, #tpu.memory_space<vmem>> -> memref<1x128xi32, #tpu.memory_space<vmem>>
      %dma_wait3A_1609 = tpu.memref_squeeze %dma_wait3A_1608 : memref<1x128xi32, #tpu.memory_space<vmem>> -> memref<128xi32, #tpu.memory_space<vmem>>
      %dma_wait3A_1610 = arith.constant 0 : i32
      %dma_wait3A_1611 = arith.constant 0 : i32
      %dma_wait3A_1612 = tpu.memref_slice %arg18[%dma_wait3A_1610, %dma_wait3A_1611] : memref<10240x64xf32, #tpu.memory_space<vmem_shared>> -> memref<10240x64xf32, #tpu.memory_space<vmem_shared>>
      tpu.wait_indirect_dma semaphore(%arg34 : memref<!tpu.dma_semaphore, #tpu.memory_space<semaphore_mem>>) src(%arg13 : memref<128x64xf32, #tpu.memory_space<vmem>>) dst(%dma_wait3A_1612 : memref<10240x64xf32, #tpu.memory_space<vmem_shared>>)
      %dma_wait3A_1613 = arith.constant 0 : i32
      %dma_wait3A_1614 = arith.constant 0 : i32
      %dma_wait3A_1615 = tpu.memref_slice %arg7[%dma_wait3A_1613, %dma_wait3A_1614] : memref<80x128xi32, #tpu.memory_space<vmem>> -> memref<1x128xi32, #tpu.memory_space<vmem>>
      %dma_wait3A_1616 = tpu.memref_squeeze %dma_wait3A_1615 : memref<1x128xi32, #tpu.memory_space<vmem>> -> memref<128xi32, #tpu.memory_space<vmem>>
      %dma_wait3A_1617 = arith.constant 0 : i32
      %dma_wait3A_1618 = tpu.memref_slice %arg19[%dma_wait3A_1617] : memref<10240xf32, #tpu.memory_space<vmem_shared>> -> memref<10240xf32, #tpu.memory_space<vmem_shared>>
      tpu.wait_indirect_dma semaphore(%arg42 : memref<!tpu.dma_semaphore, #tpu.memory_space<semaphore_mem>>) src(%arg16 : memref<128xf32, #tpu.memory_space<vmem>>) dst(%dma_wait3A_1618 : memref<10240xf32, #tpu.memory_space<vmem_shared>>)
      %add3A_1619 = arith.constant 7 : i32
      %add3A_1620 = arith.addi %mul3A_1318, %add3A_1619 : i32
      %add3A_1621 = arith.constant 6 : i32
      %add3A_1622 = arith.addi %add3A_1620, %add3A_1621 : i32
      %mul3A_1623 = arith.constant 128 : i32
      %mul3A_1624 = arith.muli %add3A_1622, %mul3A_1623 : i32
      %dma_start3A_1625 = tpu.memref_slice %arg6[%mul3A_1624] : memref<10240xi32, #tpu.memory_space<vmem>> -> memref<128xi32, #tpu.memory_space<vmem>>
      %dma_start3A_1626 = arith.constant 0 : i32
      %dma_start3A_1627 = arith.constant 0 : i32
      %dma_start3A_1628 = tpu.memref_slice %arg3[%dma_start3A_1626, %dma_start3A_1627] : memref<10000x64xf32, #tpu.memory_space<hbm>> -> memref<10000x64xf32, #tpu.memory_space<hbm>>
      tpu.enqueue_indirect_dma source(%dma_start3A_1628 : memref<10000x64xf32, #tpu.memory_space<hbm>>) target(%arg13 : memref<128x64xf32, #tpu.memory_space<vmem>>) offsets(%dma_start3A_1625 : memref<128xi32, #tpu.memory_space<vmem>>) semaphore(%arg26 : memref<!tpu.dma_semaphore, #tpu.memory_space<semaphore_mem>>)
      %dma_wait3A_1629 = arith.constant 0 : i32
      %dma_wait3A_1630 = tpu.memref_slice %arg6[%dma_wait3A_1629] : memref<10240xi32, #tpu.memory_space<vmem>> -> memref<128xi32, #tpu.memory_space<vmem>>
      %dma_wait3A_1631 = arith.constant 0 : i32
      %dma_wait3A_1632 = arith.constant 0 : i32
      %dma_wait3A_1633 = tpu.memref_slice %arg3[%dma_wait3A_1631, %dma_wait3A_1632] : memref<10000x64xf32, #tpu.memory_space<hbm>> -> memref<10000x64xf32, #tpu.memory_space<hbm>>
      tpu.wait_indirect_dma semaphore(%arg28 : memref<!tpu.dma_semaphore, #tpu.memory_space<semaphore_mem>>) src(%dma_wait3A_1633 : memref<10000x64xf32, #tpu.memory_space<hbm>>) dst(%arg15 : memref<128x64xf32, #tpu.memory_space<vmem>>)
      %add3A_1634 = arith.constant 7 : i32
      %add3A_1635 = arith.addi %mul3A_1318, %add3A_1634 : i32
      %dma_start3A_1636 = arith.constant 0 : i32
      %dma_start3A_1637 = tpu.memref_slice %arg7[%add3A_1635, %dma_start3A_1636] : memref<80x128xi32, #tpu.memory_space<vmem>> -> memref<1x128xi32, #tpu.memory_space<vmem>>
      %dma_start3A_1638 = tpu.memref_squeeze %dma_start3A_1637 : memref<1x128xi32, #tpu.memory_space<vmem>> -> memref<128xi32, #tpu.memory_space<vmem>>
      %dma_start3A_1639 = arith.constant 0 : i32
      %dma_start3A_1640 = arith.constant 0 : i32
      %dma_start3A_1641 = tpu.memref_slice %arg18[%dma_start3A_1639, %dma_start3A_1640] : memref<10240x64xf32, #tpu.memory_space<vmem_shared>> -> memref<10240x64xf32, #tpu.memory_space<vmem_shared>>
      tpu.enqueue_indirect_dma source(%arg15 : memref<128x64xf32, #tpu.memory_space<vmem>>) target(%dma_start3A_1641 : memref<10240x64xf32, #tpu.memory_space<vmem_shared>>) offsets(%dma_start3A_1638 : memref<128xi32, #tpu.memory_space<vmem>>) semaphore(%arg36 : memref<!tpu.dma_semaphore, #tpu.memory_space<semaphore_mem>>) {add = true}
      %dma_start3A_1642 = arith.constant 0 : i32
      %dma_start3A_1643 = tpu.memref_slice %arg7[%add3A_1635, %dma_start3A_1642] : memref<80x128xi32, #tpu.memory_space<vmem>> -> memref<1x128xi32, #tpu.memory_space<vmem>>
      %dma_start3A_1644 = tpu.memref_squeeze %dma_start3A_1643 : memref<1x128xi32, #tpu.memory_space<vmem>> -> memref<128xi32, #tpu.memory_space<vmem>>
      %dma_start3A_1645 = arith.constant 0 : i32
      %dma_start3A_1646 = tpu.memref_slice %arg19[%dma_start3A_1645] : memref<10240xf32, #tpu.memory_space<vmem_shared>> -> memref<10240xf32, #tpu.memory_space<vmem_shared>>
      tpu.enqueue_indirect_dma source(%arg16 : memref<128xf32, #tpu.memory_space<vmem>>) target(%dma_start3A_1646 : memref<10240xf32, #tpu.memory_space<vmem_shared>>) offsets(%dma_start3A_1644 : memref<128xi32, #tpu.memory_space<vmem>>) semaphore(%arg44 : memref<!tpu.dma_semaphore, #tpu.memory_space<semaphore_mem>>) {add = true}
      %scan3A_1647 = arith.constant 0 : i32
      scf.yield %scan3A_1647 : i32
    }
    %scan3A_1026 = arith.constant 8 : i32
    %dma_wait3A_1027 = arith.constant 0 : i32
    %dma_wait3A_1028 = arith.constant 0 : i32
    %dma_wait3A_1029 = tpu.memref_slice %arg7[%dma_wait3A_1027, %dma_wait3A_1028] : memref<80x128xi32, #tpu.memory_space<vmem>> -> memref<1x128xi32, #tpu.memory_space<vmem>>
    %dma_wait3A_1030 = tpu.memref_squeeze %dma_wait3A_1029 : memref<1x128xi32, #tpu.memory_space<vmem>> -> memref<128xi32, #tpu.memory_space<vmem>>
    %dma_wait3A_1031 = arith.constant 0 : i32
    %dma_wait3A_1032 = arith.constant 0 : i32
    %dma_wait3A_1033 = tpu.memref_slice %arg18[%dma_wait3A_1031, %dma_wait3A_1032] : memref<10240x64xf32, #tpu.memory_space<vmem_shared>> -> memref<10240x64xf32, #tpu.memory_space<vmem_shared>>
    tpu.wait_indirect_dma semaphore(%arg35 : memref<!tpu.dma_semaphore, #tpu.memory_space<semaphore_mem>>) src(%arg14 : memref<128x64xf32, #tpu.memory_space<vmem>>) dst(%dma_wait3A_1033 : memref<10240x64xf32, #tpu.memory_space<vmem_shared>>)
    %dma_wait3A_1034 = arith.constant 0 : i32
    %dma_wait3A_1035 = arith.constant 0 : i32
    %dma_wait3A_1036 = tpu.memref_slice %arg7[%dma_wait3A_1034, %dma_wait3A_1035] : memref<80x128xi32, #tpu.memory_space<vmem>> -> memref<1x128xi32, #tpu.memory_space<vmem>>
    %dma_wait3A_1037 = tpu.memref_squeeze %dma_wait3A_1036 : memref<1x128xi32, #tpu.memory_space<vmem>> -> memref<128xi32, #tpu.memory_space<vmem>>
    %dma_wait3A_1038 = arith.constant 0 : i32
    %dma_wait3A_1039 = tpu.memref_slice %arg19[%dma_wait3A_1038] : memref<10240xf32, #tpu.memory_space<vmem_shared>> -> memref<10240xf32, #tpu.memory_space<vmem_shared>>
    tpu.wait_indirect_dma semaphore(%arg43 : memref<!tpu.dma_semaphore, #tpu.memory_space<semaphore_mem>>) src(%arg16 : memref<128xf32, #tpu.memory_space<vmem>>) dst(%dma_wait3A_1039 : memref<10240xf32, #tpu.memory_space<vmem_shared>>)
    %dma_start3A_1040 = arith.constant 9984 : i32
    %dma_start3A_1041 = tpu.memref_slice %arg6[%dma_start3A_1040] : memref<10240xi32, #tpu.memory_space<vmem>> -> memref<128xi32, #tpu.memory_space<vmem>>
    %dma_start3A_1042 = arith.constant 0 : i32
    %dma_start3A_1043 = arith.constant 0 : i32
    %dma_start3A_1044 = tpu.memref_slice %arg3[%dma_start3A_1042, %dma_start3A_1043] : memref<10000x64xf32, #tpu.memory_space<hbm>> -> memref<10000x64xf32, #tpu.memory_space<hbm>>
    tpu.enqueue_indirect_dma source(%dma_start3A_1044 : memref<10000x64xf32, #tpu.memory_space<hbm>>) target(%arg14 : memref<128x64xf32, #tpu.memory_space<vmem>>) offsets(%dma_start3A_1041 : memref<128xi32, #tpu.memory_space<vmem>>) semaphore(%arg27 : memref<!tpu.dma_semaphore, #tpu.memory_space<semaphore_mem>>)
    %dma_wait3A_1045 = arith.constant 0 : i32
    %dma_wait3A_1046 = tpu.memref_slice %arg6[%dma_wait3A_1045] : memref<10240xi32, #tpu.memory_space<vmem>> -> memref<128xi32, #tpu.memory_space<vmem>>
    %dma_wait3A_1047 = arith.constant 0 : i32
    %dma_wait3A_1048 = arith.constant 0 : i32
    %dma_wait3A_1049 = tpu.memref_slice %arg3[%dma_wait3A_1047, %dma_wait3A_1048] : memref<10000x64xf32, #tpu.memory_space<hbm>> -> memref<10000x64xf32, #tpu.memory_space<hbm>>
    tpu.wait_indirect_dma semaphore(%arg21 : memref<!tpu.dma_semaphore, #tpu.memory_space<semaphore_mem>>) src(%dma_wait3A_1049 : memref<10000x64xf32, #tpu.memory_space<hbm>>) dst(%arg8 : memref<128x64xf32, #tpu.memory_space<vmem>>)
    %dma_start3A_1050 = arith.constant 72 : i32
    %dma_start3A_1051 = arith.constant 0 : i32
    %dma_start3A_1052 = tpu.memref_slice %arg7[%dma_start3A_1050, %dma_start3A_1051] : memref<80x128xi32, #tpu.memory_space<vmem>> -> memref<1x128xi32, #tpu.memory_space<vmem>>
    %dma_start3A_1053 = tpu.memref_squeeze %dma_start3A_1052 : memref<1x128xi32, #tpu.memory_space<vmem>> -> memref<128xi32, #tpu.memory_space<vmem>>
    %dma_start3A_1054 = arith.constant 0 : i32
    %dma_start3A_1055 = arith.constant 0 : i32
    %dma_start3A_1056 = tpu.memref_slice %arg18[%dma_start3A_1054, %dma_start3A_1055] : memref<10240x64xf32, #tpu.memory_space<vmem_shared>> -> memref<10240x64xf32, #tpu.memory_space<vmem_shared>>
    tpu.enqueue_indirect_dma source(%arg8 : memref<128x64xf32, #tpu.memory_space<vmem>>) target(%dma_start3A_1056 : memref<10240x64xf32, #tpu.memory_space<vmem_shared>>) offsets(%dma_start3A_1053 : memref<128xi32, #tpu.memory_space<vmem>>) semaphore(%arg29 : memref<!tpu.dma_semaphore, #tpu.memory_space<semaphore_mem>>) {add = true}
    %dma_start3A_1057 = arith.constant 72 : i32
    %dma_start3A_1058 = arith.constant 0 : i32
    %dma_start3A_1059 = tpu.memref_slice %arg7[%dma_start3A_1057, %dma_start3A_1058] : memref<80x128xi32, #tpu.memory_space<vmem>> -> memref<1x128xi32, #tpu.memory_space<vmem>>
    %dma_start3A_1060 = tpu.memref_squeeze %dma_start3A_1059 : memref<1x128xi32, #tpu.memory_space<vmem>> -> memref<128xi32, #tpu.memory_space<vmem>>
    %dma_start3A_1061 = arith.constant 0 : i32
    %dma_start3A_1062 = tpu.memref_slice %arg19[%dma_start3A_1061] : memref<10240xf32, #tpu.memory_space<vmem_shared>> -> memref<10240xf32, #tpu.memory_space<vmem_shared>>
    tpu.enqueue_indirect_dma source(%arg16 : memref<128xf32, #tpu.memory_space<vmem>>) target(%dma_start3A_1062 : memref<10240xf32, #tpu.memory_space<vmem_shared>>) offsets(%dma_start3A_1060 : memref<128xi32, #tpu.memory_space<vmem>>) semaphore(%arg37 : memref<!tpu.dma_semaphore, #tpu.memory_space<semaphore_mem>>) {add = true}
    %dma_wait3A_1063 = arith.constant 0 : i32
    %dma_wait3A_1064 = arith.constant 0 : i32
    %dma_wait3A_1065 = tpu.memref_slice %arg7[%dma_wait3A_1063, %dma_wait3A_1064] : memref<80x128xi32, #tpu.memory_space<vmem>> -> memref<1x128xi32, #tpu.memory_space<vmem>>
    %dma_wait3A_1066 = tpu.memref_squeeze %dma_wait3A_1065 : memref<1x128xi32, #tpu.memory_space<vmem>> -> memref<128xi32, #tpu.memory_space<vmem>>
    %dma_wait3A_1067 = arith.constant 0 : i32
    %dma_wait3A_1068 = arith.constant 0 : i32
    %dma_wait3A_1069 = tpu.memref_slice %arg18[%dma_wait3A_1067, %dma_wait3A_1068] : memref<10240x64xf32, #tpu.memory_space<vmem_shared>> -> memref<10240x64xf32, #tpu.memory_space<vmem_shared>>
    tpu.wait_indirect_dma semaphore(%arg36 : memref<!tpu.dma_semaphore, #tpu.memory_space<semaphore_mem>>) src(%arg15 : memref<128x64xf32, #tpu.memory_space<vmem>>) dst(%dma_wait3A_1069 : memref<10240x64xf32, #tpu.memory_space<vmem_shared>>)
    %dma_wait3A_1070 = arith.constant 0 : i32
    %dma_wait3A_1071 = arith.constant 0 : i32
    %dma_wait3A_1072 = tpu.memref_slice %arg7[%dma_wait3A_1070, %dma_wait3A_1071] : memref<80x128xi32, #tpu.memory_space<vmem>> -> memref<1x128xi32, #tpu.memory_space<vmem>>
    %dma_wait3A_1073 = tpu.memref_squeeze %dma_wait3A_1072 : memref<1x128xi32, #tpu.memory_space<vmem>> -> memref<128xi32, #tpu.memory_space<vmem>>
    %dma_wait3A_1074 = arith.constant 0 : i32
    %dma_wait3A_1075 = tpu.memref_slice %arg19[%dma_wait3A_1074] : memref<10240xf32, #tpu.memory_space<vmem_shared>> -> memref<10240xf32, #tpu.memory_space<vmem_shared>>
    tpu.wait_indirect_dma semaphore(%arg44 : memref<!tpu.dma_semaphore, #tpu.memory_space<semaphore_mem>>) src(%arg16 : memref<128xf32, #tpu.memory_space<vmem>>) dst(%dma_wait3A_1075 : memref<10240xf32, #tpu.memory_space<vmem_shared>>)
    %dma_start3A_1076 = arith.constant 10112 : i32
    %dma_start3A_1077 = tpu.memref_slice %arg6[%dma_start3A_1076] : memref<10240xi32, #tpu.memory_space<vmem>> -> memref<128xi32, #tpu.memory_space<vmem>>
    %dma_start3A_1078 = arith.constant 0 : i32
    %dma_start3A_1079 = arith.constant 0 : i32
    %dma_start3A_1080 = tpu.memref_slice %arg3[%dma_start3A_1078, %dma_start3A_1079] : memref<10000x64xf32, #tpu.memory_space<hbm>> -> memref<10000x64xf32, #tpu.memory_space<hbm>>
    tpu.enqueue_indirect_dma source(%dma_start3A_1080 : memref<10000x64xf32, #tpu.memory_space<hbm>>) target(%arg15 : memref<128x64xf32, #tpu.memory_space<vmem>>) offsets(%dma_start3A_1077 : memref<128xi32, #tpu.memory_space<vmem>>) semaphore(%arg28 : memref<!tpu.dma_semaphore, #tpu.memory_space<semaphore_mem>>)
    %dma_wait3A_1081 = arith.constant 0 : i32
    %dma_wait3A_1082 = tpu.memref_slice %arg6[%dma_wait3A_1081] : memref<10240xi32, #tpu.memory_space<vmem>> -> memref<128xi32, #tpu.memory_space<vmem>>
    %dma_wait3A_1083 = arith.constant 0 : i32
    %dma_wait3A_1084 = arith.constant 0 : i32
    %dma_wait3A_1085 = tpu.memref_slice %arg3[%dma_wait3A_1083, %dma_wait3A_1084] : memref<10000x64xf32, #tpu.memory_space<hbm>> -> memref<10000x64xf32, #tpu.memory_space<hbm>>
    tpu.wait_indirect_dma semaphore(%arg22 : memref<!tpu.dma_semaphore, #tpu.memory_space<semaphore_mem>>) src(%dma_wait3A_1085 : memref<10000x64xf32, #tpu.memory_space<hbm>>) dst(%arg9 : memref<128x64xf32, #tpu.memory_space<vmem>>)
    %dma_start3A_1086 = arith.constant 73 : i32
    %dma_start3A_1087 = arith.constant 0 : i32
    %dma_start3A_1088 = tpu.memref_slice %arg7[%dma_start3A_1086, %dma_start3A_1087] : memref<80x128xi32, #tpu.memory_space<vmem>> -> memref<1x128xi32, #tpu.memory_space<vmem>>
    %dma_start3A_1089 = tpu.memref_squeeze %dma_start3A_1088 : memref<1x128xi32, #tpu.memory_space<vmem>> -> memref<128xi32, #tpu.memory_space<vmem>>
    %dma_start3A_1090 = arith.constant 0 : i32
    %dma_start3A_1091 = arith.constant 0 : i32
    %dma_start3A_1092 = tpu.memref_slice %arg18[%dma_start3A_1090, %dma_start3A_1091] : memref<10240x64xf32, #tpu.memory_space<vmem_shared>> -> memref<10240x64xf32, #tpu.memory_space<vmem_shared>>
    tpu.enqueue_indirect_dma source(%arg9 : memref<128x64xf32, #tpu.memory_space<vmem>>) target(%dma_start3A_1092 : memref<10240x64xf32, #tpu.memory_space<vmem_shared>>) offsets(%dma_start3A_1089 : memref<128xi32, #tpu.memory_space<vmem>>) semaphore(%arg30 : memref<!tpu.dma_semaphore, #tpu.memory_space<semaphore_mem>>) {add = true}
    %dma_start3A_1093 = arith.constant 73 : i32
    %dma_start3A_1094 = arith.constant 0 : i32
    %dma_start3A_1095 = tpu.memref_slice %arg7[%dma_start3A_1093, %dma_start3A_1094] : memref<80x128xi32, #tpu.memory_space<vmem>> -> memref<1x128xi32, #tpu.memory_space<vmem>>
    %dma_start3A_1096 = tpu.memref_squeeze %dma_start3A_1095 : memref<1x128xi32, #tpu.memory_space<vmem>> -> memref<128xi32, #tpu.memory_space<vmem>>
    %dma_start3A_1097 = arith.constant 0 : i32
    %dma_start3A_1098 = tpu.memref_slice %arg19[%dma_start3A_1097] : memref<10240xf32, #tpu.memory_space<vmem_shared>> -> memref<10240xf32, #tpu.memory_space<vmem_shared>>
    tpu.enqueue_indirect_dma source(%arg16 : memref<128xf32, #tpu.memory_space<vmem>>) target(%dma_start3A_1098 : memref<10240xf32, #tpu.memory_space<vmem_shared>>) offsets(%dma_start3A_1096 : memref<128xi32, #tpu.memory_space<vmem>>) semaphore(%arg38 : memref<!tpu.dma_semaphore, #tpu.memory_space<semaphore_mem>>) {add = true}
    %dma_wait3A_1099 = arith.constant 0 : i32
    %dma_wait3A_1100 = tpu.memref_slice %arg6[%dma_wait3A_1099] : memref<10240xi32, #tpu.memory_space<vmem>> -> memref<128xi32, #tpu.memory_space<vmem>>
    %dma_wait3A_1101 = arith.constant 0 : i32
    %dma_wait3A_1102 = arith.constant 0 : i32
    %dma_wait3A_1103 = tpu.memref_slice %arg3[%dma_wait3A_1101, %dma_wait3A_1102] : memref<10000x64xf32, #tpu.memory_space<hbm>> -> memref<10000x64xf32, #tpu.memory_space<hbm>>
    tpu.wait_indirect_dma semaphore(%arg23 : memref<!tpu.dma_semaphore, #tpu.memory_space<semaphore_mem>>) src(%dma_wait3A_1103 : memref<10000x64xf32, #tpu.memory_space<hbm>>) dst(%arg10 : memref<128x64xf32, #tpu.memory_space<vmem>>)
    %dma_start3A_1104 = arith.constant 74 : i32
    %dma_start3A_1105 = arith.constant 0 : i32
    %dma_start3A_1106 = tpu.memref_slice %arg7[%dma_start3A_1104, %dma_start3A_1105] : memref<80x128xi32, #tpu.memory_space<vmem>> -> memref<1x128xi32, #tpu.memory_space<vmem>>
    %dma_start3A_1107 = tpu.memref_squeeze %dma_start3A_1106 : memref<1x128xi32, #tpu.memory_space<vmem>> -> memref<128xi32, #tpu.memory_space<vmem>>
    %dma_start3A_1108 = arith.constant 0 : i32
    %dma_start3A_1109 = arith.constant 0 : i32
    %dma_start3A_1110 = tpu.memref_slice %arg18[%dma_start3A_1108, %dma_start3A_1109] : memref<10240x64xf32, #tpu.memory_space<vmem_shared>> -> memref<10240x64xf32, #tpu.memory_space<vmem_shared>>
    tpu.enqueue_indirect_dma source(%arg10 : memref<128x64xf32, #tpu.memory_space<vmem>>) target(%dma_start3A_1110 : memref<10240x64xf32, #tpu.memory_space<vmem_shared>>) offsets(%dma_start3A_1107 : memref<128xi32, #tpu.memory_space<vmem>>) semaphore(%arg31 : memref<!tpu.dma_semaphore, #tpu.memory_space<semaphore_mem>>) {add = true}
    %dma_start3A_1111 = arith.constant 74 : i32
    %dma_start3A_1112 = arith.constant 0 : i32
    %dma_start3A_1113 = tpu.memref_slice %arg7[%dma_start3A_1111, %dma_start3A_1112] : memref<80x128xi32, #tpu.memory_space<vmem>> -> memref<1x128xi32, #tpu.memory_space<vmem>>
    %dma_start3A_1114 = tpu.memref_squeeze %dma_start3A_1113 : memref<1x128xi32, #tpu.memory_space<vmem>> -> memref<128xi32, #tpu.memory_space<vmem>>
    %dma_start3A_1115 = arith.constant 0 : i32
    %dma_start3A_1116 = tpu.memref_slice %arg19[%dma_start3A_1115] : memref<10240xf32, #tpu.memory_space<vmem_shared>> -> memref<10240xf32, #tpu.memory_space<vmem_shared>>
    tpu.enqueue_indirect_dma source(%arg16 : memref<128xf32, #tpu.memory_space<vmem>>) target(%dma_start3A_1116 : memref<10240xf32, #tpu.memory_space<vmem_shared>>) offsets(%dma_start3A_1114 : memref<128xi32, #tpu.memory_space<vmem>>) semaphore(%arg39 : memref<!tpu.dma_semaphore, #tpu.memory_space<semaphore_mem>>) {add = true}
    %dma_wait3A_1117 = arith.constant 0 : i32
    %dma_wait3A_1118 = tpu.memref_slice %arg6[%dma_wait3A_1117] : memref<10240xi32, #tpu.memory_space<vmem>> -> memref<128xi32, #tpu.memory_space<vmem>>
    %dma_wait3A_1119 = arith.constant 0 : i32
    %dma_wait3A_1120 = arith.constant 0 : i32
    %dma_wait3A_1121 = tpu.memref_slice %arg3[%dma_wait3A_1119, %dma_wait3A_1120] : memref<10000x64xf32, #tpu.memory_space<hbm>> -> memref<10000x64xf32, #tpu.memory_space<hbm>>
    tpu.wait_indirect_dma semaphore(%arg24 : memref<!tpu.dma_semaphore, #tpu.memory_space<semaphore_mem>>) src(%dma_wait3A_1121 : memref<10000x64xf32, #tpu.memory_space<hbm>>) dst(%arg11 : memref<128x64xf32, #tpu.memory_space<vmem>>)
    %dma_start3A_1122 = arith.constant 75 : i32
    %dma_start3A_1123 = arith.constant 0 : i32
    %dma_start3A_1124 = tpu.memref_slice %arg7[%dma_start3A_1122, %dma_start3A_1123] : memref<80x128xi32, #tpu.memory_space<vmem>> -> memref<1x128xi32, #tpu.memory_space<vmem>>
    %dma_start3A_1125 = tpu.memref_squeeze %dma_start3A_1124 : memref<1x128xi32, #tpu.memory_space<vmem>> -> memref<128xi32, #tpu.memory_space<vmem>>
    %dma_start3A_1126 = arith.constant 0 : i32
    %dma_start3A_1127 = arith.constant 0 : i32
    %dma_start3A_1128 = tpu.memref_slice %arg18[%dma_start3A_1126, %dma_start3A_1127] : memref<10240x64xf32, #tpu.memory_space<vmem_shared>> -> memref<10240x64xf32, #tpu.memory_space<vmem_shared>>
    tpu.enqueue_indirect_dma source(%arg11 : memref<128x64xf32, #tpu.memory_space<vmem>>) target(%dma_start3A_1128 : memref<10240x64xf32, #tpu.memory_space<vmem_shared>>) offsets(%dma_start3A_1125 : memref<128xi32, #tpu.memory_space<vmem>>) semaphore(%arg32 : memref<!tpu.dma_semaphore, #tpu.memory_space<semaphore_mem>>) {add = true}
    %dma_start3A_1129 = arith.constant 75 : i32
    %dma_start3A_1130 = arith.constant 0 : i32
    %dma_start3A_1131 = tpu.memref_slice %arg7[%dma_start3A_1129, %dma_start3A_1130] : memref<80x128xi32, #tpu.memory_space<vmem>> -> memref<1x128xi32, #tpu.memory_space<vmem>>
    %dma_start3A_1132 = tpu.memref_squeeze %dma_start3A_1131 : memref<1x128xi32, #tpu.memory_space<vmem>> -> memref<128xi32, #tpu.memory_space<vmem>>
    %dma_start3A_1133 = arith.constant 0 : i32
    %dma_start3A_1134 = tpu.memref_slice %arg19[%dma_start3A_1133] : memref<10240xf32, #tpu.memory_space<vmem_shared>> -> memref<10240xf32, #tpu.memory_space<vmem_shared>>
    tpu.enqueue_indirect_dma source(%arg16 : memref<128xf32, #tpu.memory_space<vmem>>) target(%dma_start3A_1134 : memref<10240xf32, #tpu.memory_space<vmem_shared>>) offsets(%dma_start3A_1132 : memref<128xi32, #tpu.memory_space<vmem>>) semaphore(%arg40 : memref<!tpu.dma_semaphore, #tpu.memory_space<semaphore_mem>>) {add = true}
    %dma_wait3A_1135 = arith.constant 0 : i32
    %dma_wait3A_1136 = tpu.memref_slice %arg6[%dma_wait3A_1135] : memref<10240xi32, #tpu.memory_space<vmem>> -> memref<128xi32, #tpu.memory_space<vmem>>
    %dma_wait3A_1137 = arith.constant 0 : i32
    %dma_wait3A_1138 = arith.constant 0 : i32
    %dma_wait3A_1139 = tpu.memref_slice %arg3[%dma_wait3A_1137, %dma_wait3A_1138] : memref<10000x64xf32, #tpu.memory_space<hbm>> -> memref<10000x64xf32, #tpu.memory_space<hbm>>
    tpu.wait_indirect_dma semaphore(%arg25 : memref<!tpu.dma_semaphore, #tpu.memory_space<semaphore_mem>>) src(%dma_wait3A_1139 : memref<10000x64xf32, #tpu.memory_space<hbm>>) dst(%arg12 : memref<128x64xf32, #tpu.memory_space<vmem>>)
    %dma_start3A_1140 = arith.constant 76 : i32
    %dma_start3A_1141 = arith.constant 0 : i32
    %dma_start3A_1142 = tpu.memref_slice %arg7[%dma_start3A_1140, %dma_start3A_1141] : memref<80x128xi32, #tpu.memory_space<vmem>> -> memref<1x128xi32, #tpu.memory_space<vmem>>
    %dma_start3A_1143 = tpu.memref_squeeze %dma_start3A_1142 : memref<1x128xi32, #tpu.memory_space<vmem>> -> memref<128xi32, #tpu.memory_space<vmem>>
    %dma_start3A_1144 = arith.constant 0 : i32
    %dma_start3A_1145 = arith.constant 0 : i32
    %dma_start3A_1146 = tpu.memref_slice %arg18[%dma_start3A_1144, %dma_start3A_1145] : memref<10240x64xf32, #tpu.memory_space<vmem_shared>> -> memref<10240x64xf32, #tpu.memory_space<vmem_shared>>
    tpu.enqueue_indirect_dma source(%arg12 : memref<128x64xf32, #tpu.memory_space<vmem>>) target(%dma_start3A_1146 : memref<10240x64xf32, #tpu.memory_space<vmem_shared>>) offsets(%dma_start3A_1143 : memref<128xi32, #tpu.memory_space<vmem>>) semaphore(%arg33 : memref<!tpu.dma_semaphore, #tpu.memory_space<semaphore_mem>>) {add = true}
    %dma_start3A_1147 = arith.constant 76 : i32
    %dma_start3A_1148 = arith.constant 0 : i32
    %dma_start3A_1149 = tpu.memref_slice %arg7[%dma_start3A_1147, %dma_start3A_1148] : memref<80x128xi32, #tpu.memory_space<vmem>> -> memref<1x128xi32, #tpu.memory_space<vmem>>
    %dma_start3A_1150 = tpu.memref_squeeze %dma_start3A_1149 : memref<1x128xi32, #tpu.memory_space<vmem>> -> memref<128xi32, #tpu.memory_space<vmem>>
    %dma_start3A_1151 = arith.constant 0 : i32
    %dma_start3A_1152 = tpu.memref_slice %arg19[%dma_start3A_1151] : memref<10240xf32, #tpu.memory_space<vmem_shared>> -> memref<10240xf32, #tpu.memory_space<vmem_shared>>
    tpu.enqueue_indirect_dma source(%arg16 : memref<128xf32, #tpu.memory_space<vmem>>) target(%dma_start3A_1152 : memref<10240xf32, #tpu.memory_space<vmem_shared>>) offsets(%dma_start3A_1150 : memref<128xi32, #tpu.memory_space<vmem>>) semaphore(%arg41 : memref<!tpu.dma_semaphore, #tpu.memory_space<semaphore_mem>>) {add = true}
    %dma_wait3A_1153 = arith.constant 0 : i32
    %dma_wait3A_1154 = tpu.memref_slice %arg6[%dma_wait3A_1153] : memref<10240xi32, #tpu.memory_space<vmem>> -> memref<128xi32, #tpu.memory_space<vmem>>
    %dma_wait3A_1155 = arith.constant 0 : i32
    %dma_wait3A_1156 = arith.constant 0 : i32
    %dma_wait3A_1157 = tpu.memref_slice %arg3[%dma_wait3A_1155, %dma_wait3A_1156] : memref<10000x64xf32, #tpu.memory_space<hbm>> -> memref<10000x64xf32, #tpu.memory_space<hbm>>
    tpu.wait_indirect_dma semaphore(%arg26 : memref<!tpu.dma_semaphore, #tpu.memory_space<semaphore_mem>>) src(%dma_wait3A_1157 : memref<10000x64xf32, #tpu.memory_space<hbm>>) dst(%arg13 : memref<128x64xf32, #tpu.memory_space<vmem>>)
    %dma_start3A_1158 = arith.constant 77 : i32
    %dma_start3A_1159 = arith.constant 0 : i32
    %dma_start3A_1160 = tpu.memref_slice %arg7[%dma_start3A_1158, %dma_start3A_1159] : memref<80x128xi32, #tpu.memory_space<vmem>> -> memref<1x128xi32, #tpu.memory_space<vmem>>
    %dma_start3A_1161 = tpu.memref_squeeze %dma_start3A_1160 : memref<1x128xi32, #tpu.memory_space<vmem>> -> memref<128xi32, #tpu.memory_space<vmem>>
    %dma_start3A_1162 = arith.constant 0 : i32
    %dma_start3A_1163 = arith.constant 0 : i32
    %dma_start3A_1164 = tpu.memref_slice %arg18[%dma_start3A_1162, %dma_start3A_1163] : memref<10240x64xf32, #tpu.memory_space<vmem_shared>> -> memref<10240x64xf32, #tpu.memory_space<vmem_shared>>
    tpu.enqueue_indirect_dma source(%arg13 : memref<128x64xf32, #tpu.memory_space<vmem>>) target(%dma_start3A_1164 : memref<10240x64xf32, #tpu.memory_space<vmem_shared>>) offsets(%dma_start3A_1161 : memref<128xi32, #tpu.memory_space<vmem>>) semaphore(%arg34 : memref<!tpu.dma_semaphore, #tpu.memory_space<semaphore_mem>>) {add = true}
    %dma_start3A_1165 = arith.constant 77 : i32
    %dma_start3A_1166 = arith.constant 0 : i32
    %dma_start3A_1167 = tpu.memref_slice %arg7[%dma_start3A_1165, %dma_start3A_1166] : memref<80x128xi32, #tpu.memory_space<vmem>> -> memref<1x128xi32, #tpu.memory_space<vmem>>
    %dma_start3A_1168 = tpu.memref_squeeze %dma_start3A_1167 : memref<1x128xi32, #tpu.memory_space<vmem>> -> memref<128xi32, #tpu.memory_space<vmem>>
    %dma_start3A_1169 = arith.constant 0 : i32
    %dma_start3A_1170 = tpu.memref_slice %arg19[%dma_start3A_1169] : memref<10240xf32, #tpu.memory_space<vmem_shared>> -> memref<10240xf32, #tpu.memory_space<vmem_shared>>
    tpu.enqueue_indirect_dma source(%arg16 : memref<128xf32, #tpu.memory_space<vmem>>) target(%dma_start3A_1170 : memref<10240xf32, #tpu.memory_space<vmem_shared>>) offsets(%dma_start3A_1168 : memref<128xi32, #tpu.memory_space<vmem>>) semaphore(%arg42 : memref<!tpu.dma_semaphore, #tpu.memory_space<semaphore_mem>>) {add = true}
    %dma_wait3A_1171 = arith.constant 0 : i32
    %dma_wait3A_1172 = tpu.memref_slice %arg6[%dma_wait3A_1171] : memref<10240xi32, #tpu.memory_space<vmem>> -> memref<128xi32, #tpu.memory_space<vmem>>
    %dma_wait3A_1173 = arith.constant 0 : i32
    %dma_wait3A_1174 = arith.constant 0 : i32
    %dma_wait3A_1175 = tpu.memref_slice %arg3[%dma_wait3A_1173, %dma_wait3A_1174] : memref<10000x64xf32, #tpu.memory_space<hbm>> -> memref<10000x64xf32, #tpu.memory_space<hbm>>
    tpu.wait_indirect_dma semaphore(%arg27 : memref<!tpu.dma_semaphore, #tpu.memory_space<semaphore_mem>>) src(%dma_wait3A_1175 : memref<10000x64xf32, #tpu.memory_space<hbm>>) dst(%arg14 : memref<128x64xf32, #tpu.memory_space<vmem>>)
    %dma_start3A_1176 = arith.constant 78 : i32
    %dma_start3A_1177 = arith.constant 0 : i32
    %dma_start3A_1178 = tpu.memref_slice %arg7[%dma_start3A_1176, %dma_start3A_1177] : memref<80x128xi32, #tpu.memory_space<vmem>> -> memref<1x128xi32, #tpu.memory_space<vmem>>
    %dma_start3A_1179 = tpu.memref_squeeze %dma_start3A_1178 : memref<1x128xi32, #tpu.memory_space<vmem>> -> memref<128xi32, #tpu.memory_space<vmem>>
    %dma_start3A_1180 = arith.constant 0 : i32
    %dma_start3A_1181 = arith.constant 0 : i32
    %dma_start3A_1182 = tpu.memref_slice %arg18[%dma_start3A_1180, %dma_start3A_1181] : memref<10240x64xf32, #tpu.memory_space<vmem_shared>> -> memref<10240x64xf32, #tpu.memory_space<vmem_shared>>
    tpu.enqueue_indirect_dma source(%arg14 : memref<128x64xf32, #tpu.memory_space<vmem>>) target(%dma_start3A_1182 : memref<10240x64xf32, #tpu.memory_space<vmem_shared>>) offsets(%dma_start3A_1179 : memref<128xi32, #tpu.memory_space<vmem>>) semaphore(%arg35 : memref<!tpu.dma_semaphore, #tpu.memory_space<semaphore_mem>>) {add = true}
    %dma_start3A_1183 = arith.constant 78 : i32
    %dma_start3A_1184 = arith.constant 0 : i32
    %dma_start3A_1185 = tpu.memref_slice %arg7[%dma_start3A_1183, %dma_start3A_1184] : memref<80x128xi32, #tpu.memory_space<vmem>> -> memref<1x128xi32, #tpu.memory_space<vmem>>
    %dma_start3A_1186 = tpu.memref_squeeze %dma_start3A_1185 : memref<1x128xi32, #tpu.memory_space<vmem>> -> memref<128xi32, #tpu.memory_space<vmem>>
    %dma_start3A_1187 = arith.constant 0 : i32
    %dma_start3A_1188 = tpu.memref_slice %arg19[%dma_start3A_1187] : memref<10240xf32, #tpu.memory_space<vmem_shared>> -> memref<10240xf32, #tpu.memory_space<vmem_shared>>
    tpu.enqueue_indirect_dma source(%arg16 : memref<128xf32, #tpu.memory_space<vmem>>) target(%dma_start3A_1188 : memref<10240xf32, #tpu.memory_space<vmem_shared>>) offsets(%dma_start3A_1186 : memref<128xi32, #tpu.memory_space<vmem>>) semaphore(%arg43 : memref<!tpu.dma_semaphore, #tpu.memory_space<semaphore_mem>>) {add = true}
    %dma_wait3A_1189 = arith.constant 0 : i32
    %dma_wait3A_1190 = tpu.memref_slice %arg6[%dma_wait3A_1189] : memref<10240xi32, #tpu.memory_space<vmem>> -> memref<128xi32, #tpu.memory_space<vmem>>
    %dma_wait3A_1191 = arith.constant 0 : i32
    %dma_wait3A_1192 = arith.constant 0 : i32
    %dma_wait3A_1193 = tpu.memref_slice %arg3[%dma_wait3A_1191, %dma_wait3A_1192] : memref<10000x64xf32, #tpu.memory_space<hbm>> -> memref<10000x64xf32, #tpu.memory_space<hbm>>
    tpu.wait_indirect_dma semaphore(%arg28 : memref<!tpu.dma_semaphore, #tpu.memory_space<semaphore_mem>>) src(%dma_wait3A_1193 : memref<10000x64xf32, #tpu.memory_space<hbm>>) dst(%arg15 : memref<128x64xf32, #tpu.memory_space<vmem>>)
    %dma_start3A_1194 = arith.constant 79 : i32
    %dma_start3A_1195 = arith.constant 0 : i32
    %dma_start3A_1196 = tpu.memref_slice %arg7[%dma_start3A_1194, %dma_start3A_1195] : memref<80x128xi32, #tpu.memory_space<vmem>> -> memref<1x128xi32, #tpu.memory_space<vmem>>
    %dma_start3A_1197 = tpu.memref_squeeze %dma_start3A_1196 : memref<1x128xi32, #tpu.memory_space<vmem>> -> memref<128xi32, #tpu.memory_space<vmem>>
    %dma_start3A_1198 = arith.constant 0 : i32
    %dma_start3A_1199 = arith.constant 0 : i32
    %dma_start3A_1200 = tpu.memref_slice %arg18[%dma_start3A_1198, %dma_start3A_1199] : memref<10240x64xf32, #tpu.memory_space<vmem_shared>> -> memref<10240x64xf32, #tpu.memory_space<vmem_shared>>
    tpu.enqueue_indirect_dma source(%arg15 : memref<128x64xf32, #tpu.memory_space<vmem>>) target(%dma_start3A_1200 : memref<10240x64xf32, #tpu.memory_space<vmem_shared>>) offsets(%dma_start3A_1197 : memref<128xi32, #tpu.memory_space<vmem>>) semaphore(%arg36 : memref<!tpu.dma_semaphore, #tpu.memory_space<semaphore_mem>>) {add = true}
    %dma_start3A_1201 = arith.constant 79 : i32
    %dma_start3A_1202 = arith.constant 0 : i32
    %dma_start3A_1203 = tpu.memref_slice %arg7[%dma_start3A_1201, %dma_start3A_1202] : memref<80x128xi32, #tpu.memory_space<vmem>> -> memref<1x128xi32, #tpu.memory_space<vmem>>
    %dma_start3A_1204 = tpu.memref_squeeze %dma_start3A_1203 : memref<1x128xi32, #tpu.memory_space<vmem>> -> memref<128xi32, #tpu.memory_space<vmem>>
    %dma_start3A_1205 = arith.constant 0 : i32
    %dma_start3A_1206 = tpu.memref_slice %arg19[%dma_start3A_1205] : memref<10240xf32, #tpu.memory_space<vmem_shared>> -> memref<10240xf32, #tpu.memory_space<vmem_shared>>
    tpu.enqueue_indirect_dma source(%arg16 : memref<128xf32, #tpu.memory_space<vmem>>) target(%dma_start3A_1206 : memref<10240xf32, #tpu.memory_space<vmem_shared>>) offsets(%dma_start3A_1204 : memref<128xi32, #tpu.memory_space<vmem>>) semaphore(%arg44 : memref<!tpu.dma_semaphore, #tpu.memory_space<semaphore_mem>>) {add = true}
    %dma_wait3A_1207 = arith.constant 0 : i32
    %dma_wait3A_1208 = arith.constant 0 : i32
    %dma_wait3A_1209 = tpu.memref_slice %arg7[%dma_wait3A_1207, %dma_wait3A_1208] : memref<80x128xi32, #tpu.memory_space<vmem>> -> memref<1x128xi32, #tpu.memory_space<vmem>>
    %dma_wait3A_1210 = tpu.memref_squeeze %dma_wait3A_1209 : memref<1x128xi32, #tpu.memory_space<vmem>> -> memref<128xi32, #tpu.memory_space<vmem>>
    %dma_wait3A_1211 = arith.constant 0 : i32
    %dma_wait3A_1212 = arith.constant 0 : i32
    %dma_wait3A_1213 = tpu.memref_slice %arg18[%dma_wait3A_1211, %dma_wait3A_1212] : memref<10240x64xf32, #tpu.memory_space<vmem_shared>> -> memref<10240x64xf32, #tpu.memory_space<vmem_shared>>
    tpu.wait_indirect_dma semaphore(%arg29 : memref<!tpu.dma_semaphore, #tpu.memory_space<semaphore_mem>>) src(%arg8 : memref<128x64xf32, #tpu.memory_space<vmem>>) dst(%dma_wait3A_1213 : memref<10240x64xf32, #tpu.memory_space<vmem_shared>>)
    %dma_wait3A_1214 = arith.constant 0 : i32
    %dma_wait3A_1215 = arith.constant 0 : i32
    %dma_wait3A_1216 = tpu.memref_slice %arg7[%dma_wait3A_1214, %dma_wait3A_1215] : memref<80x128xi32, #tpu.memory_space<vmem>> -> memref<1x128xi32, #tpu.memory_space<vmem>>
    %dma_wait3A_1217 = tpu.memref_squeeze %dma_wait3A_1216 : memref<1x128xi32, #tpu.memory_space<vmem>> -> memref<128xi32, #tpu.memory_space<vmem>>
    %dma_wait3A_1218 = arith.constant 0 : i32
    %dma_wait3A_1219 = tpu.memref_slice %arg19[%dma_wait3A_1218] : memref<10240xf32, #tpu.memory_space<vmem_shared>> -> memref<10240xf32, #tpu.memory_space<vmem_shared>>
    tpu.wait_indirect_dma semaphore(%arg37 : memref<!tpu.dma_semaphore, #tpu.memory_space<semaphore_mem>>) src(%arg16 : memref<128xf32, #tpu.memory_space<vmem>>) dst(%dma_wait3A_1219 : memref<10240xf32, #tpu.memory_space<vmem_shared>>)
    %dma_wait3A_1220 = arith.constant 0 : i32
    %dma_wait3A_1221 = arith.constant 0 : i32
    %dma_wait3A_1222 = tpu.memref_slice %arg7[%dma_wait3A_1220, %dma_wait3A_1221] : memref<80x128xi32, #tpu.memory_space<vmem>> -> memref<1x128xi32, #tpu.memory_space<vmem>>
    %dma_wait3A_1223 = tpu.memref_squeeze %dma_wait3A_1222 : memref<1x128xi32, #tpu.memory_space<vmem>> -> memref<128xi32, #tpu.memory_space<vmem>>
    %dma_wait3A_1224 = arith.constant 0 : i32
    %dma_wait3A_1225 = arith.constant 0 : i32
    %dma_wait3A_1226 = tpu.memref_slice %arg18[%dma_wait3A_1224, %dma_wait3A_1225] : memref<10240x64xf32, #tpu.memory_space<vmem_shared>> -> memref<10240x64xf32, #tpu.memory_space<vmem_shared>>
    tpu.wait_indirect_dma semaphore(%arg30 : memref<!tpu.dma_semaphore, #tpu.memory_space<semaphore_mem>>) src(%arg9 : memref<128x64xf32, #tpu.memory_space<vmem>>) dst(%dma_wait3A_1226 : memref<10240x64xf32, #tpu.memory_space<vmem_shared>>)
    %dma_wait3A_1227 = arith.constant 0 : i32
    %dma_wait3A_1228 = arith.constant 0 : i32
    %dma_wait3A_1229 = tpu.memref_slice %arg7[%dma_wait3A_1227, %dma_wait3A_1228] : memref<80x128xi32, #tpu.memory_space<vmem>> -> memref<1x128xi32, #tpu.memory_space<vmem>>
    %dma_wait3A_1230 = tpu.memref_squeeze %dma_wait3A_1229 : memref<1x128xi32, #tpu.memory_space<vmem>> -> memref<128xi32, #tpu.memory_space<vmem>>
    %dma_wait3A_1231 = arith.constant 0 : i32
    %dma_wait3A_1232 = tpu.memref_slice %arg19[%dma_wait3A_1231] : memref<10240xf32, #tpu.memory_space<vmem_shared>> -> memref<10240xf32, #tpu.memory_space<vmem_shared>>
    tpu.wait_indirect_dma semaphore(%arg38 : memref<!tpu.dma_semaphore, #tpu.memory_space<semaphore_mem>>) src(%arg16 : memref<128xf32, #tpu.memory_space<vmem>>) dst(%dma_wait3A_1232 : memref<10240xf32, #tpu.memory_space<vmem_shared>>)
    %dma_wait3A_1233 = arith.constant 0 : i32
    %dma_wait3A_1234 = arith.constant 0 : i32
    %dma_wait3A_1235 = tpu.memref_slice %arg7[%dma_wait3A_1233, %dma_wait3A_1234] : memref<80x128xi32, #tpu.memory_space<vmem>> -> memref<1x128xi32, #tpu.memory_space<vmem>>
    %dma_wait3A_1236 = tpu.memref_squeeze %dma_wait3A_1235 : memref<1x128xi32, #tpu.memory_space<vmem>> -> memref<128xi32, #tpu.memory_space<vmem>>
    %dma_wait3A_1237 = arith.constant 0 : i32
    %dma_wait3A_1238 = arith.constant 0 : i32
    %dma_wait3A_1239 = tpu.memref_slice %arg18[%dma_wait3A_1237, %dma_wait3A_1238] : memref<10240x64xf32, #tpu.memory_space<vmem_shared>> -> memref<10240x64xf32, #tpu.memory_space<vmem_shared>>
    tpu.wait_indirect_dma semaphore(%arg31 : memref<!tpu.dma_semaphore, #tpu.memory_space<semaphore_mem>>) src(%arg10 : memref<128x64xf32, #tpu.memory_space<vmem>>) dst(%dma_wait3A_1239 : memref<10240x64xf32, #tpu.memory_space<vmem_shared>>)
    %dma_wait3A_1240 = arith.constant 0 : i32
    %dma_wait3A_1241 = arith.constant 0 : i32
    %dma_wait3A_1242 = tpu.memref_slice %arg7[%dma_wait3A_1240, %dma_wait3A_1241] : memref<80x128xi32, #tpu.memory_space<vmem>> -> memref<1x128xi32, #tpu.memory_space<vmem>>
    %dma_wait3A_1243 = tpu.memref_squeeze %dma_wait3A_1242 : memref<1x128xi32, #tpu.memory_space<vmem>> -> memref<128xi32, #tpu.memory_space<vmem>>
    %dma_wait3A_1244 = arith.constant 0 : i32
    %dma_wait3A_1245 = tpu.memref_slice %arg19[%dma_wait3A_1244] : memref<10240xf32, #tpu.memory_space<vmem_shared>> -> memref<10240xf32, #tpu.memory_space<vmem_shared>>
    tpu.wait_indirect_dma semaphore(%arg39 : memref<!tpu.dma_semaphore, #tpu.memory_space<semaphore_mem>>) src(%arg16 : memref<128xf32, #tpu.memory_space<vmem>>) dst(%dma_wait3A_1245 : memref<10240xf32, #tpu.memory_space<vmem_shared>>)
    %dma_wait3A_1246 = arith.constant 0 : i32
    %dma_wait3A_1247 = arith.constant 0 : i32
    %dma_wait3A_1248 = tpu.memref_slice %arg7[%dma_wait3A_1246, %dma_wait3A_1247] : memref<80x128xi32, #tpu.memory_space<vmem>> -> memref<1x128xi32, #tpu.memory_space<vmem>>
    %dma_wait3A_1249 = tpu.memref_squeeze %dma_wait3A_1248 : memref<1x128xi32, #tpu.memory_space<vmem>> -> memref<128xi32, #tpu.memory_space<vmem>>
    %dma_wait3A_1250 = arith.constant 0 : i32
    %dma_wait3A_1251 = arith.constant 0 : i32
    %dma_wait3A_1252 = tpu.memref_slice %arg18[%dma_wait3A_1250, %dma_wait3A_1251] : memref<10240x64xf32, #tpu.memory_space<vmem_shared>> -> memref<10240x64xf32, #tpu.memory_space<vmem_shared>>
    tpu.wait_indirect_dma semaphore(%arg32 : memref<!tpu.dma_semaphore, #tpu.memory_space<semaphore_mem>>) src(%arg11 : memref<128x64xf32, #tpu.memory_space<vmem>>) dst(%dma_wait3A_1252 : memref<10240x64xf32, #tpu.memory_space<vmem_shared>>)
    %dma_wait3A_1253 = arith.constant 0 : i32
    %dma_wait3A_1254 = arith.constant 0 : i32
    %dma_wait3A_1255 = tpu.memref_slice %arg7[%dma_wait3A_1253, %dma_wait3A_1254] : memref<80x128xi32, #tpu.memory_space<vmem>> -> memref<1x128xi32, #tpu.memory_space<vmem>>
    %dma_wait3A_1256 = tpu.memref_squeeze %dma_wait3A_1255 : memref<1x128xi32, #tpu.memory_space<vmem>> -> memref<128xi32, #tpu.memory_space<vmem>>
    %dma_wait3A_1257 = arith.constant 0 : i32
    %dma_wait3A_1258 = tpu.memref_slice %arg19[%dma_wait3A_1257] : memref<10240xf32, #tpu.memory_space<vmem_shared>> -> memref<10240xf32, #tpu.memory_space<vmem_shared>>
    tpu.wait_indirect_dma semaphore(%arg40 : memref<!tpu.dma_semaphore, #tpu.memory_space<semaphore_mem>>) src(%arg16 : memref<128xf32, #tpu.memory_space<vmem>>) dst(%dma_wait3A_1258 : memref<10240xf32, #tpu.memory_space<vmem_shared>>)
    %dma_wait3A_1259 = arith.constant 0 : i32
    %dma_wait3A_1260 = arith.constant 0 : i32
    %dma_wait3A_1261 = tpu.memref_slice %arg7[%dma_wait3A_1259, %dma_wait3A_1260] : memref<80x128xi32, #tpu.memory_space<vmem>> -> memref<1x128xi32, #tpu.memory_space<vmem>>
    %dma_wait3A_1262 = tpu.memref_squeeze %dma_wait3A_1261 : memref<1x128xi32, #tpu.memory_space<vmem>> -> memref<128xi32, #tpu.memory_space<vmem>>
    %dma_wait3A_1263 = arith.constant 0 : i32
    %dma_wait3A_1264 = arith.constant 0 : i32
    %dma_wait3A_1265 = tpu.memref_slice %arg18[%dma_wait3A_1263, %dma_wait3A_1264] : memref<10240x64xf32, #tpu.memory_space<vmem_shared>> -> memref<10240x64xf32, #tpu.memory_space<vmem_shared>>
    tpu.wait_indirect_dma semaphore(%arg33 : memref<!tpu.dma_semaphore, #tpu.memory_space<semaphore_mem>>) src(%arg12 : memref<128x64xf32, #tpu.memory_space<vmem>>) dst(%dma_wait3A_1265 : memref<10240x64xf32, #tpu.memory_space<vmem_shared>>)
    %dma_wait3A_1266 = arith.constant 0 : i32
    %dma_wait3A_1267 = arith.constant 0 : i32
    %dma_wait3A_1268 = tpu.memref_slice %arg7[%dma_wait3A_1266, %dma_wait3A_1267] : memref<80x128xi32, #tpu.memory_space<vmem>> -> memref<1x128xi32, #tpu.memory_space<vmem>>
    %dma_wait3A_1269 = tpu.memref_squeeze %dma_wait3A_1268 : memref<1x128xi32, #tpu.memory_space<vmem>> -> memref<128xi32, #tpu.memory_space<vmem>>
    %dma_wait3A_1270 = arith.constant 0 : i32
    %dma_wait3A_1271 = tpu.memref_slice %arg19[%dma_wait3A_1270] : memref<10240xf32, #tpu.memory_space<vmem_shared>> -> memref<10240xf32, #tpu.memory_space<vmem_shared>>
    tpu.wait_indirect_dma semaphore(%arg41 : memref<!tpu.dma_semaphore, #tpu.memory_space<semaphore_mem>>) src(%arg16 : memref<128xf32, #tpu.memory_space<vmem>>) dst(%dma_wait3A_1271 : memref<10240xf32, #tpu.memory_space<vmem_shared>>)
    %dma_wait3A_1272 = arith.constant 0 : i32
    %dma_wait3A_1273 = arith.constant 0 : i32
    %dma_wait3A_1274 = tpu.memref_slice %arg7[%dma_wait3A_1272, %dma_wait3A_1273] : memref<80x128xi32, #tpu.memory_space<vmem>> -> memref<1x128xi32, #tpu.memory_space<vmem>>
    %dma_wait3A_1275 = tpu.memref_squeeze %dma_wait3A_1274 : memref<1x128xi32, #tpu.memory_space<vmem>> -> memref<128xi32, #tpu.memory_space<vmem>>
    %dma_wait3A_1276 = arith.constant 0 : i32
    %dma_wait3A_1277 = arith.constant 0 : i32
    %dma_wait3A_1278 = tpu.memref_slice %arg18[%dma_wait3A_1276, %dma_wait3A_1277] : memref<10240x64xf32, #tpu.memory_space<vmem_shared>> -> memref<10240x64xf32, #tpu.memory_space<vmem_shared>>
    tpu.wait_indirect_dma semaphore(%arg34 : memref<!tpu.dma_semaphore, #tpu.memory_space<semaphore_mem>>) src(%arg13 : memref<128x64xf32, #tpu.memory_space<vmem>>) dst(%dma_wait3A_1278 : memref<10240x64xf32, #tpu.memory_space<vmem_shared>>)
    %dma_wait3A_1279 = arith.constant 0 : i32
    %dma_wait3A_1280 = arith.constant 0 : i32
    %dma_wait3A_1281 = tpu.memref_slice %arg7[%dma_wait3A_1279, %dma_wait3A_1280] : memref<80x128xi32, #tpu.memory_space<vmem>> -> memref<1x128xi32, #tpu.memory_space<vmem>>
    %dma_wait3A_1282 = tpu.memref_squeeze %dma_wait3A_1281 : memref<1x128xi32, #tpu.memory_space<vmem>> -> memref<128xi32, #tpu.memory_space<vmem>>
    %dma_wait3A_1283 = arith.constant 0 : i32
    %dma_wait3A_1284 = tpu.memref_slice %arg19[%dma_wait3A_1283] : memref<10240xf32, #tpu.memory_space<vmem_shared>> -> memref<10240xf32, #tpu.memory_space<vmem_shared>>
    tpu.wait_indirect_dma semaphore(%arg42 : memref<!tpu.dma_semaphore, #tpu.memory_space<semaphore_mem>>) src(%arg16 : memref<128xf32, #tpu.memory_space<vmem>>) dst(%dma_wait3A_1284 : memref<10240xf32, #tpu.memory_space<vmem_shared>>)
    %dma_wait3A_1285 = arith.constant 0 : i32
    %dma_wait3A_1286 = arith.constant 0 : i32
    %dma_wait3A_1287 = tpu.memref_slice %arg7[%dma_wait3A_1285, %dma_wait3A_1286] : memref<80x128xi32, #tpu.memory_space<vmem>> -> memref<1x128xi32, #tpu.memory_space<vmem>>
    %dma_wait3A_1288 = tpu.memref_squeeze %dma_wait3A_1287 : memref<1x128xi32, #tpu.memory_space<vmem>> -> memref<128xi32, #tpu.memory_space<vmem>>
    %dma_wait3A_1289 = arith.constant 0 : i32
    %dma_wait3A_1290 = arith.constant 0 : i32
    %dma_wait3A_1291 = tpu.memref_slice %arg18[%dma_wait3A_1289, %dma_wait3A_1290] : memref<10240x64xf32, #tpu.memory_space<vmem_shared>> -> memref<10240x64xf32, #tpu.memory_space<vmem_shared>>
    tpu.wait_indirect_dma semaphore(%arg35 : memref<!tpu.dma_semaphore, #tpu.memory_space<semaphore_mem>>) src(%arg14 : memref<128x64xf32, #tpu.memory_space<vmem>>) dst(%dma_wait3A_1291 : memref<10240x64xf32, #tpu.memory_space<vmem_shared>>)
    %dma_wait3A_1292 = arith.constant 0 : i32
    %dma_wait3A_1293 = arith.constant 0 : i32
    %dma_wait3A_1294 = tpu.memref_slice %arg7[%dma_wait3A_1292, %dma_wait3A_1293] : memref<80x128xi32, #tpu.memory_space<vmem>> -> memref<1x128xi32, #tpu.memory_space<vmem>>
    %dma_wait3A_1295 = tpu.memref_squeeze %dma_wait3A_1294 : memref<1x128xi32, #tpu.memory_space<vmem>> -> memref<128xi32, #tpu.memory_space<vmem>>
    %dma_wait3A_1296 = arith.constant 0 : i32
    %dma_wait3A_1297 = tpu.memref_slice %arg19[%dma_wait3A_1296] : memref<10240xf32, #tpu.memory_space<vmem_shared>> -> memref<10240xf32, #tpu.memory_space<vmem_shared>>
    tpu.wait_indirect_dma semaphore(%arg43 : memref<!tpu.dma_semaphore, #tpu.memory_space<semaphore_mem>>) src(%arg16 : memref<128xf32, #tpu.memory_space<vmem>>) dst(%dma_wait3A_1297 : memref<10240xf32, #tpu.memory_space<vmem_shared>>)
    %dma_wait3A_1298 = arith.constant 0 : i32
    %dma_wait3A_1299 = arith.constant 0 : i32
    %dma_wait3A_1300 = tpu.memref_slice %arg7[%dma_wait3A_1298, %dma_wait3A_1299] : memref<80x128xi32, #tpu.memory_space<vmem>> -> memref<1x128xi32, #tpu.memory_space<vmem>>
    %dma_wait3A_1301 = tpu.memref_squeeze %dma_wait3A_1300 : memref<1x128xi32, #tpu.memory_space<vmem>> -> memref<128xi32, #tpu.memory_space<vmem>>
    %dma_wait3A_1302 = arith.constant 0 : i32
    %dma_wait3A_1303 = arith.constant 0 : i32
    %dma_wait3A_1304 = tpu.memref_slice %arg18[%dma_wait3A_1302, %dma_wait3A_1303] : memref<10240x64xf32, #tpu.memory_space<vmem_shared>> -> memref<10240x64xf32, #tpu.memory_space<vmem_shared>>
    tpu.wait_indirect_dma semaphore(%arg36 : memref<!tpu.dma_semaphore, #tpu.memory_space<semaphore_mem>>) src(%arg15 : memref<128x64xf32, #tpu.memory_space<vmem>>) dst(%dma_wait3A_1304 : memref<10240x64xf32, #tpu.memory_space<vmem_shared>>)
    %dma_wait3A_1305 = arith.constant 0 : i32
    %dma_wait3A_1306 = arith.constant 0 : i32
    %dma_wait3A_1307 = tpu.memref_slice %arg7[%dma_wait3A_1305, %dma_wait3A_1306] : memref<80x128xi32, #tpu.memory_space<vmem>> -> memref<1x128xi32, #tpu.memory_space<vmem>>
    %dma_wait3A_1308 = tpu.memref_squeeze %dma_wait3A_1307 : memref<1x128xi32, #tpu.memory_space<vmem>> -> memref<128xi32, #tpu.memory_space<vmem>>
    %dma_wait3A_1309 = arith.constant 0 : i32
    %dma_wait3A_1310 = tpu.memref_slice %arg19[%dma_wait3A_1309] : memref<10240xf32, #tpu.memory_space<vmem_shared>> -> memref<10240xf32, #tpu.memory_space<vmem_shared>>
    tpu.wait_indirect_dma semaphore(%arg44 : memref<!tpu.dma_semaphore, #tpu.memory_space<semaphore_mem>>) src(%arg16 : memref<128xf32, #tpu.memory_space<vmem>>) dst(%dma_wait3A_1310 : memref<10240xf32, #tpu.memory_space<vmem_shared>>)
    %barrier3A_1311 = arith.constant 0 : index
    tpu.barrier barrier_id(%barrier3A_1311)
    %mul3A_1312 = arith.constant 10240 : i32
    %mul3A_1313 = arith.muli %arg0, %mul3A_1312 : i32
    %add3A_1314 = arith.addi %mul3A_1313, %mul3A_717 : i32
    "tpu.region"() ({
      %run_scoped3A = tpu.sem_alloc : memref<!tpu.dma_semaphore, #tpu.memory_space<semaphore_mem>>
      %dma_start3A_1315 = arith.constant 0 : i32
      %dma_start3A_1316 = tpu.memref_slice %arg4[%add3A_1314, %dma_start3A_1315] : memref<20480x128xf32, #tpu.memory_space<hbm>> -> memref<640x64xf32, #tpu.memory_space<hbm>>
      %dma_start3A_1317 = arith.constant 0 : i32
      %dma_start3A_1318 = tpu.memref_slice %arg18[%mul3A_717, %dma_start3A_1317] : memref<10240x64xf32, #tpu.memory_space<vmem_shared>> -> memref<640x64xf32, #tpu.memory_space<vmem_shared>>
      tpu.enqueue_dma source(%dma_start3A_1318 : memref<640x64xf32, #tpu.memory_space<vmem_shared>>) target(%dma_start3A_1316 : memref<640x64xf32, #tpu.memory_space<hbm>>) target_semaphore(%run_scoped3A : memref<!tpu.dma_semaphore, #tpu.memory_space<semaphore_mem>>)
      %dma_wait3A_1319 = arith.constant 0 : i32
      %dma_wait3A_1320 = tpu.memref_slice %arg4[%add3A_1314, %dma_wait3A_1319] : memref<20480x128xf32, #tpu.memory_space<hbm>> -> memref<640x64xf32, #tpu.memory_space<hbm>>
      %dma_wait3A_1321 = arith.constant 0 : i32
      %dma_wait3A_1322 = tpu.memref_slice %arg18[%mul3A_717, %dma_wait3A_1321] : memref<10240x64xf32, #tpu.memory_space<vmem_shared>> -> memref<640x64xf32, #tpu.memory_space<vmem_shared>>
      tpu.wait_dma2 semaphore(%run_scoped3A : memref<!tpu.dma_semaphore, #tpu.memory_space<semaphore_mem>>) src(%dma_wait3A_1322 : memref<640x64xf32, #tpu.memory_space<vmem_shared>>) dst(%dma_wait3A_1320 : memref<640x64xf32, #tpu.memory_space<hbm>>)
      tpu.yield
    }) : () -> ()
    "tpu.region"() ({
      %run_scoped3A = tpu.sem_alloc : memref<!tpu.dma_semaphore, #tpu.memory_space<semaphore_mem>>
      %dma_start3A_1315 = tpu.memref_slice %arg5[%add3A_1314] : memref<20480xf32, #tpu.memory_space<hbm>> -> memref<640xf32, #tpu.memory_space<hbm>>
      %dma_start3A_1316 = tpu.memref_slice %arg19[%mul3A_717] : memref<10240xf32, #tpu.memory_space<vmem_shared>> -> memref<640xf32, #tpu.memory_space<vmem_shared>>
      tpu.enqueue_dma source(%dma_start3A_1316 : memref<640xf32, #tpu.memory_space<vmem_shared>>) target(%dma_start3A_1315 : memref<640xf32, #tpu.memory_space<hbm>>) target_semaphore(%run_scoped3A : memref<!tpu.dma_semaphore, #tpu.memory_space<semaphore_mem>>)
      %dma_wait3A_1317 = tpu.memref_slice %arg5[%add3A_1314] : memref<20480xf32, #tpu.memory_space<hbm>> -> memref<640xf32, #tpu.memory_space<hbm>>
      %dma_wait3A_1318 = tpu.memref_slice %arg19[%mul3A_717] : memref<10240xf32, #tpu.memory_space<vmem_shared>> -> memref<640xf32, #tpu.memory_space<vmem_shared>>
      tpu.wait_dma2 semaphore(%run_scoped3A : memref<!tpu.dma_semaphore, #tpu.memory_space<semaphore_mem>>) src(%dma_wait3A_1318 : memref<640xf32, #tpu.memory_space<vmem_shared>>) dst(%dma_wait3A_1317 : memref<640xf32, #tpu.memory_space<hbm>>)
      tpu.yield
    }) : () -> ()
    return
  }
}

module attributes {stable_mosaic.version = 14 : i64} {
  func.func @_mm_body(%arg0: i32, %arg1: memref<2000x128xf32, #tpu.memory_space<vmem>>, %arg2: memref<128x64xf32, #tpu.memory_space<vmem>>, %arg3: memref<2000x64xf32, #tpu.memory_space<vmem>>) attributes {dimension_semantics = [#tpu.dimension_semantics<arbitrary>], iteration_bounds = array<i64: 5>, scalar_prefetch = 0 : i64, scratch_operands = 0 : i64, tpu.core_type = #tpu.core_type<tc>, window_params = [{transform_indices = @transform_0, window_bounds = array<i64: 2000, 128>}, {pipeline_mode = #tpu.pipeline_mode<synchronous>, transform_indices = @transform_1, window_bounds = array<i64: 128, 64>}, {transform_indices = @transform_2, window_bounds = array<i64: 2000, 64>}]} {
    %get3A = arith.constant 0 : index
    %get3A_0 = arith.constant 0 : index
    %get3A_1 = vector.load %arg1[%get3A, %get3A_0] : memref<2000x128xf32, #tpu.memory_space<vmem>>, vector<2000x128xf32>
    %get3A_2 = arith.constant 0 : index
    %get3A_3 = arith.constant 0 : index
    %get3A_4 = vector.load %arg2[%get3A_2, %get3A_3] : memref<128x64xf32, #tpu.memory_space<vmem>>, vector<128x64xf32>
    %dot_general3A = arith.constant dense<0.000000e+00> : vector<2000x64xf32>
    %dot_general3A_5 = tpu.matmul %get3A_1, %get3A_4, %dot_general3A {dimension_numbers = #tpu.dot_dimension_numbers<[1], [0], [0], [1], [0, 0, 1, 1], [], []>, transpose_lhs_hint = false} : vector<2000x128xf32>, vector<128x64xf32>, vector<2000x64xf32> -> vector<2000x64xf32>
    %swap3A = arith.constant 0 : index
    %swap3A_6 = arith.constant 0 : index
    %swap3A_7 = vector.load %arg3[%swap3A, %swap3A_6] : memref<2000x64xf32, #tpu.memory_space<vmem>>, vector<2000x64xf32>
    tpu.vector_store %arg3[%swap3A, %swap3A_6], %dot_general3A_5 {strides = array<i32>} : memref<2000x64xf32, #tpu.memory_space<vmem>>, vector<2000x64xf32>,
    return
  }
  func.func @transform_0(%arg0: i32) -> (i32, i32) {
    %c0_i32 = arith.constant 0 : i32
    %c0_i32_0 = arith.constant 0 : i32
    return %arg0, %c0_i32 : i32, i32
  }
  func.func @transform_1(%arg0: i32) -> (i32, i32) {
    %c0_i32 = arith.constant 0 : i32
    %c0_i32_0 = arith.constant 0 : i32
    %c0_i32_1 = arith.constant 0 : i32
    return %c0_i32, %c0_i32_0 : i32, i32
  }
  func.func @transform_2(%arg0: i32) -> (i32, i32) {
    %c0_i32 = arith.constant 0 : i32
    %c0_i32_0 = arith.constant 0 : i32
    return %arg0, %c0_i32 : i32, i32
  }
}

module attributes {stable_mosaic.version = 14 : i64} {
  func.func @_fin_body(%arg0: i32, %arg1: memref<1024x128xf32, #tpu.memory_space<vmem>>, %arg2: memref<1024x128xf32, #tpu.memory_space<vmem>>, %arg3: memref<1024xf32, #tpu.memory_space<vmem>>, %arg4: memref<1024xf32, #tpu.memory_space<vmem>>, %arg5: memref<1024x64xf32, #tpu.memory_space<vmem>>, %arg6: memref<1x64xf32, #tpu.memory_space<vmem>>, %arg7: memref<64x1024xf32, #tpu.memory_space<vmem>>) attributes {dimension_semantics = [#tpu.dimension_semantics<arbitrary>], iteration_bounds = array<i64: 10>, scalar_prefetch = 0 : i64, scratch_operands = 0 : i64, tpu.core_type = #tpu.core_type<tc>, window_params = [{transform_indices = @transform_0, window_bounds = array<i64: 1024, 128>}, {transform_indices = @transform_1, window_bounds = array<i64: 1024, 128>}, {transform_indices = @transform_2, window_bounds = array<i64: 1024>}, {transform_indices = @transform_3, window_bounds = array<i64: 1024>}, {transform_indices = @transform_4, window_bounds = array<i64: 1024, 64>}, {pipeline_mode = #tpu.pipeline_mode<synchronous>, transform_indices = @transform_5, window_bounds = array<i64: 1, 64>}, {transform_indices = @transform_6, window_bounds = array<i64: 64, 1024>}]} {
    %get3A = arith.constant 0 : index
    %get3A_0 = arith.constant 0 : index
    %get3A_1 = vector.load %arg1[%get3A, %get3A_0] : memref<1024x128xf32, #tpu.memory_space<vmem>>, vector<1024x64xf32>
    %get3A_2 = arith.constant 0 : index
    %get3A_3 = arith.constant 0 : index
    %get3A_4 = vector.load %arg2[%get3A_2, %get3A_3] : memref<1024x128xf32, #tpu.memory_space<vmem>>, vector<1024x64xf32>
    %add3A = arith.addf %get3A_1, %get3A_4 : vector<1024x64xf32>
    %get3A_5 = arith.constant 0 : index
    %get3A_6 = arith.constant 0 : index
    %get3A_7 = vector.load %arg5[%get3A_5, %get3A_6] : memref<1024x64xf32, #tpu.memory_space<vmem>>, vector<1024x64xf32>
    %add3A_8 = arith.addf %add3A, %get3A_7 : vector<1024x64xf32>
    %get3A_9 = arith.constant 0 : index
    %get3A_10 = vector.load %arg3[%get3A_9] : memref<1024xf32, #tpu.memory_space<vmem>>, vector<1024xf32>
    %get3A_11 = arith.constant 0 : index
    %get3A_12 = vector.load %arg4[%get3A_11] : memref<1024xf32, #tpu.memory_space<vmem>>, vector<1024xf32>
    %add3A_13 = arith.addf %get3A_10, %get3A_12 : vector<1024xf32>
    %add3A_14 = arith.constant 1.000000e+00 : f32
    %add3A_15 = vector.broadcast %add3A_14 : f32 to vector<1024xf32>
    %add3A_16 = arith.addf %add3A_13, %add3A_15 : vector<1024xf32>
    %broadcast_in_dim3A = vector.shape_cast %add3A_16 : vector<1024xf32> to vector<1024x1xf32>
    %div3A = vector.broadcast %broadcast_in_dim3A : vector<1024x1xf32> to vector<1024x64xf32>
    %div3A_17 = arith.divf %add3A_8, %div3A : vector<1024x64xf32>
    %get3A_18 = arith.constant 0 : index
    %get3A_19 = arith.constant 0 : index
    %get3A_20 = vector.load %arg6[%get3A_18, %get3A_19] : memref<1x64xf32, #tpu.memory_space<vmem>>, vector<1x64xf32>
    %add3A_21 = vector.broadcast %get3A_20 : vector<1x64xf32> to vector<1024x64xf32>
    %add3A_22 = arith.addf %div3A_17, %add3A_21 : vector<1024x64xf32>
    %max3A = arith.constant 0.000000e+00 : f32
    %max3A_23 = vector.broadcast %max3A : f32 to vector<1024x64xf32>
    %max3A_24 = arith.maximumf %add3A_22, %max3A_23 : vector<1024x64xf32>
    %transpose3A = tpu.transpose %max3A_24, [1, 0] : vector<1024x64xf32> -> vector<64x1024xf32>
    %swap3A = arith.constant 0 : index
    %swap3A_25 = arith.constant 0 : index
    %swap3A_26 = vector.load %arg7[%swap3A, %swap3A_25] : memref<64x1024xf32, #tpu.memory_space<vmem>>, vector<64x1024xf32>
    tpu.vector_store %arg7[%swap3A, %swap3A_25], %transpose3A {strides = array<i32>} : memref<64x1024xf32, #tpu.memory_space<vmem>>, vector<64x1024xf32>,
    return
  }
  func.func @transform_0(%arg0: i32) -> (i32, i32) {
    %c0_i32 = arith.constant 0 : i32
    %c0_i32_0 = arith.constant 0 : i32
    return %arg0, %c0_i32 : i32, i32
  }
  func.func @transform_1(%arg0: i32) -> (i32, i32) {
    %add3A = arith.constant 10 : i32
    %add3A_0 = arith.addi %arg0, %add3A : i32
    %c0_i32 = arith.constant 0 : i32
    %c0_i32_1 = arith.constant 0 : i32
    return %add3A_0, %c0_i32 : i32, i32
  }
  func.func @transform_2(%arg0: i32) -> i32 {
    %c0_i32 = arith.constant 0 : i32
    return %arg0 : i32
  }
  func.func @transform_3(%arg0: i32) -> i32 {
    %add3A = arith.constant 10 : i32
    %add3A_0 = arith.addi %arg0, %add3A : i32
    %c0_i32 = arith.constant 0 : i32
    return %add3A_0 : i32
  }
  func.func @transform_4(%arg0: i32) -> (i32, i32) {
    %c0_i32 = arith.constant 0 : i32
    %c0_i32_0 = arith.constant 0 : i32
    return %arg0, %c0_i32 : i32, i32
  }
  func.func @transform_5(%arg0: i32) -> (i32, i32) {
    %c0_i32 = arith.constant 0 : i32
    %c0_i32_0 = arith.constant 0 : i32
    %c0_i32_1 = arith.constant 0 : i32
    return %c0_i32, %c0_i32_0 : i32, i32
  }
  func.func @transform_6(%arg0: i32) -> (i32, i32) {
    %c0_i32 = arith.constant 0 : i32
    %c0_i32_0 = arith.constant 0 : i32
    return %c0_i32, %arg0 : i32, i32
  }
}

</mosaic_0001>

<sc_bundles>
// kernel: kernel.5.cloned.1.call-start
scs
__scs_entry_jumppad:
0x0: {  	(pc) =	sbr.rel $0x88, $3  }
0x1: {  	(tag) =	ssettag $0x0;
	lr =	simm.s32 $0x1  }
0x2: {  	[smem:$0x3F9D] =	sst lr;
	_ =	strace $0xD0000000  }
0x3: {  	_ = 	snop  }
0x4: {  	_ = 	snop  }
0x5: {  	_ = 	snop  }
0x6: {  	_ = 	snop  }
0x7: {  	_ = 	snop  }
__scs_overlays_trampoline_lowered:
0x8: {  	[smem:$0x3FAC] =	sst s0  }
0x9: {  	[smem:$0x3FAD] =	sst s1  }
0xa: {  	[smem:$0x3FAE] =	sst s2  }
0xb: {  	[smem:$0x3FAF] =	sst s3  }
0xc: {  	[smem:$0x3FB0] =	sst s4  }
0xd: {  	[smem:$0x3FB1] =	sst s5  }
0xe: {  	[smem:$0x3FB2] =	sst s6  }
0xf: {  	[smem:$0x3FB3] =	sst s7  }
0x10: {  	[smem:$0x3FB4] =	sst s8  }
0x11: {  	[smem:$0x3FB5] =	sst s9;
	s0 =	simm.s32 @!p0 $0x0  }
0x12: {  	s1 =	sld [smem:$0x3F9B];
	s0 =	simm.s32 @p0 $0x1  }
0x13: {  	[smem:$0x3FB6] =	sst s0;
	s0 =	simm.s32 @!p1 $0x0  }
0x14: {  	s2 =	sld [smem:$0x3F9A];
	s0 =	simm.s32 @p1 $0x1  }
0x15: {  	[smem:$0x3FB7] =	sst s0;
	s0 =	simm.s32 @!p2 $0x0  }
0x16: {  	s3 =	sld [smem:$0x3FDB];
	s0 =	simm.s32 @p2 $0x1  }
0x17: {  	s4 =	simm.s32 $0x1BF5;
	[smem:$0x3FB9] =	sst s0  }
0x18: {  	s0 =	sld [smem:$0x3F9C];
	_ =	swait.ge [sflag:s4], $0x0  }
0x19: {  	s7 =	sld [smem:$0x3F9D]  }
0x1a: {  	s8 =	sadd.s32 $0xFFFFE003, lr  }
0x1b: {  	s9 =	sadd.s32 $0xFFFFFEF7, lr;
	s5 =	simm.s32 $0xFFFFFFFF;
	p2 =	slt.u32 s8, $0xFFFFF086  }
0x1c: {  	p1 =	slt.u32 s9, $0xF7A;
	s5 =	simm.s32 @!p2 $0x0  }
0x1d: {  	s5 =	simm.s32 @p1 $0x1;
	p0 =	seq.s32 s7, s2  }
0x1e: {  	s7 =	smul.u32 @!p0 $0xF7A, s2;
	p2 =	seq.s32 @!p0 s5, $0x0  }
0x1f: {  	s9 =	smul.u32 $0xF7A, s1;
	s8 =	simm.s32 @!p0 $0x1BF5;
	p2 =	por !p2, p0  }
0x20: {  	[sflag:s8] =	ssyncset.s32 @!p0 $0xFFFFF086;
	s6 =	sadd.s32 @!p0 s3, s7;
	s7 =	simm.s32 @!p0 $0x108  }
0x21: {  	s3 =	sadd.s32 s3, s9;
	s6 =	sadd.s32 @!p0 $0x88, s6;
	s7 =	simm.s32 @p2 $0x1082  }
0x22: {  	[simem:s7], [sflag:s8] =	dma.local @!p0 [hbm:s6], $0xF7A  }
0x23: {  	s9 =	sor.u32 $0xD0000000, s2;
	s6 =	simm.s32 $0x108;
	_ =	swait.ge @!p0 [sflag:s8], $0x0  }
0x24: {  	s3 =	sadd.s32 $0x88, s3;
	s6 =	simm.s32 @!p1 $0x1082;
	[sflag:s4] =	ssyncset.s32 $0xFFFFF086  }
0x25: {  	[simem:s6], [sflag:s4] =	dma.local [hbm:s3], $0xF7A  }
0x26: {  	[smem:$0x3F9D] =	sst s1;
	(tag) =	ssettag s2;
	_ =	strace s9  }
0x27: {  	s1 =	sld [smem:$0x3FAD]  }
0x28: {  	s2 =	sld [smem:$0x3FAE]  }
0x29: {  	s4 =	sld [smem:$0x3FB0]  }
0x2a: {  	p0 =	seq.s32 s5, $0x0;
	s5 =	sld [smem:$0x3FB1]  }
0x2b: {  	s6 =	sld [smem:$0x3FB2]  }
0x2c: {  	s7 =	sld [smem:$0x3FB3]  }
0x2d: {  	s3 =	simm.s32 $0x108;
	s8 =	sld [smem:$0x3FB4]  }
0x2e: {  	s3 =	simm.s32 @!p0 $0x1082;
	s9 =	sld [smem:$0x3FB5]  }
0x2f: {  	lr =	sadd.s32 s0, s3;
	s0 =	sld [smem:$0x3FAC]  }
0x30: {  	s3 =	sld [smem:$0x3FAF]  }
0x31: {  	[smem:$0x3FB8] =	sst s10  }
0x32: {  	s10 =	sld [smem:$0x3FB6];
	_ =	sdelay $0x3  }
0x33: {  	p0 =	seq.s32 s10, $0x1;
	s10 =	sld [smem:$0x3FB8];
	_ =	sdelay $0x3  }
0x34: {  	[smem:$0x3FB8] =	sst s10  }
0x35: {  	s10 =	sld [smem:$0x3FB7];
	_ =	sdelay $0x3  }
0x36: {  	p1 =	seq.s32 s10, $0x1;
	s10 =	sld [smem:$0x3FB8];
	_ =	sdelay $0x3  }
0x37: {  	[smem:$0x3FB8] =	sst s10  }
0x38: {  	s10 =	sld [smem:$0x3FB9]  }
0x39: {  	_ = 	snop;
	(pc) =	sbr.ind lr, $3  }
0x3a: {  	_ = 	snop  }
0x3b: {  	_ = 	snop  }
0x3c: {  	p2 =	seq.s32 s10, $0x1;
	s10 =	sld [smem:$0x3FB8]  }
0x3d: {  	_ =	shalt  }
0x3e: {  	_ =	shalt  }
0x3f: {  	_ =	shalt  }
0x40: {  	_ =	shalt  }
0x41: {  	_ =	shalt  }
0x42: {  	_ =	shalt  }
0x43: {  	_ =	shalt  }
0x44: {  	_ =	shalt  }
0x45: {  	_ =	shalt  }
0x46: {  	_ =	shalt  }
0x47: {  	_ =	shalt  }
0x48: {  	_ =	shalt  }
0x49: {  	_ =	shalt  }
0x4a: {  	_ =	shalt  }
0x4b: {  	_ =	shalt  }
0x4c: {  	_ =	shalt  }
0x4d: {  	_ =	shalt  }
0x4e: {  	_ =	shalt  }
0x4f: {  	_ =	shalt  }
0x50: {  	_ =	shalt  }
0x51: {  	_ =	shalt  }
0x52: {  	_ =	shalt  }
0x53: {  	_ =	shalt  }
0x54: {  	_ =	shalt  }
0x55: {  	_ =	shalt  }
0x56: {  	_ =	shalt  }
0x57: {  	_ =	shalt  }
0x58: {  	_ =	shalt  }
0x59: {  	_ =	shalt  }
0x5a: {  	_ =	shalt  }
0x5b: {  	_ =	shalt  }
0x5c: {  	_ =	shalt  }
0x5d: {  	_ =	shalt  }
0x5e: {  	_ =	shalt  }
0x5f: {  	_ =	shalt  }
0x60: {  	_ =	shalt  }
0x61: {  	_ =	shalt  }
0x62: {  	_ =	shalt  }
0x63: {  	_ =	shalt  }
0x64: {  	_ =	shalt  }
0x65: {  	_ =	shalt  }
0x66: {  	_ =	shalt  }
0x67: {  	_ =	shalt  }
0x68: {  	_ =	shalt  }
0x69: {  	_ =	shalt  }
0x6a: {  	_ =	shalt  }
0x6b: {  	_ =	shalt  }
0x6c: {  	_ =	shalt  }
0x6d: {  	_ =	shalt  }
0x6e: {  	_ =	shalt  }
0x6f: {  	_ =	shalt  }
0x70: {  	_ =	shalt  }
0x71: {  	_ =	shalt  }
0x72: {  	_ =	shalt  }
0x73: {  	_ =	shalt  }
0x74: {  	_ =	shalt  }
0x75: {  	_ =	shalt  }
0x76: {  	_ =	shalt  }
0x77: {  	_ =	shalt  }
0x78: {  	_ =	shalt  }
0x79: {  	_ =	shalt  }
0x7a: {  	_ =	shalt  }
0x7b: {  	_ =	shalt  }
0x7c: {  	_ =	shalt  }
0x7d: {  	_ =	shalt  }
0x7e: {  	_ =	shalt  }
0x7f: {  	_ =	shalt  }
0x80: {  	_ =	shalt  }
0x81: {  	_ =	shalt  }
0x82: {  	_ =	shalt  }
0x83: {  	_ =	shalt  }
0x84: {  	_ =	shalt  }
0x85: {  	_ =	shalt  }
0x86: {  	_ =	shalt  }
0x87: {  	_ =	shalt  }
.Lfunc_end0:
.L_simem_size_0:
called_computation_lowered:
.L_overlay_start_0:
0x88: {  	s2 =	sld [smem:$0x3FD9]  }
0x89: {  	s3 =	sld [smem:$0x3FFE];
	_ =	sdelay $0x1  }
0x8a: {  	s1 =	srdreg.scid  }
0x8b: {  	s0 =	sand.u32 $0x1, s1  }
0x8c: {  	s17 =	sshll.u32 s0, $0xA;
	s2 =	sadd.s32 s3, s2  }
0x8d: {  	s2 =	sadd.s32 s2, s17  }
0x8e: {  	[smem:$0x3FC4] =	sst s2  }
0x8f: {  	_ = 	snop  }
0x90: {  	s2 =	sld [smem:$0x3FD0];
	(tm) =	ssettm $0x1  }
0x91: {  	s18 =	sld [smem:$0x3FFB];
	_ =	sdelay $0x3  }
0x92: {  	_ =	strace s18  }
0x93: {  	s3 =	sld [smem:$0x3FFC];
	_ =	sdelay $0x3  }
0x94: {  	_ =	strace s3  }
0x95: {  	s3 =	sld [smem:$0x3FFD];
	_ =	sdelay $0x3  }
0x96: {  	_ =	strace s3  }
0x97: {  	_ =	strace $0x8FFFFFFF  }
0x98: {  	s19 =	sld [smem:$0x3FDB];
	_ =	sdelay $0x1  }
0x99: {  	s4 =	simm.s32 $_scs_section_size  }
0x9a: {  	s5 =	simm.s32 $_size__tile_overlayer_lowered;
	s6 =	simm.s32 $_tile_overlayer_lowered  }
0x9b: {  	s22 =	simm.s32 $0x1BFF;
	s21 =	sshll.u32 s6, $0x1;
	s3 =	sadd.s32 s4, s19  }
0x9c: {  	s7 =	simm.s32 $0x0;
	s20 =	sshll.u32 s5, $0x1;
	s5 =	sadd.s32 s21, s3  }
0x9d: {  	[timem:s7], [sflag:s22] =	dma.local [hbm:s5], s20  }
0x9e: {  	_ =	swait.ge [sflag:s22], s20  }
0x9f: {  	s4 =	ssub.s32 $0x0, s20;
	[sflag:s22] =	ssyncset.done $0x0  }
0xa0: {  	[sflag:s22] =	ssyncadd.s32 s4;
	_ =	sdelay $0x1  }
0xa1: {  	s23 =	simm.s32 $0x1B8B  }
0xa2: {  	_ =	swait.ge [sflag:s23], $0x1  }
0xa3: {  	[sflag:s23] =	ssyncset.done $0x0  }
0xa4: {  	s25 =	simm.s32 $0x1B8E;
	s24 =	sld [smem:$0x3FFE];
	[sflag:s23] =	ssyncadd.s32 $0xFFFFFFFF  }
0xa5: {  	s26 =	simm.s32 $execute0_lowered;
	[smem:$0x3FD2] =	sst s25  }
0xa6: {  	s5 =	sshll.u32 s26, $0x1;
	_ =	strace $0x80000046;
	[dreg:$0x1] =	wrdreg $0xFFFFFFFF  }
0xa7: {  	s28 =	simm.s32 $_size_execute0_lowered;
	s3 =	sadd.s32 s3, s5;
	[dreg:$0x0] =	wrdreg $0x0  }
0xa8: {  	s5 =	sshll.u32 s28, $0x1;
	[dreg:$0x2] =	wrdreg s3  }
0xa9: {  	[dreg:$0x3] =	wrdreg s5  }
0xaa: {  	[dreg:$0x4] =	wrdreg $0xC0  }
0xab: {  	_ =	task [dreg:s7], $0x5FFFF  }
0xac: {  	[dreg:$0x1] =	wrdreg $0xFFFFFFFF  }
0xad: {  	[dreg:$0x0] =	wrdreg $0x60  }
0xae: {  	[dreg:$0x2] =	wrdreg s2  }
0xaf: {  	[dreg:$0x3] =	wrdreg s24  }
0xb0: {  	[dreg:$0x4] =	wrdreg $0x153000  }
0xb1: {  	[dreg:$0x5] =	wrdreg $0x1F3000  }
0xb2: {  	[dreg:$0x6] =	wrdreg $0x9  }
0xb3: {  	_ =	task.clear_ibuf [dreg:s7], $0x7FFFF;
	_ =	strace $0x90000046  }
0xb4: {  	s29 =	simm.s32 $0x9;
	_ =	strace $0x80000048  }
0xb5: {  	_ =	swait.ge [sflag:s29], $0x1  }
0xb6: {  	[sflag:s29] =	ssyncadd.s32 $0xFFFFFFFF  }
0xb7: {  	_ =	strace $0x90000048  }
0xb8: {  	_ =	sfence  }
0xb9: {  	s30 =	sld [smem:$0x0];
	_ =	sdelay $0x2  }
0xba: {  	s31 =	sshll.u32 s1, $0xD;
	s1 =	sshrl.u32 s1, $0x2  }
0xbb: {  	s3 =	sand.u32 $0x4000, s31;
	s1 =	sadd.s32 s1, s30  }
0xbc: {  	s0 =	sor.u32 s3, s0;
	s1 =	sshll.u32 s1, $0x11  }
0xbd: {  	s0 =	sor.u32 s1, s0  }
0xbe: {  	s0 =	sadd.s32 $0x8F2B, s0  }
0xbf: {  	[sflag:s0] =	ssyncadd.remote.s32 $0x1  }
0xc0: {  	_ =	sfence.sel $0xFFFF  }
0xc1: {  	[dreg:$0x0] =	wrdreg $0xFFFFFFFF;
	(pc) =	sbr.abs _section_cstart, $3  }
0xc2: {  	[dreg:$0x1] =	wrdreg $0xFFFFFFFF  }
0xc3: {  	_ =	task.clear_ibuf [dreg:s7], $0x2FFFF;
	_ =	strace $0x9FFFFFFF  }
0xc4: {  	(tm) =	ssettm $0x7FFFFFFF  }
0xc5: {  	_ =	shalt  }
tec
execute0_lowered:
.L_overlay_start_1:
0x0: {  	(tag) =	ssettag $0x1  }
0x1: {  	v0 =	vimm.s32 $0xE  }
0x2: {  	vm14 =	vcmask $0x300;
	vm13 =	vcmask $0x704;
	vm12 =	vcmask $0xB08  }
0x3: {  	vm11 =	vcmask $0xF0C;
	vm10 =	vcmask $0x1310;
	vm9 =	vcmask $0x1714  }
0x4: {  	vm8 =	vcmask $0x1B18;
	vm7 =	vcmask $0x1F1C;
	vm6 =	vcmask $0x2320  }
0x5: {  	vm5 =	vcmask $0x2724;
	vm4 =	vcmask $0x2B28;
	vm3 =	vcmask $0x2F2C  }
0x6: {  	vm2 =	vcmask $0x3330;
	vm1 =	vcmask $0x3734;
	vm0 =	vcmask $0x3B38  }
0x7: {  	v7 =	vimm.s32 $0x6F;
	v9 =	vimm.s32 $0xD0;
	v10 =	vimm.s32 $0x131  }
0x8: {  	v13 =	vimm.s32 $0x192;
	v15 =	vimm.s32 $0x1F3;
	v16 =	vimm.s32 $0x254  }
0x9: {  	v19 =	vimm.s32 $0x2B5;
	v21 =	vimm.s32 $0x316;
	v22 =	vimm.s32 $0x377  }
0xa: {  	v25 =	vimm.s32 $0x3D8;
	v27 =	vimm.s32 $0x439;
	v28 =	vimm.s32 $0x49A  }
0xb: {  	v32 =	vimm.f32 $0.0e+00;
	v0 =	vsel vm14, $0x333, v0;
	v8 =	vsel vm14, $0x394, v7  }
0xc: {  	v9 =	vsel vm14, $0x3F5, v9;
	v10 =	vsel vm14, $0x456, v10;
	v14 =	vsel vm14, $0x4B7, v13  }
0xd: {  	v15 =	vsel vm14, $0x518, v15;
	v16 =	vsel vm14, $0x579, v16;
	v20 =	vsel vm14, $0x5DA, v19  }
0xe: {  	v21 =	vsel vm14, $0x63B, v21;
	v22 =	vsel vm14, $0x69C, v22;
	v26 =	vsel vm14, $0x6FD, v25  }
0xf: {  	v27 =	vsel vm14, $0x75E, v27;
	v28 =	vsel vm14, $0x7BF, v28;
	v0 =	vsel vm13, $0x598, v0  }
0x10: {  	v8 =	vsel vm13, $0x5F9, v8;
	v9 =	vsel vm13, $0x65A, v9;
	v10 =	vsel vm13, $0x6BB, v10  }
0x11: {  	v14 =	vsel vm13, $0x71C, v14;
	v15 =	vsel vm13, $0x77D, v15;
	v16 =	vsel vm13, $0x7DE, v16  }
0x12: {  	v20 =	vsel vm13, $0x83F, v20;
	v21 =	vsel vm13, $0x8A0, v21;
	v22 =	vsel vm13, $0x901, v22  }
0x13: {  	v26 =	vsel vm13, $0x962, v26;
	v27 =	vsel vm13, $0x9C3, v27;
	v28 =	vsel vm13, $0xA24, v28  }
0x14: {  	v0 =	vsel vm12, $0x7FD, v0;
	v8 =	vsel vm12, $0x85E, v8;
	v9 =	vsel vm12, $0x8BF, v9  }
0x15: {  	v10 =	vsel vm12, $0x920, v10;
	v14 =	vsel vm12, $0x981, v14;
	v15 =	vsel vm12, $0x9E2, v15  }
0x16: {  	v16 =	vsel vm12, $0xA43, v16;
	v20 =	vsel vm12, $0xAA4, v20;
	v21 =	vsel vm12, $0xB05, v21  }
0x17: {  	v22 =	vsel vm12, $0xB66, v22;
	v26 =	vsel vm12, $0xBC7, v26;
	v27 =	vsel vm12, $0xC28, v27  }
0x18: {  	v28 =	vsel vm12, $0xC89, v28;
	v0 =	vsel vm11, $0xA62, v0;
	v8 =	vsel vm11, $0xAC3, v8  }
0x19: {  	v9 =	vsel vm11, $0xB24, v9;
	v10 =	vsel vm11, $0xB85, v10;
	v14 =	vsel vm11, $0xBE6, v14  }
0x1a: {  	v15 =	vsel vm11, $0xC47, v15;
	v16 =	vsel vm11, $0xCA8, v16;
	v20 =	vsel vm11, $0xD09, v20  }
0x1b: {  	v21 =	vsel vm11, $0xD6A, v21;
	v22 =	vsel vm11, $0xDCB, v22;
	v26 =	vsel vm11, $0xE2C, v26  }
0x1c: {  	v27 =	vsel vm11, $0xE8D, v27;
	v28 =	vsel vm11, $0xEEE, v28;
	v0 =	vsel vm10, $0xCC7, v0  }
0x1d: {  	v8 =	vsel vm10, $0xD28, v8;
	v9 =	vsel vm10, $0xD89, v9;
	v10 =	vsel vm10, $0xDEA, v10  }
0x1e: {  	v14 =	vsel vm10, $0xE4B, v14;
	v15 =	vsel vm10, $0xEAC, v15;
	v16 =	vsel vm10, $0xF0D, v16  }
0x1f: {  	v20 =	vsel vm10, $0xF6E, v20;
	v21 =	vsel vm10, $0xFCF, v21;
	v22 =	vsel vm10, $0x1030, v22  }
0x20: {  	v26 =	vsel vm10, $0x1091, v26;
	v27 =	vsel vm10, $0x10F2, v27;
	v28 =	vsel vm10, $0x1153, v28  }
0x21: {  	v0 =	vsel vm9, $0xF2C, v0;
	v8 =	vsel vm9, $0xF8D, v8;
	v9 =	vsel vm9, $0xFEE, v9  }
0x22: {  	v10 =	vsel vm9, $0x104F, v10;
	v14 =	vsel vm9, $0x10B0, v14;
	v15 =	vsel vm9, $0x1111, v15  }
0x23: {  	v16 =	vsel vm9, $0x1172, v16;
	v20 =	vsel vm9, $0x11D3, v20;
	v21 =	vsel vm9, $0x1234, v21  }
0x24: {  	v22 =	vsel vm9, $0x1295, v22;
	v26 =	vsel vm9, $0x12F6, v26;
	v27 =	vsel vm9, $0x1357, v27  }
0x25: {  	v28 =	vsel vm9, $0x13B8, v28;
	v1 =	vsel vm8, $0x1191, v0;
	v0 =	vlaneseq.u32  }
0x26: {  	v8 =	vsel vm8, $0x11F2, v8;
	v9 =	vsel vm8, $0x1253, v9;
	v10 =	vsel vm8, $0x12B4, v10  }
0x27: {  	v14 =	vsel vm8, $0x1315, v14;
	v15 =	vsel vm8, $0x1376, v15;
	v16 =	vsel vm8, $0x13D7, v16  }
0x28: {  	v20 =	vsel vm8, $0x1438, v20;
	v21 =	vsel vm8, $0x1499, v21;
	v22 =	vsel vm8, $0x14FA, v22  }
0x29: {  	v26 =	vsel vm8, $0x155B, v26;
	v27 =	vsel vm8, $0x15BC, v27;
	v28 =	vsel vm8, $0x161D, v28  }
0x2a: {  	v1 =	vsel vm7, $0x13F6, v1;
	v4 =	vmul.u32 $0x265, v0;
	v7 =	vor.u32 $0x27D0, v0  }
0x2b: {  	v8 =	vsel vm7, $0x1457, v8;
	v9 =	vsel vm7, $0x14B8, v9;
	v10 =	vsel vm7, $0x1519, v10  }
0x2c: {  	v13 =	vor.u32 $0x2710, v0;
	v14 =	vsel vm7, $0x157A, v14;
	v15 =	vsel vm7, $0x15DB, v15  }
0x2d: {  	v16 =	vsel vm7, $0x163C, v16;
	v19 =	vor.u32 $0x2740, v0;
	v20 =	vsel vm7, $0x169D, v20  }
0x2e: {  	v21 =	vsel vm7, $0x16FE, v21;
	v22 =	vsel vm7, $0x175F, v22;
	v25 =	vor.u32 $0x2770, v0  }
0x2f: {  	v26 =	vsel vm7, $0x17C0, v26;
	v27 =	vsel vm7, $0x1821, v27;
	v28 =	vsel vm7, $0x1882, v28  }
0x30: {  	v31 =	vor.u32 $0x27A0, v0;
	v2 =	vsel vm6, $0x165B, v1;
	v1 =	vimm.f32 $1.000000000e+00  }
0x31: {  	v8 =	vsel vm6, $0x16BC, v8;
	v9 =	vsel vm6, $0x171D, v9;
	v10 =	vsel vm6, $0x177E, v10  }
0x32: {  	v14 =	vsel vm6, $0x17DF, v14;
	v15 =	vsel vm6, $0x1840, v15;
	v16 =	vsel vm6, $0x18A1, v16  }
0x33: {  	v20 =	vsel vm6, $0x1902, v20;
	v21 =	vsel vm6, $0x1963, v21;
	v22 =	vsel vm6, $0x19C4, v22  }
0x34: {  	v26 =	vsel vm6, $0x1A25, v26;
	v27 =	vsel vm6, $0x1A86, v27;
	v28 =	vsel vm6, $0x1AE7, v28  }
0x35: {  	v3 =	vsel vm5, $0x18C0, v2;
	v2 =	vadd.s32 $0x271, v4;
	v4 =	vadd.s32 $0x2D2, v4  }
0x36: {  	v8 =	vsel vm5, $0x1921, v8;
	v9 =	vsel vm5, $0x1982, v9;
	v10 =	vsel vm5, $0x19E3, v10  }
0x37: {  	v14 =	vsel vm5, $0x1A44, v14;
	v15 =	vsel vm5, $0x1AA5, v15;
	v16 =	vsel vm5, $0x1B06, v16  }
0x38: {  	v20 =	vsel vm5, $0x1B67, v20;
	v21 =	vsel vm5, $0x1BC8, v21;
	v22 =	vsel vm5, $0x1C29, v22  }
0x39: {  	v26 =	vsel vm5, $0x1C8A, v26;
	v27 =	vsel vm5, $0x1CEB, v27;
	v28 =	vsel vm5, $0x1D4C, v28  }
0x3a: {  	v5 =	vsel vm4, $0x1B25, v3;
	v3 =	vor.u32 $0x27B0, v0;
	v8 =	vsel vm4, $0x1B86, v8  }
0x3b: {  	s1 =	rddreg [dreg:$0x0];
	v9 =	vsel vm4, $0x1BE7, v9;
	v10 =	vsel vm4, $0x1C48, v10;
	v14 =	vsel vm4, $0x1CA9, v14  }
0x3c: {  	s4 =	rddreg [dreg:$0x1];
	v15 =	vsel vm4, $0x1D0A, v15;
	v16 =	vsel vm4, $0x1D6B, v16;
	v20 =	vsel vm4, $0x1DCC, v20  }
0x3d: {  	s0 =	rddreg [dreg:$0x2];
	s13 =	stileid.u32;
	v21 =	vsel vm4, $0x1E2D, v21;
	v22 =	vsel vm4, $0x1E8E, v22;
	v26 =	vsel vm4, $0x1EEF, v26  }
0x3e: {  	s2 =	srdreg.scid;
	s31 =	smul.u32 $0x280, s13;
	v27 =	vsel vm4, $0x1F50, v27;
	v28 =	vsel vm4, $0x1FB1, v28;
	v5 =	vsel vm3, $0x1D8A, v5  }
0x3f: {  	s3 =	rddreg [dreg:$0x3];
	s14 =	simm.s32 $0x0;
	s12 =	smul.u32 $0x28000, s13;
	v8 =	vsel vm3, $0x1DEB, v8;
	v9 =	vsel vm3, $0x1E4C, v9;
	v10 =	vsel vm3, $0x1EAD, v10  }
0x40: {  	s28 =	simm.s32 $0xE;
	s6 =	sand.u32 $0x1, s2;
	s19 =	smul.u32 $0x4E20, s13;
	v14 =	vsel vm3, $0x1F0E, v14;
	v15 =	vsel vm3, $0x1F6F, v15;
	v16 =	vsel vm3, $0x1FD0, v16  }
0x41: {  	[smem:$0x7FF] =	sst s14;
	s8 =	sshll.u32 s13, $0x1;
	s5 =	smul.u32 $0x2800, s6;
	v20 =	vsel vm3, $0x2031, v20;
	v21 =	vsel vm3, $0x2092, v21;
	v22 =	vsel vm3, $0x20F3, v22  }
0x42: {  	s8 =	sor.u32 s6, s8;
	s10 =	ssub.s32 $0x2, s6;
	s6 =	smul.u32 $0x2710, s6;
	v26 =	vsel vm3, $0x2154, v26;
	v27 =	vsel vm3, $0x21B5, v27;
	v28 =	vsel vm3, $0x2216, v28  }
0x43: {  	_ =	strace $0x80000047;
	s8 =	smul.u32 $0x2710, s8;
	s11 =	sshrl.u32 s10, $0x1;
	v5 =	vsel vm2, $0x1FEF, v5;
	v8 =	vsel vm2, $0x2050, v8;
	v11 =	vsel vm2, $0x20B1, v9  }
0x44: {  	s17 =	sshrl.u32 s12, $0x2;
	s24 =	sadd.s32 s31, s3;
	s7 =	sadd.s32 s31, s5;
	v9 =	vor.u32 $0x27E0, v0;
	v12 =	vsel vm2, $0x2112, v10;
	v14 =	vsel vm2, $0x2173, v14  }
0x45: {  	s5 =	sadd.s32 $0x1000, s4;
	s15 =	ssub.s32 s10, s11;
	s18 =	sadd.s32 s17, s0;
	v17 =	vsel vm2, $0x21D4, v15;
	v15 =	vor.u32 $0x2720, v0;
	v18 =	vsel vm2, $0x2235, v16  }
0x46: {  	s29 =	sadd.s32 s6, s19;
	[dreg:$0xb] =	wrdreg s24;
	s17 =	simm.s32 $0x5;
	v20 =	vsel vm2, $0x2296, v20;
	v23 =	vsel vm2, $0x22F7, v21;
	v21 =	vor.u32 $0x2750, v0  }
0x47: {  	s9 =	sshll.u32 s7, $0x4;
	s7 =	sshrl.u32 s7, $0x3;
	s8 =	sshrl.u32 s8, $0x3;
	v24 =	vsel vm2, $0x2358, v22;
	v26 =	vsel vm2, $0x23B9, v26;
	v29 =	vsel vm2, $0x241A, v27  }
0x48: {  	s20 =	sadd.s32 $0x2000, s18;
	s21 =	sadd.s32 $0x4000, s18;
	[dreg:$0x6] =	wrdreg s18;
	v27 =	vor.u32 $0x2780, v0;
	v30 =	vsel vm2, $0x247B, v28;
	v6 =	vsel vm1, $0x2254, v5  }
0x49: {  	s22 =	sadd.s32 $0x6000, s18;
	s23 =	sadd.s32 $0x8000, s18;
	[dreg:$0x7] =	wrdreg s20;
	v5 =	vor.u32 $0x27C0, v0;
	v8 =	vsel vm1, $0x22B5, v8;
	v11 =	vsel vm1, $0x2316, v11  }
0x4a: {  	s30 =	smax.u32 s15, $0x1;
	s2 =	sshrl.u32 s29, $0x3;
	[dreg:$0x8] =	wrdreg s21;
	v12 =	vsel vm1, $0x2377, v12;
	v14 =	vsel vm1, $0x23D8, v14;
	v17 =	vsel vm1, $0x2439, v17  }
0x4b: {  	s9 =	sadd.s32 s9, s4;
	s4 =	sadd.s32 s7, s4;
	[dreg:$0x9] =	wrdreg s22;
	v18 =	vsel vm1, $0x249A, v18;
	v20 =	vsel vm1, $0x24FB, v20;
	v23 =	vsel vm1, $0x255C, v23  }
0x4c: {  	s16 =	sadd.s32 s1, s8;
	s1 =	sadd.s32 $0x9C40, s1;
	[dreg:$0xa] =	wrdreg s23;
	v24 =	vsel vm1, $0x25BD, v24;
	v26 =	vsel vm1, $0x261E, v26;
	v29 =	vsel vm1, $0x267F, v29  }
0x4d: {  	[dreg:$0xe] =	wrdreg s30;
	s7 =	simm.s32 $0x4F00;
	s23 =	simm.s32 $0x80;
	v30 =	vsel vm1, $0x26E0, v30;
	v6 =	vsel vm0, $0x24B9, v6;
	v8 =	vsel vm0, $0x251A, v8  }
0x4e: {  	s22 =	simm.s32 $0x7;
	[dreg:$0x5] =	wrdreg s16;
	s25 =	sadd.s32 $0x14A00, s9;
	v10 =	vsel vm0, $0x257B, v11;
	v11 =	vor.u32 $0x27F0, v0;
	v12 =	vsel vm0, $0x25DC, v12  }
0x4f: {  	s8 =	sadd.s32 s1, s8;
	s26 =	sadd.s32 $0x64A00, s4;
	[dreg:$0xc] =	wrdreg s25;
	v14 =	vsel vm0, $0x263D, v14;
	v16 =	vsel vm0, $0x269E, v17;
	v17 =	vor.u32 $0x2730, v0  }
0x50: {  	s19 =	sadd.s32 s2, s1;
	s2 =	simm.s32 $0x0;
	[dreg:$0xd] =	wrdreg s26;
	v18 =	vsel vm0, $0x26FF, v18;
	v20 =	vsel vm0, $0x50, v20;
	v22 =	vsel vm0, $0xB1, v23  }
0x51: {  	s16 =	simm.s32 $0x16;
	s31 =	sadd.s32 $0x4E0, s8;
	[dreg:$0x10] =	wrdreg s19;
	v23 =	vor.u32 $0x2760, v0;
	v24 =	vsel vm0, $0x112, v24;
	v26 =	vsel vm0, $0x173, v26  }
0x52: {  	s25 =	simm.s32 $0x15000;
	s26 =	simm.s32 $0x6;
	[dreg:$0xf] =	wrdreg s31;
	v28 =	vsel vm0, $0x1D4, v29;
	v29 =	vor.u32 $0x2790, v0;
	v30 =	vsel vm0, $0x235, v30  }
.LBB2_1:
0x53: {  	s1 =	rddreg [dreg:$0x5];
	s10 =	sadd.s32 $0x0, s19  }
0x54: {  	[tilespmem:s14], [sflag:$0x1] =	stream.linear.gather [hbm4b:s1+s14], $0x2710, $0x38;
	[tilespmem:$0x1F580] =	vst v63  }
0x55: {  	s6 =	simm.s32 $0x2880;
	s9 =	simm.s32 $0x2800;
	s1 =	simm.s32 $0x10  }
.LBB2_2:
0x56: {  	[tilespmem:s9], [sflag:$0x1] =	stream.linear.gather [hbm4b:s10+s14], $0x80, $0x38;
	[tilespmem:$0x1F580] =	vst v63  }
0x57: {  	s10 =	smov.u32 s1;
	s9 =	smov.u32 s6;
	p0 =	sne.s32 s1, $0x4D0  }
.Ltmp0:
0x58: {  	s1 =	sadd.s32 $0x10, s1;
	(pc) =	sbr.rel @p0 .LBB2_2-.Ltmp0, $2  }
0x59: {  	_ =	sdelay $0x2  }
0x5a: {  	s6 =	sadd.s32 $0x80, s6;
	s10 =	sadd.s32 s10, s19  }
0x5b: {  	[tilespmem:s9], [sflag:$0x1] =	stream.linear.gather [hbm4b:s10+s14], $0x80, $0x38;
	[tilespmem:$0x1F580] =	vst v63  }
0x5c: {  	s1 =	rddreg [dreg:$0xf]  }
0x5d: {  	[tilespmem:s7], [sflag:$0x1] =	stream.linear.gather [hbm4b:s1+s14], $0x10, $0x38;
	[tilespmem:$0x1F580] =	vst v63  }
0x5e: {  	[tilespmem:$0x15000] =	vst v1  }
0x5f: {  	[tilespmem:$0x15010] =	vst v1  }
0x60: {  	[tilespmem:$0x15020] =	vst v1  }
0x61: {  	[tilespmem:$0x15030] =	vst v1  }
0x62: {  	[tilespmem:$0x15040] =	vst v1  }
0x63: {  	[tilespmem:$0x15050] =	vst v1  }
0x64: {  	[tilespmem:$0x15060] =	vst v1  }
0x65: {  	[tilespmem:$0x15070] =	vst v1  }
0x66: {  	[tilespmem:$0x2710] =	vst v2  }
0x67: {  	[tilespmem:$0x4F10] =	vst v3  }
0x68: {  	[tilespmem:$0x2720] =	vst v4  }
0x69: {  	[tilespmem:$0x4F20] =	vst v5  }
0x6a: {  	[tilespmem:$0x2730] =	vst v6  }
0x6b: {  	[tilespmem:$0x4F30] =	vst v7  }
0x6c: {  	[tilespmem:$0x2740] =	vst v8  }
0x6d: {  	[tilespmem:$0x4F40] =	vst v9  }
0x6e: {  	[tilespmem:$0x2750] =	vst v10  }
0x6f: {  	[tilespmem:$0x4F50] =	vst v11  }
0x70: {  	[tilespmem:$0x2760] =	vst v12  }
0x71: {  	[tilespmem:$0x4F60] =	vst v13  }
0x72: {  	[tilespmem:$0x2770] =	vst v14  }
0x73: {  	[tilespmem:$0x4F70] =	vst v15  }
0x74: {  	[tilespmem:$0x2780] =	vst v16  }
0x75: {  	[tilespmem:$0x4F80] =	vst v17  }
0x76: {  	[tilespmem:$0x2790] =	vst v18  }
0x77: {  	[tilespmem:$0x4F90] =	vst v19  }
0x78: {  	[tilespmem:$0x27A0] =	vst v20  }
0x79: {  	[tilespmem:$0x4FA0] =	vst v21  }
0x7a: {  	[tilespmem:$0x27B0] =	vst v22  }
0x7b: {  	[tilespmem:$0x4FB0] =	vst v23  }
0x7c: {  	[tilespmem:$0x27C0] =	vst v24  }
0x7d: {  	[tilespmem:$0x4FC0] =	vst v25  }
0x7e: {  	[tilespmem:$0x27D0] =	vst v26  }
0x7f: {  	[tilespmem:$0x4FD0] =	vst v27  }
0x80: {  	[tilespmem:$0x27E0] =	vst v28  }
0x81: {  	[tilespmem:$0x4FE0] =	vst v29  }
0x82: {  	[tilespmem:$0x27F0] =	vst v30  }
0x83: {  	s11 =	simm.s32 $0x1;
	[tilespmem:$0x4FF0] =	vst v31  }
0x84: {  	_ =	swait.ge [sflag:s11], $0x2710  }
0x85: {  	[sflag:s11] =	ssyncset.done $0x0  }
0x86: {  	[sflag:s11] =	ssyncadd.s32 $0xFFFFD8F0  }
0x87: {  	_ =	swait.ge [sflag:s11], $0x80  }
0x88: {  	s1 =	simm.s32 $0x4D;
	[sflag:s11] =	ssyncset.done $0x0  }
.LBB2_4:
0x89: {  	p0 =	sne.s32 s1, $0x1;
	s1 =	sadd.s32 $0xFFFFFFFF, s1;
	[sflag:s11] =	ssyncadd.s32 $0xFFFFFF80  }
.Ltmp1:
0x8a: {  	(pc) =	sbr.rel @p0 .LBB2_4-.Ltmp1, $3  }
0x8b: {  	_ =	sdelay $0x1  }
0x8c: {  	_ =	swait.ge [sflag:s11], $0x80  }
0x8d: {  	[sflag:s11] =	ssyncset.done $0x0  }
0x8e: {  	[sflag:s11] =	ssyncadd.s32 $0xFFFFFF80;
	s1 =	simm.s32 $0x0  }
0x8f: {  	_ =	swait.ge [sflag:s11], $0x10;
	s6 =	sand.u32 $0xFE00, s1;
	s9 =	smul.u32 $0x8889, s1  }
0x90: {  	s10 =	sand.u32 $0x70, s1;
	[sflag:s11] =	ssyncset.done $0x0;
	s6 =	sshrl.u32 s6, $0x2  }
0x91: {  	[sflag:s11] =	ssyncadd.s32 $0xFFFFFFF0;
	s19 =	sor.u32 s10, s6;
	s29 =	sshrl.u32 s9, $0x13  }
0x92: {  	s31 =	simm.s32 $0x0;
	v33 =	vld [tilespmem:s19+$0x2800];
	s6 =	smul.u32 $0xF, s29  }
0x93: {  	v35 =	vld [tilespmem:s31+$0x0]  }
0x94: {  	s6 =	ssub.s32 $0x0, s6  }
0x95: {  	s6 =	sshll.u32 s6, $0x4  }
0x96: {  	s30 =	simm.s32 $0x1;
	s6 =	sadd.s32 $0x2710, s6  }
0x97: {  	s9 =	simm.s32 $0x10;
	s4 =	sand.u32 $0xFFF0, s6;
	s6 =	simm.s32 $0x40  }
0x98: {  	s11 =	smul.u32 $0x8889, s30;
	s10 =	simm.s32 $0x2;
	vm0 =	veq.s32 v35, v33;
	s14 =	sand.u32 $0xFE00, s6;
	v34 =	vor.u32 s4, v0  }
.LBB2_6:
0x99: {  	p0 =	sne.s32 s10, $0x270;
	s15 =	sand.u32 $0x70, s9;
	s14 =	sshrl.u32 s14, $0x2;
	v33 =	vsel vm0, v34, v33  }
0x9a: {  	s11 =	sshrl.u32 s11, $0x13;
	[tilespmem:s19+$0x2800] =	vst v33;
	s19 =	sor.u32 s15, s14  }
0x9b: {  	s14 =	sshra.s32 s6, $0x2;
	v33 =	vld [tilespmem:s19+$0x2800];
	s11 =	smul.u32 $0xF, s11  }
0x9c: {  	v35 =	vld [tilespmem:s14+$0x0]  }
.Ltmp2:
0x9d: {  	s11 =	ssub.s32 s30, s11;
	s30 =	smov.u32 s10;
	(pc) =	sbr.rel @p0 .LBB2_6-.Ltmp2, $4  }
0x9e: {  	s11 =	sshll.u32 s11, $0x4  }
0x9f: {  	s11 =	sadd.s32 $0x2710, s11  }
0xa0: {  	s9 =	sadd.s32 $0x10, s9;
	s6 =	sadd.s32 $0x40, s6;
	s15 =	sand.u32 $0xFFF0, s11  }
0xa1: {  	s14 =	sand.u32 $0xFE00, s6;
	s10 =	sadd.s32 $0x1, s10;
	s11 =	smul.u32 $0x8889, s30;
	v34 =	vor.u32 s15, v0;
	vm0 =	veq.s32 v35, v33  }
0xa2: {  	s9 =	sand.u32 $0x70, s9;
	s10 =	sshrl.u32 s14, $0x2;
	v33 =	vsel vm0, v34, v33  }
0xa3: {  	s9 =	sor.u32 s9, s10;
	s21 =	sshrl.u32 s11, $0x13;
	[tilespmem:s19+$0x2800] =	vst v33  }
0xa4: {  	s6 =	sshra.s32 s6, $0x2;
	v33 =	vld [tilespmem:s9+$0x2800];
	s10 =	smul.u32 $0xF, s21  }
0xa5: {  	v63 =	vld [tilespmem:s6+$0x0]  }
0xa6: {  	s24 =	ssub.s32 s30, s10  }
0xa7: {  	s6 =	sshll.u32 s24, $0x4  }
0xa8: {  	s6 =	sadd.s32 $0x2710, s6  }
0xa9: {  	s6 =	sand.u32 $0xFFF0, s6  }
0xaa: {  	s29 =	sand.u32 $0x7F00, s1;
	vm15 =	veq.s32 v63, v33;
	v35 =	vor.u32 s6, v0  }
0xab: {  	s31 =	sshrl.u32 s29, $0x2;
	s30 =	sand.u32 $0x30, s1;
	v33 =	vsel vm15, v35, v33  }
0xac: {  	[dreg:$0x11] =	wrdreg s2;
	s6 =	simm.s32 $0x40;
	[tilespmem:s9+$0x2800] =	vst v33;
	s9 =	sor.u32 s30, s31  }
.LBB2_8:
0xad: {  	p0 =	sne.s32 s6, $0x7FC0  }
0xae: {  	[tilespmem:s9+$0x5000] =	vst v32;
	s1 =	sadd.s32 $0x10, s1;
	s9 =	smov.u32 s6;
	s6 =	sadd.s32 $0x40, s6  }
.Ltmp3:
0xaf: {  	(pc) =	sbr.rel @p0 .LBB2_8-.Ltmp3, $4  }
0xb0: {  	_ = 	snop  }
0xb1: {  	s9 =	sand.u32 $0x7F00, s9  }
0xb2: {  	s10 =	sand.u32 $0x30, s1;
	s9 =	sshrl.u32 s9, $0x2  }
0xb3: {  	s9 =	sor.u32 s10, s9  }
0xb4: {  	[tilespmem:s9+$0x5000] =	vst v32  }
0xb5: {  	[tilespmem:$0x15080] =	vst v32  }
0xb6: {  	[tilespmem:$0x15090] =	vst v32  }
0xb7: {  	[tilespmem:$0x150A0] =	vst v32  }
0xb8: {  	[tilespmem:$0x150B0] =	vst v32  }
0xb9: {  	[tilespmem:$0x150C0] =	vst v32  }
0xba: {  	[tilespmem:$0x150D0] =	vst v32  }
0xbb: {  	[tilespmem:$0x150E0] =	vst v32  }
0xbc: {  	[tilespmem:$0x150F0] =	vst v32  }
0xbd: {  	[tilespmem:$0x15100] =	vst v32  }
0xbe: {  	[tilespmem:$0x15110] =	vst v32  }
0xbf: {  	[tilespmem:$0x15120] =	vst v32  }
0xc0: {  	[tilespmem:$0x15130] =	vst v32  }
0xc1: {  	[tilespmem:$0x15140] =	vst v32  }
0xc2: {  	[tilespmem:$0x15150] =	vst v32  }
0xc3: {  	[tilespmem:$0x15160] =	vst v32  }
0xc4: {  	[tilespmem:$0x15170] =	vst v32  }
0xc5: {  	[tilespmem:$0x15180] =	vst v32  }
0xc6: {  	[tilespmem:$0x15190] =	vst v32  }
0xc7: {  	[tilespmem:$0x151A0] =	vst v32  }
0xc8: {  	[tilespmem:$0x151B0] =	vst v32  }
0xc9: {  	[tilespmem:$0x151C0] =	vst v32  }
0xca: {  	[tilespmem:$0x151D0] =	vst v32  }
0xcb: {  	[tilespmem:$0x151E0] =	vst v32  }
0xcc: {  	[tilespmem:$0x151F0] =	vst v32  }
0xcd: {  	[tilespmem:$0x15200] =	vst v32  }
0xce: {  	[tilespmem:$0x15210] =	vst v32  }
0xcf: {  	[tilespmem:$0x15220] =	vst v32  }
0xd0: {  	[tilespmem:$0x15230] =	vst v32  }
0xd1: {  	[tilespmem:$0x15240] =	vst v32  }
0xd2: {  	[tilespmem:$0x15250] =	vst v32  }
0xd3: {  	[tilespmem:$0x15260] =	vst v32  }
0xd4: {  	[tilespmem:$0x15270] =	vst v32  }
0xd5: {  	[tilespmem:$0x15280] =	vst v32  }
0xd6: {  	[tilespmem:$0x15290] =	vst v32  }
0xd7: {  	[tilespmem:$0x152A0] =	vst v32  }
0xd8: {  	[tilespmem:$0x152B0] =	vst v32  }
0xd9: {  	[tilespmem:$0x152C0] =	vst v32  }
0xda: {  	[tilespmem:$0x152D0] =	vst v32  }
0xdb: {  	[tilespmem:$0x152E0] =	vst v32  }
0xdc: {  	s1 =	rddreg [dreg:$0x6];
	s4 =	simm.s32 $0x5000;
	s6 =	simm.s32 $0x1A;
	[tilespmem:$0x152F0] =	vst v32  }
0xdd: {  	[spmem:s1] =	stream.linear.scatter [tilespmem:s4], [sflag:$0x1A], $0x2000, $0x38;
	[tilespmem:$0x1F580] =	vst v63  }
0xde: {  	_ =	swait.ge [sflag:s6], $0x2000  }
0xdf: {  	[sflag:s6] =	ssyncset.done $0x0  }
0xe0: {  	s18 =	rddreg [dreg:$0x7];
	[sflag:s6] =	ssyncadd.s32 $0xFFFFE000  }
0xe1: {  	[spmem:s18] =	stream.linear.scatter [tilespmem:s4], [sflag:$0x1A], $0x2000, $0x38;
	[tilespmem:$0x1F580] =	vst v63  }
0xe2: {  	_ =	swait.ge [sflag:s6], $0x2000  }
0xe3: {  	[sflag:s6] =	ssyncset.done $0x0  }
0xe4: {  	s19 =	rddreg [dreg:$0x8];
	[sflag:s6] =	ssyncadd.s32 $0xFFFFE000  }
0xe5: {  	[spmem:s19] =	stream.linear.scatter [tilespmem:s4], [sflag:$0x1A], $0x2000, $0x38;
	[tilespmem:$0x1F580] =	vst v63  }
0xe6: {  	_ =	swait.ge [sflag:s6], $0x2000  }
0xe7: {  	[sflag:s6] =	ssyncset.done $0x0  }
0xe8: {  	s20 =	rddreg [dreg:$0x9];
	[sflag:s6] =	ssyncadd.s32 $0xFFFFE000  }
0xe9: {  	[spmem:s20] =	stream.linear.scatter [tilespmem:s4], [sflag:$0x1A], $0x2000, $0x38;
	[tilespmem:$0x1F580] =	vst v63  }
0xea: {  	_ =	swait.ge [sflag:s6], $0x2000  }
0xeb: {  	[sflag:s6] =	ssyncset.done $0x0  }
0xec: {  	s21 =	rddreg [dreg:$0xa];
	[sflag:s6] =	ssyncadd.s32 $0xFFFFE000  }
0xed: {  	[spmem:s21] =	stream.linear.scatter [tilespmem:s4], [sflag:$0x1A], $0x2000, $0x38;
	[tilespmem:$0x1F580] =	vst v63  }
0xee: {  	_ =	swait.ge [sflag:s6], $0x2000  }
0xef: {  	[sflag:s6] =	ssyncset.done $0x0  }
0xf0: {  	s24 =	simm.s32 $0x15080;
	s2 =	rddreg [dreg:$0xb];
	[sflag:s6] =	ssyncadd.s32 $0xFFFFE000  }
0xf1: {  	[spmem:s2] =	stream.linear.scatter [tilespmem:s24], [sflag:$0x1A], $0x280, $0x38;
	[tilespmem:$0x1F580] =	vst v63  }
0xf2: {  	_ =	swait.ge [sflag:s6], $0x280  }
0xf3: {  	[sflag:s6] =	ssyncset.done $0x0  }
0xf4: {  	[sflag:s6] =	ssyncadd.s32 $0xFFFFFD80  }
0xf5: {  	s29 =	simm.s32 $0x0;
	[bflag:$0x0] =	sbarrier.arrive $0xFFFF  }
0xf6: {  	[tilespmem:s4], [sflag:$0x2] =	stream.indirect.gather [hbm4b:s5+s23], $0x40, s29, s23, $0xb8;
	[tilespmem:$0x1F580] =	vst v63  }
0xf7: {  	s31 =	simm.s32 $0x7000  }
0xf8: {  	[tilespmem:s31], [sflag:$0x3] =	stream.indirect.gather [hbm4b:s5+s23], $0x40, s23, s23, $0xb8;
	[tilespmem:$0x1F580] =	vst v63  }
0xf9: {  	s2 =	simm.s32 $0x100;
	s6 =	simm.s32 $0x9000  }
0xfa: {  	[tilespmem:s6], [sflag:$0x4] =	stream.indirect.gather [hbm4b:s5+s23], $0x40, s2, s23, $0xb8;
	[tilespmem:$0x1F580] =	vst v63  }
0xfb: {  	s8 =	simm.s32 $0x180;
	s9 =	simm.s32 $0xB000  }
0xfc: {  	[tilespmem:s9], [sflag:$0x5] =	stream.indirect.gather [hbm4b:s5+s23], $0x40, s8, s23, $0xb8;
	[tilespmem:$0x1F580] =	vst v63  }
0xfd: {  	s10 =	simm.s32 $0x200;
	s12 =	simm.s32 $0xD000  }
0xfe: {  	[tilespmem:s12], [sflag:$0x6] =	stream.indirect.gather [hbm4b:s5+s23], $0x40, s10, s23, $0xb8;
	[tilespmem:$0x1F580] =	vst v63  }
0xff: {  	s13 =	simm.s32 $0x280;
	s14 =	simm.s32 $0xF000  }
0x100: {  	[tilespmem:s14], [sflag:$0x7] =	stream.indirect.gather [hbm4b:s5+s23], $0x40, s13, s23, $0xb8;
	[tilespmem:$0x1F580] =	vst v63  }
0x101: {  	s15 =	simm.s32 $0x300;
	s18 =	simm.s32 $0x11000;
	s8 =	simm.s32 $0x2  }
0x102: {  	[tilespmem:s18], [sflag:$0x8] =	stream.indirect.gather [hbm4b:s5+s23], $0x40, s15, s23, $0xb8;
	[tilespmem:$0x1F580] =	vst v63  }
0x103: {  	_ =	swait.ge [sflag:s8], $0x2000  }
0x104: {  	[sflag:s8] =	ssyncset.done $0x0  }
0x105: {  	s19 =	simm.s32 $0x2800;
	[sflag:s8] =	ssyncadd.s32 $0xFFFFE000  }
0x106: {  	[spmem:s0] =	stream.indirect.scatter.add.f32 [tilespmem:s4], [sflag:$0xA], $0x40, s19, s23, $0xb8;
	[tilespmem:$0x1F580] =	vst v63  }
0x107: {  	_ = 	snop  }
0x108: {  	[spmem:s3] =	stream.indirect.scatter.add.f32 [tilespmem:s25], [sflag:$0x12], $0x1, s19, s23, $0xb8;
	[tilespmem:$0x1F580] =	vst v63  }
0x109: {  	s20 =	simm.s32 $0x380;
	s21 =	simm.s32 $0x13000;
	s2 =	simm.s32 $0x3  }
0x10a: {  	[tilespmem:s21], [sflag:$0x9] =	stream.indirect.gather [hbm4b:s5+s23], $0x40, s20, s23, $0xb8;
	[tilespmem:$0x1F580] =	vst v63  }
0x10b: {  	_ =	swait.ge [sflag:s2], $0x2000  }
0x10c: {  	[sflag:s2] =	ssyncset.done $0x0  }
0x10d: {  	s7 =	simm.s32 $0x7000;
	s24 =	simm.s32 $0x2880;
	[sflag:s2] =	ssyncadd.s32 $0xFFFFE000  }
0x10e: {  	[spmem:s0] =	stream.indirect.scatter.add.f32 [tilespmem:s7], [sflag:$0xB], $0x40, s24, s23, $0xb8;
	[tilespmem:$0x1F580] =	vst v63  }
0x10f: {  	s18 =	simm.s32 $0xA  }
0x110: {  	[spmem:s3] =	stream.indirect.scatter.add.f32 [tilespmem:s25], [sflag:$0x13], $0x1, s24, s23, $0xb8;
	[tilespmem:$0x1F580] =	vst v63  }
0x111: {  	_ =	swait.ge [sflag:s18], $0x2000  }
0x112: {  	[sflag:s18] =	ssyncset.done $0x0  }
0x113: {  	s13 =	simm.s32 $0x12;
	[sflag:s18] =	ssyncadd.s32 $0xFFFFE000  }
0x114: {  	_ =	swait.ge [sflag:s13], $0x80  }
0x115: {  	[sflag:s13] =	ssyncset.done $0x0  }
0x116: {  	s29 =	simm.s32 $0x400;
	s7 =	simm.s32 $0x4;
	[sflag:s13] =	ssyncadd.s32 $0xFFFFFF80  }
0x117: {  	[tilespmem:s4], [sflag:$0x2] =	stream.indirect.gather [hbm4b:s5+s23], $0x40, s29, s23, $0xb8;
	[tilespmem:$0x1F580] =	vst v63  }
0x118: {  	_ =	swait.ge [sflag:s7], $0x2000  }
0x119: {  	[sflag:s7] =	ssyncset.done $0x0  }
0x11a: {  	s11 =	simm.s32 $0x9000;
	s31 =	simm.s32 $0x2900;
	[sflag:s7] =	ssyncadd.s32 $0xFFFFE000  }
0x11b: {  	[spmem:s0] =	stream.indirect.scatter.add.f32 [tilespmem:s11], [sflag:$0xC], $0x40, s31, s23, $0xb8;
	[tilespmem:$0x1F580] =	vst v63  }
0x11c: {  	s20 =	simm.s32 $0xB  }
0x11d: {  	[spmem:s3] =	stream.indirect.scatter.add.f32 [tilespmem:s25], [sflag:$0x14], $0x1, s31, s23, $0xb8;
	[tilespmem:$0x1F580] =	vst v63  }
0x11e: {  	_ =	swait.ge [sflag:s20], $0x2000  }
0x11f: {  	[sflag:s20] =	ssyncset.done $0x0  }
0x120: {  	s21 =	simm.s32 $0x13;
	[sflag:s20] =	ssyncadd.s32 $0xFFFFE000  }
0x121: {  	_ =	swait.ge [sflag:s21], $0x80  }
0x122: {  	[sflag:s21] =	ssyncset.done $0x0  }
0x123: {  	s12 =	simm.s32 $0x7000;
	s14 =	simm.s32 $0x480;
	[sflag:s21] =	ssyncadd.s32 $0xFFFFFF80  }
0x124: {  	[tilespmem:s12], [sflag:$0x3] =	stream.indirect.gather [hbm4b:s5+s23], $0x40, s14, s23, $0xb8;
	[tilespmem:$0x1F580] =	vst v63  }
0x125: {  	_ =	swait.ge [sflag:s17], $0x2000  }
0x126: {  	[sflag:s17] =	ssyncset.done $0x0  }
0x127: {  	s9 =	simm.s32 $0xB000;
	s15 =	simm.s32 $0x2980;
	[sflag:s17] =	ssyncadd.s32 $0xFFFFE000  }
0x128: {  	[spmem:s0] =	stream.indirect.scatter.add.f32 [tilespmem:s9], [sflag:$0xD], $0x40, s15, s23, $0xb8;
	[tilespmem:$0x1F580] =	vst v63  }
0x129: {  	s24 =	simm.s32 $0xC  }
0x12a: {  	[spmem:s3] =	stream.indirect.scatter.add.f32 [tilespmem:s25], [sflag:$0x15], $0x1, s15, s23, $0xb8;
	[tilespmem:$0x1F580] =	vst v63  }
0x12b: {  	_ =	swait.ge [sflag:s24], $0x2000  }
0x12c: {  	[sflag:s24] =	ssyncset.done $0x0  }
0x12d: {  	s29 =	simm.s32 $0x14;
	[sflag:s24] =	ssyncadd.s32 $0xFFFFE000  }
0x12e: {  	_ =	swait.ge [sflag:s29], $0x80  }
0x12f: {  	[sflag:s29] =	ssyncset.done $0x0  }
0x130: {  	s11 =	simm.s32 $0x9000;
	s31 =	simm.s32 $0x500;
	[sflag:s29] =	ssyncadd.s32 $0xFFFFFF80  }
0x131: {  	[tilespmem:s11], [sflag:$0x4] =	stream.indirect.gather [hbm4b:s5+s23], $0x40, s31, s23, $0xb8;
	[tilespmem:$0x1F580] =	vst v63  }
0x132: {  	_ =	swait.ge [sflag:s26], $0x2000  }
0x133: {  	[sflag:s26] =	ssyncset.done $0x0  }
0x134: {  	s6 =	simm.s32 $0xD000;
	s11 =	simm.s32 $0x2A00;
	[sflag:s26] =	ssyncadd.s32 $0xFFFFE000  }
0x135: {  	[spmem:s0] =	stream.indirect.scatter.add.f32 [tilespmem:s6], [sflag:$0xE], $0x40, s11, s23, $0xb8;
	[tilespmem:$0x1F580] =	vst v63  }
0x136: {  	s31 =	simm.s32 $0xD  }
0x137: {  	[spmem:s3] =	stream.indirect.scatter.add.f32 [tilespmem:s25], [sflag:$0x16], $0x1, s11, s23, $0xb8;
	[tilespmem:$0x1F580] =	vst v63  }
0x138: {  	_ =	swait.ge [sflag:s31], $0x2000  }
0x139: {  	[sflag:s31] =	ssyncset.done $0x0  }
0x13a: {  	s12 =	simm.s32 $0x15;
	[sflag:s31] =	ssyncadd.s32 $0xFFFFE000  }
0x13b: {  	_ =	swait.ge [sflag:s12], $0x80  }
0x13c: {  	[sflag:s12] =	ssyncset.done $0x0  }
0x13d: {  	s19 =	simm.s32 $0xB000;
	s14 =	simm.s32 $0x580;
	[sflag:s12] =	ssyncadd.s32 $0xFFFFFF80  }
0x13e: {  	[tilespmem:s19], [sflag:$0x5] =	stream.indirect.gather [hbm4b:s5+s23], $0x40, s14, s23, $0xb8;
	[tilespmem:$0x1F580] =	vst v63  }
0x13f: {  	_ =	swait.ge [sflag:s22], $0x2000  }
0x140: {  	[sflag:s22] =	ssyncset.done $0x0  }
0x141: {  	s10 =	simm.s32 $0xF000;
	s15 =	simm.s32 $0x2A80;
	[sflag:s22] =	ssyncadd.s32 $0xFFFFE000  }
0x142: {  	[spmem:s0] =	stream.indirect.scatter.add.f32 [tilespmem:s10], [sflag:$0xF], $0x40, s15, s23, $0xb8;
	[tilespmem:$0x1F580] =	vst v63  }
0x143: {  	_ = 	snop  }
0x144: {  	[spmem:s3] =	stream.indirect.scatter.add.f32 [tilespmem:s25], [sflag:$0x17], $0x1, s15, s23, $0xb8;
	[tilespmem:$0x1F580] =	vst v63  }
0x145: {  	_ =	swait.ge [sflag:s28], $0x2000  }
0x146: {  	[sflag:s28] =	ssyncset.done $0x0  }
0x147: {  	[sflag:s28] =	ssyncadd.s32 $0xFFFFE000  }
0x148: {  	_ =	swait.ge [sflag:s16], $0x80  }
0x149: {  	[sflag:s16] =	ssyncset.done $0x0  }
0x14a: {  	s9 =	simm.s32 $0x8;
	s19 =	simm.s32 $0x600;
	[sflag:s16] =	ssyncadd.s32 $0xFFFFFF80  }
0x14b: {  	[tilespmem:s6], [sflag:$0x6] =	stream.indirect.gather [hbm4b:s5+s23], $0x40, s19, s23, $0xb8;
	[tilespmem:$0x1F580] =	vst v63  }
0x14c: {  	_ =	swait.ge [sflag:s9], $0x2000  }
0x14d: {  	[sflag:s9] =	ssyncset.done $0x0  }
0x14e: {  	s11 =	simm.s32 $0x2B00;
	s12 =	simm.s32 $0x11000;
	[sflag:s9] =	ssyncadd.s32 $0xFFFFE000  }
0x14f: {  	[spmem:s0] =	stream.indirect.scatter.add.f32 [tilespmem:s12], [sflag:$0x10], $0x40, s11, s23, $0xb8;
	[tilespmem:$0x1F580] =	vst v63  }
0x150: {  	s14 =	simm.s32 $0xF  }
0x151: {  	[spmem:s3] =	stream.indirect.scatter.add.f32 [tilespmem:s25], [sflag:$0x18], $0x1, s11, s23, $0xb8;
	[tilespmem:$0x1F580] =	vst v63  }
0x152: {  	_ =	swait.ge [sflag:s14], $0x2000  }
0x153: {  	[sflag:s14] =	ssyncset.done $0x0  }
0x154: {  	s9 =	simm.s32 $0x17;
	[sflag:s14] =	ssyncadd.s32 $0xFFFFE000  }
0x155: {  	_ =	swait.ge [sflag:s9], $0x80  }
0x156: {  	[sflag:s9] =	ssyncset.done $0x0  }
0x157: {  	s30 =	simm.s32 $0x9;
	s15 =	simm.s32 $0x680;
	[sflag:s9] =	ssyncadd.s32 $0xFFFFFF80  }
0x158: {  	[tilespmem:s10], [sflag:$0x7] =	stream.indirect.gather [hbm4b:s5+s23], $0x40, s15, s23, $0xb8;
	[tilespmem:$0x1F580] =	vst v63  }
0x159: {  	_ =	swait.ge [sflag:s30], $0x2000  }
0x15a: {  	[sflag:s30] =	ssyncset.done $0x0  }
0x15b: {  	s19 =	simm.s32 $0x2B80;
	s6 =	simm.s32 $0x13000;
	[sflag:s30] =	ssyncadd.s32 $0xFFFFE000  }
0x15c: {  	[spmem:s0] =	stream.indirect.scatter.add.f32 [tilespmem:s6], [sflag:$0x11], $0x40, s19, s23, $0xb8;
	[tilespmem:$0x1F580] =	vst v63  }
0x15d: {  	_ = 	snop  }
0x15e: {  	[spmem:s3] =	stream.indirect.scatter.add.f32 [tilespmem:s25], [sflag:$0x19], $0x1, s19, s23, $0xb8;
	[tilespmem:$0x1F580] =	vst v63  }
0x15f: {  	s19 =	simm.s32 $0x10  }
0x160: {  	_ =	swait.ge [sflag:s19], $0x2000  }
0x161: {  	[sflag:s19] =	ssyncset.done $0x0  }
0x162: {  	s15 =	simm.s32 $0x18;
	[sflag:s19] =	ssyncadd.s32 $0xFFFFE000  }
0x163: {  	_ =	swait.ge [sflag:s15], $0x80  }
0x164: {  	[sflag:s15] =	ssyncset.done $0x0  }
0x165: {  	s10 =	simm.s32 $0x700;
	[sflag:s15] =	ssyncadd.s32 $0xFFFFFF80  }
0x166: {  	[tilespmem:s12], [sflag:$0x8] =	stream.indirect.gather [hbm4b:s5+s23], $0x40, s10, s23, $0xb8;
	[tilespmem:$0x1F580] =	vst v63  }
0x167: {  	_ =	swait.ge [sflag:s8], $0x2000  }
0x168: {  	[sflag:s8] =	ssyncset.done $0x0  }
0x169: {  	s11 =	simm.s32 $0x2C00;
	[sflag:s8] =	ssyncadd.s32 $0xFFFFE000  }
0x16a: {  	[spmem:s0] =	stream.indirect.scatter.add.f32 [tilespmem:s4], [sflag:$0xA], $0x40, s11, s23, $0xb8;
	[tilespmem:$0x1F580] =	vst v63  }
0x16b: {  	_ = 	snop  }
0x16c: {  	[spmem:s3] =	stream.indirect.scatter.add.f32 [tilespmem:s25], [sflag:$0x12], $0x1, s11, s23, $0xb8;
	[tilespmem:$0x1F580] =	vst v63  }
0x16d: {  	s11 =	simm.s32 $0x11  }
0x16e: {  	_ =	swait.ge [sflag:s11], $0x2000  }
0x16f: {  	[sflag:s11] =	ssyncset.done $0x0  }
0x170: {  	s10 =	simm.s32 $0x19;
	[sflag:s11] =	ssyncadd.s32 $0xFFFFE000  }
0x171: {  	_ =	swait.ge [sflag:s10], $0x80  }
0x172: {  	[sflag:s10] =	ssyncset.done $0x0  }
0x173: {  	s12 =	simm.s32 $0x780;
	[sflag:s10] =	ssyncadd.s32 $0xFFFFFF80  }
0x174: {  	[tilespmem:s6], [sflag:$0x9] =	stream.indirect.gather [hbm4b:s5+s23], $0x40, s12, s23, $0xb8;
	[tilespmem:$0x1F580] =	vst v63  }
0x175: {  	_ =	swait.ge [sflag:s2], $0x2000  }
0x176: {  	[sflag:s2] =	ssyncset.done $0x0  }
0x177: {  	s6 =	simm.s32 $0x2C80;
	s12 =	simm.s32 $0x7000;
	[sflag:s2] =	ssyncadd.s32 $0xFFFFE000  }
0x178: {  	[spmem:s0] =	stream.indirect.scatter.add.f32 [tilespmem:s12], [sflag:$0xB], $0x40, s6, s23, $0xb8;
	[tilespmem:$0x1F580] =	vst v63  }
0x179: {  	_ = 	snop  }
0x17a: {  	[spmem:s3] =	stream.indirect.scatter.add.f32 [tilespmem:s25], [sflag:$0x13], $0x1, s6, s23, $0xb8;
	[tilespmem:$0x1F580] =	vst v63  }
0x17b: {  	_ =	swait.ge [sflag:s18], $0x2000  }
0x17c: {  	[sflag:s18] =	ssyncset.done $0x0  }
0x17d: {  	[sflag:s18] =	ssyncadd.s32 $0xFFFFE000  }
0x17e: {  	_ =	swait.ge [sflag:s13], $0x80  }
0x17f: {  	[sflag:s13] =	ssyncset.done $0x0  }
0x180: {  	[sflag:s13] =	ssyncadd.s32 $0xFFFFFF80;
	s13 =	simm.s32 $0x800  }
0x181: {  	[tilespmem:s4], [sflag:$0x2] =	stream.indirect.gather [hbm4b:s5+s23], $0x40, s13, s23, $0xb8;
	[tilespmem:$0x1F580] =	vst v63  }
0x182: {  	_ =	swait.ge [sflag:s7], $0x2000  }
0x183: {  	[sflag:s7] =	ssyncset.done $0x0  }
0x184: {  	s6 =	simm.s32 $0x9000;
	s18 =	simm.s32 $0x2D00;
	[sflag:s7] =	ssyncadd.s32 $0xFFFFE000  }
0x185: {  	[spmem:s0] =	stream.indirect.scatter.add.f32 [tilespmem:s6], [sflag:$0xC], $0x40, s18, s23, $0xb8;
	[tilespmem:$0x1F580] =	vst v63  }
0x186: {  	_ = 	snop  }
0x187: {  	[spmem:s3] =	stream.indirect.scatter.add.f32 [tilespmem:s25], [sflag:$0x14], $0x1, s18, s23, $0xb8;
	[tilespmem:$0x1F580] =	vst v63  }
0x188: {  	_ =	swait.ge [sflag:s20], $0x2000  }
0x189: {  	[sflag:s20] =	ssyncset.done $0x0  }
0x18a: {  	[sflag:s20] =	ssyncadd.s32 $0xFFFFE000  }
0x18b: {  	_ =	swait.ge [sflag:s21], $0x80  }
0x18c: {  	[sflag:s21] =	ssyncset.done $0x0  }
0x18d: {  	s4 =	simm.s32 $0x880;
	[sflag:s21] =	ssyncadd.s32 $0xFFFFFF80  }
0x18e: {  	[tilespmem:s12], [sflag:$0x3] =	stream.indirect.gather [hbm4b:s5+s23], $0x40, s4, s23, $0xb8;
	[tilespmem:$0x1F580] =	vst v63  }
0x18f: {  	_ =	swait.ge [sflag:s17], $0x2000  }
0x190: {  	[sflag:s17] =	ssyncset.done $0x0  }
0x191: {  	s13 =	simm.s32 $0x2D80;
	s18 =	simm.s32 $0xB000;
	[sflag:s17] =	ssyncadd.s32 $0xFFFFE000  }
0x192: {  	[spmem:s0] =	stream.indirect.scatter.add.f32 [tilespmem:s18], [sflag:$0xD], $0x40, s13, s23, $0xb8;
	[tilespmem:$0x1F580] =	vst v63  }
0x193: {  	_ = 	snop  }
0x194: {  	[spmem:s3] =	stream.indirect.scatter.add.f32 [tilespmem:s25], [sflag:$0x15], $0x1, s13, s23, $0xb8;
	[tilespmem:$0x1F580] =	vst v63  }
0x195: {  	_ =	swait.ge [sflag:s24], $0x2000  }
0x196: {  	[sflag:s24] =	ssyncset.done $0x0  }
0x197: {  	[sflag:s24] =	ssyncadd.s32 $0xFFFFE000  }
0x198: {  	_ =	swait.ge [sflag:s29], $0x80  }
0x199: {  	[sflag:s29] =	ssyncset.done $0x0  }
0x19a: {  	s20 =	simm.s32 $0x900;
	[sflag:s29] =	ssyncadd.s32 $0xFFFFFF80  }
0x19b: {  	[tilespmem:s6], [sflag:$0x4] =	stream.indirect.gather [hbm4b:s5+s23], $0x40, s20, s23, $0xb8;
	[tilespmem:$0x1F580] =	vst v63  }
0x19c: {  	_ =	swait.ge [sflag:s26], $0x2000  }
0x19d: {  	[sflag:s26] =	ssyncset.done $0x0  }
0x19e: {  	s21 =	simm.s32 $0x2E00;
	s24 =	simm.s32 $0xD000;
	[sflag:s26] =	ssyncadd.s32 $0xFFFFE000  }
0x19f: {  	[spmem:s0] =	stream.indirect.scatter.add.f32 [tilespmem:s24], [sflag:$0xE], $0x40, s21, s23, $0xb8;
	[tilespmem:$0x1F580] =	vst v63  }
0x1a0: {  	_ = 	snop  }
0x1a1: {  	[spmem:s3] =	stream.indirect.scatter.add.f32 [tilespmem:s25], [sflag:$0x16], $0x1, s21, s23, $0xb8;
	[tilespmem:$0x1F580] =	vst v63  }
0x1a2: {  	_ =	swait.ge [sflag:s31], $0x2000  }
0x1a3: {  	[sflag:s31] =	ssyncset.done $0x0  }
0x1a4: {  	s29 =	simm.s32 $0x15;
	[sflag:s31] =	ssyncadd.s32 $0xFFFFE000  }
0x1a5: {  	_ =	swait.ge [sflag:s29], $0x80  }
0x1a6: {  	[sflag:s29] =	ssyncset.done $0x0  }
0x1a7: {  	s31 =	simm.s32 $0x980;
	[sflag:s29] =	ssyncadd.s32 $0xFFFFFF80  }
0x1a8: {  	[tilespmem:s18], [sflag:$0x5] =	stream.indirect.gather [hbm4b:s5+s23], $0x40, s31, s23, $0xb8;
	[tilespmem:$0x1F580] =	vst v63  }
0x1a9: {  	_ =	swait.ge [sflag:s22], $0x2000  }
0x1aa: {  	[sflag:s22] =	ssyncset.done $0x0  }
0x1ab: {  	s12 =	simm.s32 $0x2E80;
	s13 =	simm.s32 $0xF000;
	[sflag:s22] =	ssyncadd.s32 $0xFFFFE000  }
0x1ac: {  	[spmem:s0] =	stream.indirect.scatter.add.f32 [tilespmem:s13], [sflag:$0xF], $0x40, s12, s23, $0xb8;
	[tilespmem:$0x1F580] =	vst v63  }
0x1ad: {  	_ = 	snop  }
0x1ae: {  	[spmem:s3] =	stream.indirect.scatter.add.f32 [tilespmem:s25], [sflag:$0x17], $0x1, s12, s23, $0xb8;
	[tilespmem:$0x1F580] =	vst v63  }
0x1af: {  	_ =	swait.ge [sflag:s28], $0x2000  }
0x1b0: {  	[sflag:s28] =	ssyncset.done $0x0  }
0x1b1: {  	[sflag:s28] =	ssyncadd.s32 $0xFFFFE000  }
0x1b2: {  	_ =	swait.ge [sflag:s16], $0x80  }
0x1b3: {  	[sflag:s16] =	ssyncset.done $0x0  }
0x1b4: {  	s20 =	simm.s32 $0x8;
	s18 =	simm.s32 $0xA00;
	[sflag:s16] =	ssyncadd.s32 $0xFFFFFF80  }
0x1b5: {  	[tilespmem:s24], [sflag:$0x6] =	stream.indirect.gather [hbm4b:s5+s23], $0x40, s18, s23, $0xb8;
	[tilespmem:$0x1F580] =	vst v63  }
0x1b6: {  	_ =	swait.ge [sflag:s20], $0x2000  }
0x1b7: {  	[sflag:s20] =	ssyncset.done $0x0  }
0x1b8: {  	s21 =	simm.s32 $0x2F00;
	s24 =	simm.s32 $0x11000;
	[sflag:s20] =	ssyncadd.s32 $0xFFFFE000  }
0x1b9: {  	[spmem:s0] =	stream.indirect.scatter.add.f32 [tilespmem:s24], [sflag:$0x10], $0x40, s21, s23, $0xb8;
	[tilespmem:$0x1F580] =	vst v63  }
0x1ba: {  	_ = 	snop  }
0x1bb: {  	[spmem:s3] =	stream.indirect.scatter.add.f32 [tilespmem:s25], [sflag:$0x18], $0x1, s21, s23, $0xb8;
	[tilespmem:$0x1F580] =	vst v63  }
0x1bc: {  	_ =	swait.ge [sflag:s14], $0x2000  }
0x1bd: {  	[sflag:s14] =	ssyncset.done $0x0  }
0x1be: {  	[sflag:s14] =	ssyncadd.s32 $0xFFFFE000  }
0x1bf: {  	_ =	swait.ge [sflag:s9], $0x80  }
0x1c0: {  	[sflag:s9] =	ssyncset.done $0x0  }
0x1c1: {  	s29 =	simm.s32 $0xA80;
	[sflag:s9] =	ssyncadd.s32 $0xFFFFFF80  }
0x1c2: {  	[tilespmem:s13], [sflag:$0x7] =	stream.indirect.gather [hbm4b:s5+s23], $0x40, s29, s23, $0xb8;
	[tilespmem:$0x1F580] =	vst v63  }
0x1c3: {  	_ =	swait.ge [sflag:s30], $0x2000  }
0x1c4: {  	s1 =	simm.s32 $0x1000;
	[sflag:s30] =	ssyncset.done $0x0  }
0x1c5: {  	s6 =	simm.s32 $0x2F80;
	s31 =	simm.s32 $0x13000;
	[sflag:s30] =	ssyncadd.s32 $0xFFFFE000  }
0x1c6: {  	[spmem:s0] =	stream.indirect.scatter.add.f32 [tilespmem:s31], [sflag:$0x11], $0x40, s6, s23, $0xb8;
	[tilespmem:$0x1F580] =	vst v63  }
.LBB2_10:
0x1c7: {  	[spmem:s3] =	stream.indirect.scatter.add.f32 [tilespmem:s25], [sflag:$0x19], $0x1, s6, s23, $0xb8;
	[tilespmem:$0x1F580] =	vst v63  }
0x1c8: {  	s6 =	smov.u32 s1  }
0x1c9: {  	p0 =	sne.s32 s1, $0x7000;
	s1 =	sadd.s32 $0x1000, s1;
	_ =	swait.ge [sflag:s19], $0x2000  }
0x1ca: {  	[sflag:s19] =	ssyncset.done $0x0  }
0x1cb: {  	[sflag:s19] =	ssyncadd.s32 $0xFFFFE000  }
0x1cc: {  	_ =	swait.ge [sflag:s15], $0x80  }
0x1cd: {  	s19 =	sshra.s32 s6, $0x2;
	[sflag:s15] =	ssyncset.done $0x0  }
0x1ce: {  	s12 =	simm.s32 $0x11000;
	s6 =	sadd.s32 $0x700, s19;
	[sflag:s15] =	ssyncadd.s32 $0xFFFFFF80  }
0x1cf: {  	[tilespmem:s12], [sflag:$0x8] =	stream.indirect.gather [hbm4b:s5+s23], $0x40, s6, s23, $0xb8;
	[tilespmem:$0x1F580] =	vst v63  }
0x1d0: {  	_ =	swait.ge [sflag:s8], $0x2000  }
0x1d1: {  	[sflag:s8] =	ssyncset.done $0x0  }
0x1d2: {  	s13 =	simm.s32 $0x5000;
	s6 =	sadd.s32 $0x2C00, s19;
	[sflag:s8] =	ssyncadd.s32 $0xFFFFE000  }
0x1d3: {  	[spmem:s0] =	stream.indirect.scatter.add.f32 [tilespmem:s13], [sflag:$0xA], $0x40, s6, s23, $0xb8;
	[tilespmem:$0x1F580] =	vst v63  }
0x1d4: {  	_ = 	snop  }
0x1d5: {  	[spmem:s3] =	stream.indirect.scatter.add.f32 [tilespmem:s25], [sflag:$0x12], $0x1, s6, s23, $0xb8;
	[tilespmem:$0x1F580] =	vst v63  }
0x1d6: {  	_ =	swait.ge [sflag:s11], $0x2000  }
0x1d7: {  	[sflag:s11] =	ssyncset.done $0x0  }
0x1d8: {  	[sflag:s11] =	ssyncadd.s32 $0xFFFFE000  }
0x1d9: {  	_ =	swait.ge [sflag:s10], $0x80  }
0x1da: {  	[sflag:s10] =	ssyncset.done $0x0  }
0x1db: {  	s18 =	simm.s32 $0x13000;
	s6 =	sadd.s32 $0x780, s19;
	[sflag:s10] =	ssyncadd.s32 $0xFFFFFF80  }
0x1dc: {  	[tilespmem:s18], [sflag:$0x9] =	stream.indirect.gather [hbm4b:s5+s23], $0x40, s6, s23, $0xb8;
	[tilespmem:$0x1F580] =	vst v63  }
0x1dd: {  	_ =	swait.ge [sflag:s2], $0x2000  }
0x1de: {  	[sflag:s2] =	ssyncset.done $0x0  }
0x1df: {  	s21 =	simm.s32 $0x7000;
	s6 =	sadd.s32 $0x2C80, s19;
	[sflag:s2] =	ssyncadd.s32 $0xFFFFE000  }
0x1e0: {  	[spmem:s0] =	stream.indirect.scatter.add.f32 [tilespmem:s21], [sflag:$0xB], $0x40, s6, s23, $0xb8;
	[tilespmem:$0x1F580] =	vst v63  }
0x1e1: {  	_ = 	snop  }
0x1e2: {  	[spmem:s3] =	stream.indirect.scatter.add.f32 [tilespmem:s25], [sflag:$0x13], $0x1, s6, s23, $0xb8;
	[tilespmem:$0x1F580] =	vst v63  }
0x1e3: {  	s6 =	simm.s32 $0xA  }
0x1e4: {  	_ =	swait.ge [sflag:s6], $0x2000  }
0x1e5: {  	[sflag:s6] =	ssyncset.done $0x0  }
0x1e6: {  	[sflag:s6] =	ssyncadd.s32 $0xFFFFE000;
	s6 =	simm.s32 $0x12  }
0x1e7: {  	_ =	swait.ge [sflag:s6], $0x80  }
0x1e8: {  	[sflag:s6] =	ssyncset.done $0x0  }
0x1e9: {  	s4 =	simm.s32 $0x5000;
	[sflag:s6] =	ssyncadd.s32 $0xFFFFFF80;
	s6 =	sadd.s32 $0x800, s19  }
0x1ea: {  	[tilespmem:s13], [sflag:$0x2] =	stream.indirect.gather [hbm4b:s5+s23], $0x40, s6, s23, $0xb8;
	[tilespmem:$0x1F580] =	vst v63  }
0x1eb: {  	_ =	swait.ge [sflag:s7], $0x2000  }
0x1ec: {  	[sflag:s7] =	ssyncset.done $0x0  }
0x1ed: {  	s20 =	simm.s32 $0x9000;
	s6 =	sadd.s32 $0x2D00, s19;
	[sflag:s7] =	ssyncadd.s32 $0xFFFFE000  }
0x1ee: {  	[spmem:s0] =	stream.indirect.scatter.add.f32 [tilespmem:s20], [sflag:$0xC], $0x40, s6, s23, $0xb8;
	[tilespmem:$0x1F580] =	vst v63  }
0x1ef: {  	_ = 	snop  }
0x1f0: {  	[spmem:s3] =	stream.indirect.scatter.add.f32 [tilespmem:s25], [sflag:$0x14], $0x1, s6, s23, $0xb8;
	[tilespmem:$0x1F580] =	vst v63  }
0x1f1: {  	s6 =	simm.s32 $0xB  }
0x1f2: {  	_ =	swait.ge [sflag:s6], $0x2000  }
0x1f3: {  	[sflag:s6] =	ssyncset.done $0x0  }
0x1f4: {  	[sflag:s6] =	ssyncadd.s32 $0xFFFFE000;
	s6 =	simm.s32 $0x13  }
0x1f5: {  	_ =	swait.ge [sflag:s6], $0x80  }
0x1f6: {  	[sflag:s6] =	ssyncset.done $0x0  }
0x1f7: {  	s31 =	simm.s32 $0x7000;
	[sflag:s6] =	ssyncadd.s32 $0xFFFFFF80;
	s6 =	sadd.s32 $0x880, s19  }
0x1f8: {  	[tilespmem:s21], [sflag:$0x3] =	stream.indirect.gather [hbm4b:s5+s23], $0x40, s6, s23, $0xb8;
	[tilespmem:$0x1F580] =	vst v63  }
0x1f9: {  	_ =	swait.ge [sflag:s17], $0x2000  }
0x1fa: {  	[sflag:s17] =	ssyncset.done $0x0  }
0x1fb: {  	s13 =	simm.s32 $0xB000;
	s6 =	sadd.s32 $0x2D80, s19;
	[sflag:s17] =	ssyncadd.s32 $0xFFFFE000  }
0x1fc: {  	[spmem:s0] =	stream.indirect.scatter.add.f32 [tilespmem:s13], [sflag:$0xD], $0x40, s6, s23, $0xb8;
	[tilespmem:$0x1F580] =	vst v63  }
0x1fd: {  	_ = 	snop  }
0x1fe: {  	[spmem:s3] =	stream.indirect.scatter.add.f32 [tilespmem:s25], [sflag:$0x15], $0x1, s6, s23, $0xb8;
	[tilespmem:$0x1F580] =	vst v63  }
0x1ff: {  	s6 =	simm.s32 $0xC  }
0x200: {  	_ =	swait.ge [sflag:s6], $0x2000  }
0x201: {  	[sflag:s6] =	ssyncset.done $0x0  }
0x202: {  	[sflag:s6] =	ssyncadd.s32 $0xFFFFE000;
	s6 =	simm.s32 $0x14  }
0x203: {  	_ =	swait.ge [sflag:s6], $0x80  }
0x204: {  	[sflag:s6] =	ssyncset.done $0x0  }
0x205: {  	s29 =	simm.s32 $0x9000;
	[sflag:s6] =	ssyncadd.s32 $0xFFFFFF80;
	s6 =	sadd.s32 $0x900, s19  }
0x206: {  	[tilespmem:s20], [sflag:$0x4] =	stream.indirect.gather [hbm4b:s5+s23], $0x40, s6, s23, $0xb8;
	[tilespmem:$0x1F580] =	vst v63  }
0x207: {  	_ =	swait.ge [sflag:s26], $0x2000  }
0x208: {  	[sflag:s26] =	ssyncset.done $0x0  }
0x209: {  	s6 =	sadd.s32 $0x2E00, s19;
	s20 =	simm.s32 $0xD000;
	[sflag:s26] =	ssyncadd.s32 $0xFFFFE000  }
0x20a: {  	[spmem:s0] =	stream.indirect.scatter.add.f32 [tilespmem:s20], [sflag:$0xE], $0x40, s6, s23, $0xb8;
	[tilespmem:$0x1F580] =	vst v63  }
0x20b: {  	_ = 	snop  }
0x20c: {  	[spmem:s3] =	stream.indirect.scatter.add.f32 [tilespmem:s25], [sflag:$0x16], $0x1, s6, s23, $0xb8;
	[tilespmem:$0x1F580] =	vst v63  }
0x20d: {  	s6 =	simm.s32 $0xD  }
0x20e: {  	_ =	swait.ge [sflag:s6], $0x2000  }
0x20f: {  	[sflag:s6] =	ssyncset.done $0x0  }
0x210: {  	[sflag:s6] =	ssyncadd.s32 $0xFFFFE000;
	s6 =	simm.s32 $0x15  }
0x211: {  	_ =	swait.ge [sflag:s6], $0x80  }
0x212: {  	[sflag:s6] =	ssyncset.done $0x0  }
0x213: {  	s24 =	simm.s32 $0xB000;
	[sflag:s6] =	ssyncadd.s32 $0xFFFFFF80;
	s6 =	sadd.s32 $0x980, s19  }
0x214: {  	[tilespmem:s13], [sflag:$0x5] =	stream.indirect.gather [hbm4b:s5+s23], $0x40, s6, s23, $0xb8;
	[tilespmem:$0x1F580] =	vst v63  }
0x215: {  	_ =	swait.ge [sflag:s22], $0x2000  }
0x216: {  	[sflag:s22] =	ssyncset.done $0x0  }
0x217: {  	s6 =	sadd.s32 $0x2E80, s19;
	s13 =	simm.s32 $0xF000;
	[sflag:s22] =	ssyncadd.s32 $0xFFFFE000  }
0x218: {  	[spmem:s0] =	stream.indirect.scatter.add.f32 [tilespmem:s13], [sflag:$0xF], $0x40, s6, s23, $0xb8;
	[tilespmem:$0x1F580] =	vst v63  }
0x219: {  	_ = 	snop  }
0x21a: {  	[spmem:s3] =	stream.indirect.scatter.add.f32 [tilespmem:s25], [sflag:$0x17], $0x1, s6, s23, $0xb8;
	[tilespmem:$0x1F580] =	vst v63  }
0x21b: {  	_ =	swait.ge [sflag:s28], $0x2000  }
0x21c: {  	[sflag:s28] =	ssyncset.done $0x0  }
0x21d: {  	[sflag:s28] =	ssyncadd.s32 $0xFFFFE000  }
0x21e: {  	_ =	swait.ge [sflag:s16], $0x80  }
0x21f: {  	[sflag:s16] =	ssyncset.done $0x0  }
0x220: {  	s6 =	sadd.s32 $0xA00, s19;
	[sflag:s16] =	ssyncadd.s32 $0xFFFFFF80  }
0x221: {  	[tilespmem:s20], [sflag:$0x6] =	stream.indirect.gather [hbm4b:s5+s23], $0x40, s6, s23, $0xb8;
	[tilespmem:$0x1F580] =	vst v63  }
0x222: {  	s21 =	simm.s32 $0xD000;
	s6 =	simm.s32 $0x8  }
0x223: {  	_ =	swait.ge [sflag:s6], $0x2000  }
0x224: {  	[sflag:s6] =	ssyncset.done $0x0  }
0x225: {  	[sflag:s6] =	ssyncadd.s32 $0xFFFFE000;
	s6 =	sadd.s32 $0x2F00, s19  }
0x226: {  	[spmem:s0] =	stream.indirect.scatter.add.f32 [tilespmem:s12], [sflag:$0x10], $0x40, s6, s23, $0xb8;
	[tilespmem:$0x1F580] =	vst v63  }
0x227: {  	_ = 	snop  }
0x228: {  	[spmem:s3] =	stream.indirect.scatter.add.f32 [tilespmem:s25], [sflag:$0x18], $0x1, s6, s23, $0xb8;
	[tilespmem:$0x1F580] =	vst v63  }
0x229: {  	_ =	swait.ge [sflag:s14], $0x2000  }
0x22a: {  	[sflag:s14] =	ssyncset.done $0x0  }
0x22b: {  	[sflag:s14] =	ssyncadd.s32 $0xFFFFE000  }
0x22c: {  	_ =	swait.ge [sflag:s9], $0x80  }
0x22d: {  	[sflag:s9] =	ssyncset.done $0x0  }
0x22e: {  	s6 =	sadd.s32 $0xA80, s19;
	[sflag:s9] =	ssyncadd.s32 $0xFFFFFF80  }
0x22f: {  	[tilespmem:s13], [sflag:$0x7] =	stream.indirect.gather [hbm4b:s5+s23], $0x40, s6, s23, $0xb8;
	[tilespmem:$0x1F580] =	vst v63  }
.Ltmp4:
0x230: {  	s12 =	simm.s32 $0xF000;
	(pc) =	sbr.rel @p0 .LBB2_10-.Ltmp4, $4  }
0x231: {  	_ =	swait.ge [sflag:s30], $0x2000  }
0x232: {  	[sflag:s30] =	ssyncset.done $0x0  }
0x233: {  	s6 =	sadd.s32 $0x2F80, s19;
	s19 =	simm.s32 $0x10;
	[sflag:s30] =	ssyncadd.s32 $0xFFFFE000  }
0x234: {  	[spmem:s0] =	stream.indirect.scatter.add.f32 [tilespmem:s18], [sflag:$0x11], $0x40, s6, s23, $0xb8;
	[tilespmem:$0x1F580] =	vst v63  }
0x235: {  	[spmem:s3] =	stream.indirect.scatter.add.f32 [tilespmem:s25], [sflag:$0x19], $0x1, s6, s23, $0xb8;
	[tilespmem:$0x1F580] =	vst v63  }
0x236: {  	_ =	swait.ge [sflag:s19], $0x2000  }
0x237: {  	[sflag:s19] =	ssyncset.done $0x0  }
0x238: {  	[sflag:s19] =	ssyncadd.s32 $0xFFFFE000  }
0x239: {  	_ =	swait.ge [sflag:s15], $0x80  }
0x23a: {  	[sflag:s15] =	ssyncset.done $0x0  }
0x23b: {  	s1 =	simm.s32 $0x2700;
	s6 =	simm.s32 $0x11000;
	[sflag:s15] =	ssyncadd.s32 $0xFFFFFF80  }
0x23c: {  	[tilespmem:s6], [sflag:$0x8] =	stream.indirect.gather [hbm4b:s5+s23], $0x40, s1, s23, $0xb8;
	[tilespmem:$0x1F580] =	vst v63  }
0x23d: {  	_ =	swait.ge [sflag:s8], $0x2000  }
0x23e: {  	[sflag:s8] =	ssyncset.done $0x0  }
0x23f: {  	s18 =	simm.s32 $0x4C00;
	[sflag:s8] =	ssyncadd.s32 $0xFFFFE000  }
0x240: {  	[spmem:s0] =	stream.indirect.scatter.add.f32 [tilespmem:s4], [sflag:$0xA], $0x40, s18, s23, $0xb8;
	[tilespmem:$0x1F580] =	vst v63  }
0x241: {  	_ = 	snop  }
0x242: {  	[spmem:s3] =	stream.indirect.scatter.add.f32 [tilespmem:s25], [sflag:$0x12], $0x1, s18, s23, $0xb8;
	[tilespmem:$0x1F580] =	vst v63  }
0x243: {  	_ =	swait.ge [sflag:s11], $0x2000  }
0x244: {  	[sflag:s11] =	ssyncset.done $0x0  }
0x245: {  	[sflag:s11] =	ssyncadd.s32 $0xFFFFE000  }
0x246: {  	_ =	swait.ge [sflag:s10], $0x80  }
0x247: {  	[sflag:s10] =	ssyncset.done $0x0  }
0x248: {  	s20 =	simm.s32 $0x2780;
	s8 =	simm.s32 $0x13000;
	[sflag:s10] =	ssyncadd.s32 $0xFFFFFF80  }
0x249: {  	[tilespmem:s8], [sflag:$0x9] =	stream.indirect.gather [hbm4b:s5+s23], $0x40, s20, s23, $0xb8;
	[tilespmem:$0x1F580] =	vst v63  }
0x24a: {  	_ =	swait.ge [sflag:s2], $0x2000  }
0x24b: {  	[sflag:s2] =	ssyncset.done $0x0  }
0x24c: {  	[sflag:s2] =	ssyncadd.s32 $0xFFFFE000;
	s2 =	simm.s32 $0x4C80  }
0x24d: {  	[spmem:s0] =	stream.indirect.scatter.add.f32 [tilespmem:s31], [sflag:$0xB], $0x40, s2, s23, $0xb8;
	[tilespmem:$0x1F580] =	vst v63  }
0x24e: {  	_ = 	snop  }
0x24f: {  	[spmem:s3] =	stream.indirect.scatter.add.f32 [tilespmem:s25], [sflag:$0x13], $0x1, s2, s23, $0xb8;
	[tilespmem:$0x1F580] =	vst v63  }
0x250: {  	_ =	swait.ge [sflag:s7], $0x2000  }
0x251: {  	[sflag:s7] =	ssyncset.done $0x0  }
0x252: {  	s4 =	simm.s32 $0x4D00;
	[sflag:s7] =	ssyncadd.s32 $0xFFFFE000  }
0x253: {  	[spmem:s0] =	stream.indirect.scatter.add.f32 [tilespmem:s29], [sflag:$0xC], $0x40, s4, s23, $0xb8;
	[tilespmem:$0x1F580] =	vst v63  }
0x254: {  	_ = 	snop  }
0x255: {  	[spmem:s3] =	stream.indirect.scatter.add.f32 [tilespmem:s25], [sflag:$0x14], $0x1, s4, s23, $0xb8;
	[tilespmem:$0x1F580] =	vst v63  }
0x256: {  	_ =	swait.ge [sflag:s17], $0x2000  }
0x257: {  	[sflag:s17] =	ssyncset.done $0x0  }
0x258: {  	s7 =	simm.s32 $0x4D80;
	[sflag:s17] =	ssyncadd.s32 $0xFFFFE000  }
0x259: {  	[spmem:s0] =	stream.indirect.scatter.add.f32 [tilespmem:s24], [sflag:$0xD], $0x40, s7, s23, $0xb8;
	[tilespmem:$0x1F580] =	vst v63  }
0x25a: {  	_ = 	snop  }
0x25b: {  	[spmem:s3] =	stream.indirect.scatter.add.f32 [tilespmem:s25], [sflag:$0x15], $0x1, s7, s23, $0xb8;
	[tilespmem:$0x1F580] =	vst v63  }
0x25c: {  	_ =	swait.ge [sflag:s26], $0x2000  }
0x25d: {  	[sflag:s26] =	ssyncset.done $0x0  }
0x25e: {  	s13 =	simm.s32 $0x4E00;
	[sflag:s26] =	ssyncadd.s32 $0xFFFFE000  }
0x25f: {  	[spmem:s0] =	stream.indirect.scatter.add.f32 [tilespmem:s21], [sflag:$0xE], $0x40, s13, s23, $0xb8;
	[tilespmem:$0x1F580] =	vst v63  }
0x260: {  	_ = 	snop  }
0x261: {  	[spmem:s3] =	stream.indirect.scatter.add.f32 [tilespmem:s25], [sflag:$0x16], $0x1, s13, s23, $0xb8;
	[tilespmem:$0x1F580] =	vst v63  }
0x262: {  	_ =	swait.ge [sflag:s22], $0x2000  }
0x263: {  	[sflag:s22] =	ssyncset.done $0x0  }
0x264: {  	s18 =	simm.s32 $0x4E80;
	[sflag:s22] =	ssyncadd.s32 $0xFFFFE000  }
0x265: {  	[spmem:s0] =	stream.indirect.scatter.add.f32 [tilespmem:s12], [sflag:$0xF], $0x40, s18, s23, $0xb8;
	[tilespmem:$0x1F580] =	vst v63  }
0x266: {  	s2 =	simm.s32 $0x8  }
0x267: {  	[spmem:s3] =	stream.indirect.scatter.add.f32 [tilespmem:s25], [sflag:$0x17], $0x1, s18, s23, $0xb8;
	[tilespmem:$0x1F580] =	vst v63  }
0x268: {  	_ =	swait.ge [sflag:s2], $0x2000  }
0x269: {  	[sflag:s2] =	ssyncset.done $0x0  }
0x26a: {  	s7 =	simm.s32 $0x4F00;
	[sflag:s2] =	ssyncadd.s32 $0xFFFFE000  }
0x26b: {  	[spmem:s0] =	stream.indirect.scatter.add.f32 [tilespmem:s6], [sflag:$0x10], $0x40, s7, s23, $0xb8;
	[tilespmem:$0x1F580] =	vst v63  }
0x26c: {  	_ = 	snop  }
0x26d: {  	[spmem:s3] =	stream.indirect.scatter.add.f32 [tilespmem:s25], [sflag:$0x18], $0x1, s7, s23, $0xb8;
	[tilespmem:$0x1F580] =	vst v63  }
0x26e: {  	_ =	swait.ge [sflag:s30], $0x2000  }
0x26f: {  	[sflag:s30] =	ssyncset.done $0x0  }
0x270: {  	s20 =	simm.s32 $0x4F80;
	[sflag:s30] =	ssyncadd.s32 $0xFFFFE000  }
0x271: {  	[spmem:s0] =	stream.indirect.scatter.add.f32 [tilespmem:s8], [sflag:$0x11], $0x40, s20, s23, $0xb8;
	[tilespmem:$0x1F580] =	vst v63  }
0x272: {  	s21 =	simm.s32 $0xA  }
0x273: {  	[spmem:s3] =	stream.indirect.scatter.add.f32 [tilespmem:s25], [sflag:$0x19], $0x1, s20, s23, $0xb8;
	[tilespmem:$0x1F580] =	vst v63  }
0x274: {  	_ =	swait.ge [sflag:s21], $0x2000  }
0x275: {  	[sflag:s21] =	ssyncset.done $0x0  }
0x276: {  	s24 =	simm.s32 $0x12;
	[sflag:s21] =	ssyncadd.s32 $0xFFFFE000  }
0x277: {  	_ =	swait.ge [sflag:s24], $0x80  }
0x278: {  	[sflag:s24] =	ssyncset.done $0x0  }
0x279: {  	s29 =	simm.s32 $0xB;
	[sflag:s24] =	ssyncadd.s32 $0xFFFFFF80  }
0x27a: {  	_ =	swait.ge [sflag:s29], $0x2000  }
0x27b: {  	[sflag:s29] =	ssyncset.done $0x0  }
0x27c: {  	s30 =	simm.s32 $0x13;
	[sflag:s29] =	ssyncadd.s32 $0xFFFFE000  }
0x27d: {  	_ =	swait.ge [sflag:s30], $0x80  }
0x27e: {  	[sflag:s30] =	ssyncset.done $0x0  }
0x27f: {  	s31 =	simm.s32 $0xC;
	[sflag:s30] =	ssyncadd.s32 $0xFFFFFF80  }
0x280: {  	_ =	swait.ge [sflag:s31], $0x2000  }
0x281: {  	[sflag:s31] =	ssyncset.done $0x0  }
0x282: {  	s4 =	simm.s32 $0x14;
	[sflag:s31] =	ssyncadd.s32 $0xFFFFE000  }
0x283: {  	_ =	swait.ge [sflag:s4], $0x80  }
0x284: {  	[sflag:s4] =	ssyncset.done $0x0  }
0x285: {  	s6 =	simm.s32 $0xD;
	[sflag:s4] =	ssyncadd.s32 $0xFFFFFF80  }
0x286: {  	_ =	swait.ge [sflag:s6], $0x2000  }
0x287: {  	[sflag:s6] =	ssyncset.done $0x0  }
0x288: {  	s8 =	simm.s32 $0x15;
	[sflag:s6] =	ssyncadd.s32 $0xFFFFE000  }
0x289: {  	_ =	swait.ge [sflag:s8], $0x80  }
0x28a: {  	[sflag:s8] =	ssyncset.done $0x0  }
0x28b: {  	[sflag:s8] =	ssyncadd.s32 $0xFFFFFF80  }
0x28c: {  	_ =	swait.ge [sflag:s28], $0x2000  }
0x28d: {  	[sflag:s28] =	ssyncset.done $0x0  }
0x28e: {  	[sflag:s28] =	ssyncadd.s32 $0xFFFFE000  }
0x28f: {  	_ =	swait.ge [sflag:s16], $0x80  }
0x290: {  	[sflag:s16] =	ssyncset.done $0x0  }
0x291: {  	[sflag:s16] =	ssyncadd.s32 $0xFFFFFF80  }
0x292: {  	_ =	swait.ge [sflag:s14], $0x2000  }
0x293: {  	[sflag:s14] =	ssyncset.done $0x0  }
0x294: {  	[sflag:s14] =	ssyncadd.s32 $0xFFFFE000  }
0x295: {  	_ =	swait.ge [sflag:s9], $0x80  }
0x296: {  	[sflag:s9] =	ssyncset.done $0x0  }
0x297: {  	[sflag:s9] =	ssyncadd.s32 $0xFFFFFF80  }
0x298: {  	_ =	swait.ge [sflag:s19], $0x2000  }
0x299: {  	[sflag:s19] =	ssyncset.done $0x0  }
0x29a: {  	[sflag:s19] =	ssyncadd.s32 $0xFFFFE000  }
0x29b: {  	_ =	swait.ge [sflag:s15], $0x80  }
0x29c: {  	[sflag:s15] =	ssyncset.done $0x0  }
0x29d: {  	[sflag:s15] =	ssyncadd.s32 $0xFFFFFF80  }
0x29e: {  	_ =	swait.ge [sflag:s11], $0x2000  }
0x29f: {  	[sflag:s11] =	ssyncset.done $0x0  }
0x2a0: {  	[sflag:s11] =	ssyncadd.s32 $0xFFFFE000  }
0x2a1: {  	_ =	swait.ge [sflag:s10], $0x80  }
0x2a2: {  	[sflag:s10] =	ssyncset.done $0x0  }
0x2a3: {  	s12 =	stileid.u32;
	[sflag:s10] =	ssyncadd.s32 $0xFFFFFF80  }
0x2a4: {  	s1 =	sshll.u32 s12, $0x6;
	[bflag:$0x0] =	sbarrier.arrive $0xFFFF  }
0x2a5: {  	s1 =	sor.u32 $0x1C1A, s1;
	s18 =	simm.s32 $0x1;
	s13 =	rddreg [dreg:$0x6]  }
0x2a6: {  	s20 =	simm.s32 $0x1A;
	s15 =	rddreg [dreg:$0xc];
	s14 =	sshrl.u32 s13, $0x3  }
0x2a7: {  	[hbm:s15@s19], [sflag:s1] =	dma.strided [spmem:s14@s2], $0x1400, s18, $0x8   }
0x2a8: {  	_ =	swait.ge [sflag:s20], $0x1400  }
0x2a9: {  	[sflag:s20] =	ssyncset.done $0x0;
	s21 =	rddreg [dreg:$0xb]  }
0x2aa: {  	s29 =	rddreg [dreg:$0xd];
	[sflag:s20] =	ssyncadd.s32 $0xFFFFEC00;
	s24 =	sshrl.u32 s21, $0x3  }
0x2ab: {  	[hbm:s29], [sflag:s1] =	dma.local [spmem:s24], $0x50  }
0x2ac: {  	_ =	swait.ge [sflag:s20], $0x50  }
0x2ad: {  	s30 =	rddreg [dreg:$0x11]  }
0x2ae: {  	s31 =	rddreg [dreg:$0xe];
	s2 =	sadd.s32 $0x1, s30  }
0x2af: {  	p0 =	sne.s32 s2, s31  }
.Ltmp5:
0x2b0: {  	_ = 	snop;
	(pc) =	sbr.rel @p0 .LBB2_1-.Ltmp5, $3  }
0x2b1: {  	_ =	sdelay $0x1  }
0x2b2: {  	[sflag:s20] =	ssyncset.done $0x0  }
0x2b3: {  	s14 =	simm.s32 $0x0;
	s19 =	rddreg [dreg:$0x10];
	[sflag:s20] =	ssyncadd.s32 $0xFFFFFFB0  }
0x2b4: {  	_ =	sfence.sel $0x180000  }
0x2b5: {  	[bflag:$0x0] =	sbarrier.arrive $0xFFFF  }
0x2b6: {  	_ =	strace $0x90000047  }
0x2b7: {  	s0 =	stileid.u32;
	[bflag:$0x2] =	sbarrier.arrive $0xFFFF  }
0x2b8: {  	p0 =	sne.s32 s0, $0x0;
	s0 =	rddreg [dreg:$0x4]  }
0x2b9: {  	s0 =	sadd.s32 @!p0 $0x100000, s0  }
0x2ba: {  	[sflag:s0] =	ssyncadd.tile.s32 @!p0 $0x1;
	_ =	shalt  }
.Lfunc_end2:
_tile_overlayer_lowered:
.L_overlay_start_2:
0x2bb: {  	(tag) =	ssettag $0x2  }
0x2bc: {  	s0 =	rddreg [dreg:$0x0];
	s2 =	stileid.u32  }
0x2bd: {  	s1 =	rddreg [dreg:$0x1];
	p0 =	sne.s32 s2, $0x0  }
0x2be: {  	s3 =	rddreg [dreg:$0x2];
	[bflag:$0x3] =	sbarrier.arrive $0xFFFF;
	s2 =	simm.s32 @!p0 $0x1C1A  }
0x2bf: {  	[timem:s3], [sflag:s2] =	dma.local @!p0 [hbm:s0], s1  }
0x2c0: {  	s0 =	simm.s32 @!p0 $0x1A  }
0x2c1: {  	_ =	swait.ge @!p0 [sflag:s0], s1  }
0x2c2: {  	s1 =	ssub.s32 @!p0 $0x0, s1;
	[sflag:s0] =	ssyncset.done @!p0 $0x0  }
0x2c3: {  	[sflag:s0] =	ssyncadd.s32 @!p0 s1  }
0x2c4: {  	[bflag:$0x3] =	sbarrier.arrive $0xFFFF  }
0x2c5: {  	_ =	shalt  }

</sc_bundles>
